<compile_context>
chip_gen: v7x
topology: tpu7x:2x2x1
jax: 0.10.2.dev20260603
libtpu: 0.0.44.dev20260713+nightly
codegen_flags: <defaults>
</compile_context>

<pallas_src>
import functools

import jax
import jax.numpy as jnp
from jax import lax
from jax.experimental import pallas as pl
from jax.experimental.pallas import tpu as pltpu
from jax.experimental.pallas import tpu_sc as plsc

N = 144242
D = 128
E = 600000

R = 9216
NB = 16
N_PAD = R * NB
ROWS_PER_TILE = R // 16

CHUNK = 512
E_PAD = 606208
NCHUNK = E_PAD // 16 // CHUNK
K = 8192
F = 128

TC_BLK = 512
TC_GRID = N_PAD // TC_BLK
TC_LAST = (N + TC_BLK - 1) // TC_BLK - 1


def _tc_body(emb_ref, w1_ref, w2_ref, b1_ref, b2_ref, y_ref, base_ref):
    e = emb_ref[...]
    a = lax.dot_general(e, w1_ref[...], (((1,), (1,)), ((), ())),
                        precision=lax.Precision.HIGHEST,
                        preferred_element_type=jnp.float32)
    b = lax.dot_general(e * e, w2_ref[...], (((1,), (1,)), ((), ())),
                        precision=lax.Precision.HIGHEST,
                        preferred_element_type=jnp.float32)
    y_ref[...] = a + b
    base_ref[...] = a + (b1_ref[...] + b2_ref[...])


def _tc_dense(embed, W1, W2, b1, b2):
    return pl.pallas_call(
        _tc_body,
        grid=(TC_GRID,),
        in_specs=[
            pl.BlockSpec((TC_BLK, D), lambda i: (jnp.minimum(i, TC_LAST), 0)),
            pl.BlockSpec((D, D), lambda i: (0, 0)),
            pl.BlockSpec((D, D), lambda i: (0, 0)),
            pl.BlockSpec((1, D), lambda i: (0, 0)),
            pl.BlockSpec((1, D), lambda i: (0, 0)),
        ],
        out_specs=[
            pl.BlockSpec((TC_BLK, D), lambda i: (i, 0)),
            pl.BlockSpec((TC_BLK, D), lambda i: (i, 0)),
        ],
        out_shape=[
            jax.ShapeDtypeStruct((N_PAD, D), jnp.float32),
            jax.ShapeDtypeStruct((N_PAD, D), jnp.float32),
        ],
    )(embed, W1, W2, b1, b2)


def _sc_spmm_body(ed_h, y_h, base_h, out_h,
                  eb_a, eb_b, st_r, st_c, st_w,
                  ridx, cidx, rowsv, acc, sem_a, sem_b):
    cid = lax.axis_index("c")
    sid = lax.axis_index("s")
    zero16i = jnp.zeros((16,), jnp.int32)
    zero16f = jnp.zeros((16,), jnp.float32)

    def init_body(t, _):
        st_r[pl.ds(16 * t, 16)] = zero16i
        st_c[pl.ds(16 * t, 16)] = zero16i
        return 0
    lax.fori_loop(0, (K + 16) // 16, init_body, 0)

    def init_w(t, _):
        st_w[pl.ds(16 * t, 16)] = zero16f
        return 0
    lax.fori_loop(0, (K + 2 * F) // 16, init_w, 0)

    def flush(cnt):
        def ztail(t, _):
            st_w[pl.ds(cnt + 16 * t, 16)] = zero16f
            return 0
        lax.fori_loop(0, F // 16, ztail, 0)
        nsub = (cnt + F - 1) // F

        def sub(s, _):
            off = s * F

            def cp(t, _):
                cidx[pl.ds(16 * t, 16)] = st_c[pl.ds(off + 16 * t, 16)]
                ridx[pl.ds(16 * t, 16)] = st_r[pl.ds(off + 16 * t, 16)]
                return 0
            lax.fori_loop(0, F // 16, cp, 0)
            pltpu.sync_copy(y_h.at[cidx], rowsv)

            def scale(i, _):
                wsp = plsc.load_gather(
                    st_w, [jnp.full((16,), off + i, jnp.int32)])
                for dd in range(8):
                    sl = pl.ds(16 * dd, 16)
                    rowsv[i, sl] = rowsv[i, sl] * wsp
                return 0
            lax.fori_loop(0, F, scale, 0, unroll=4)
            pltpu.sync_copy(rowsv, acc.at[ridx], add=True)
            return 0
        lax.fori_loop(0, nsub, sub, 0)
        return 0

    def block_body(ib, _):
        b = 2 * ib + cid
        _do_block(b * R)
        return 0

    cb = sid * NCHUNK

    def _do_block(lo):
        pltpu.sync_copy(base_h.at[pl.ds(lo + sid * ROWS_PER_TILE, ROWS_PER_TILE)],
                        acc.at[pl.ds(sid * ROWS_PER_TILE, ROWS_PER_TILE)])
        plsc.subcore_barrier()

        def process(eb, cnt):
            def j_body(j, cnt):
                sl = pl.ds(16 * j, 16)
                r16 = eb[0, sl]
                m = (r16 >= lo) & (r16 < lo + R)
                cs = plsc.cumsum(m.astype(jnp.int32))
                tgt = cnt + cs - 1
                plsc.store_scatter(st_r, [tgt], r16 - lo, mask=m)
                plsc.store_scatter(st_c, [tgt], eb[1, sl], mask=m)
                plsc.store_scatter(st_w, [tgt],
                                   plsc.bitcast(eb[2, sl], jnp.float32), mask=m)
                return cnt + cs[15]
            cnt = lax.fori_loop(0, CHUNK // 16, j_body, cnt)
            return lax.cond(cnt > K - CHUNK, flush, lambda c: c, cnt)

        pltpu.async_copy(ed_h.at[cb], eb_a, sem_a)

        def pair_body(p, cnt):
            ci = 2 * p
            pltpu.async_copy(ed_h.at[cb + ci + 1], eb_b, sem_b)
            pltpu.make_async_copy(ed_h.at[cb + ci], eb_a, sem_a).wait()
            cnt = process(eb_a, cnt)
            nxt = jnp.minimum(ci + 2, NCHUNK - 2)
            pltpu.async_copy(ed_h.at[cb + nxt], eb_a, sem_a)
            pltpu.make_async_copy(ed_h.at[cb + ci + 1], eb_b, sem_b).wait()
            return process(eb_b, cnt)

        cnt = lax.fori_loop(0, NCHUNK // 2, pair_body, 0)
        pltpu.make_async_copy(ed_h.at[cb + NCHUNK - 2], eb_a, sem_a).wait()
        lax.cond(cnt > 0, flush, lambda c: c, cnt)
        plsc.subcore_barrier()

        pltpu.sync_copy(acc.at[pl.ds(sid * ROWS_PER_TILE, ROWS_PER_TILE)],
                        out_h.at[pl.ds(lo + sid * ROWS_PER_TILE, ROWS_PER_TILE)])
        return 0

    lax.fori_loop(0, NB // 2, block_body, 0)


_sc_spmm = functools.partial(
    pl.kernel,
    out_type=jax.ShapeDtypeStruct((N_PAD, D), jnp.float32),
    mesh=plsc.VectorSubcoreMesh(core_axis_name="c", subcore_axis_name="s"),
    compiler_params=pltpu.CompilerParams(needs_layout_passes=False),
    scratch_types=[
        pltpu.VMEM((3, CHUNK), jnp.int32),
        pltpu.VMEM((3, CHUNK), jnp.int32),
        pltpu.VMEM((K + 16,), jnp.int32),
        pltpu.VMEM((K + 16,), jnp.int32),
        pltpu.VMEM((K + 2 * F,), jnp.float32),
        pltpu.VMEM((F,), jnp.int32),
        pltpu.VMEM((F,), jnp.int32),
        pltpu.VMEM((F, D), jnp.float32),
        pltpu.VMEM_SHARED((R, D), jnp.float32),
        pltpu.SemaphoreType.DMA,
        pltpu.SemaphoreType.DMA,
    ],
)(_sc_spmm_body)


def kernel(embed, edge_index, edge_weight, W1, b1, W2, b2):
    pad = E_PAD - E
    rows_p = jnp.concatenate([edge_index[0], jnp.zeros((pad,), jnp.int32)])
    cols_p = jnp.concatenate([edge_index[1], jnp.zeros((pad,), jnp.int32)])
    w_p = jnp.concatenate([
        lax.bitcast_convert_type(edge_weight, jnp.int32),
        jnp.zeros((pad,), jnp.int32)])
    ed = jnp.stack([rows_p.reshape(-1, CHUNK),
                    cols_p.reshape(-1, CHUNK),
                    w_p.reshape(-1, CHUNK)], axis=1)
    y, base = _tc_dense(embed, W1, W2,
                        b1.reshape(1, D), b2.reshape(1, D))
    out_pad = _sc_spmm(ed, y, base)
    return out_pad[:N, :]

# --- scband reference (transcript-rebuilt; emitter-appended) ---
"""Pipeline reference for scband-gnnlayer-30502857736676 (READ-ONLY COPY).

The authoritative reference and input builder live on the scoring server;
editing this copy changes nothing except your own understanding.
"""

import jax, jax.numpy as jnp
import numpy as np

N_NODES = 144242  # 52643 users + 91599 items
N_EDGES = 600000  # nnz of normalized Laplacian L (avg degree ~4, realistic sparse recsys graph)
D = 128


def setup_inputs(seed: int = 0) -> dict:
    key = jax.random.key(seed)
    ks = jax.random.split(key, 8)
    embed = jax.random.normal(ks[0], (N_NODES, D), dtype=jnp.float32)
    # sparse normalized adjacency L = D^-1/2 A D^-1/2 in COO form (row, col, val)
    edge_index = jax.random.randint(ks[1], (2, N_EDGES), 0, N_NODES, dtype=jnp.int32)
    edge_weight = jax.random.uniform(ks[2], (N_EDGES,), dtype=jnp.float32) * 0.05
    # nn.Linear params, weights init with std=0.01 per the module
    W1 = 0.01 * jax.random.normal(ks[3], (D, D), dtype=jnp.float32)
    b1 = jax.random.uniform(ks[4], (D,), dtype=jnp.float32, minval=-1.0, maxval=1.0) / np.sqrt(D)
    W2 = 0.01 * jax.random.normal(ks[5], (D, D), dtype=jnp.float32)
    b2 = jax.random.uniform(ks[6], (D,), dtype=jnp.float32, minval=-1.0, maxval=1.0) / np.sqrt(D)
    return {"embed": embed, "edge_index": edge_index, "edge_weight": edge_weight,
            "W1": W1, "b1": b1, "W2": W2, "b2": b2}


def _spmm(edge_index, edge_weight, x, n):
    # sparse COO matmul: out[row] += val * x[col]  (gather + scatter-add)
    row = edge_index[0]
    col = edge_index[1]
    msgs = jnp.take(x, col, axis=0) * edge_weight[:, None]
    return jax.ops.segment_sum(msgs, row, num_segments=n)


def reference(embed, edge_index, edge_weight, W1, b1, W2, b2):
    n = embed.shape[0]
    embed2 = embed * embed  # torch.mul(embed, embed)
    # L1 = L + I, so torch.sparse.mm(L1, embed) == spmm(L, embed) + embed
    agg1 = _spmm(edge_index, edge_weight, embed, n) + embed
    # L2 = L
    agg2 = _spmm(edge_index, edge_weight, embed2, n)
    inter_part1 = agg1 @ W1.T + b1
    inter_part2 = agg2 @ W2.T + b2
    return inter_part1 + inter_part2

if __name__ == "__main__":
    import jax
    _d = setup_inputs()
    print(jax.jit(kernel)(*tuple(_d.values())))

</pallas_src>

<mosaic_0001>
#map = affine_map<(d0, d1) -> (0, 0, 0)>
#map1 = affine_map<(d0, d1) -> (0, 0)>
module attributes {stable_mosaic.version = 14 : i64} {
  func.func @_sc_spmm_body(%arg0: i32, %arg1: i32, %arg2: memref<1184x3x512xi32, #tpu.memory_space<hbm>>, %arg3: memref<147456x128xf32, #tpu.memory_space<hbm>>, %arg4: memref<147456x128xf32, #tpu.memory_space<hbm>>, %arg5: memref<147456x128xf32, #tpu.memory_space<hbm>>, %arg6: memref<3x512xi32, #tpu.memory_space<vmem>>, %arg7: memref<3x512xi32, #tpu.memory_space<vmem>>, %arg8: memref<8208xi32, #tpu.memory_space<vmem>>, %arg9: memref<8208xi32, #tpu.memory_space<vmem>>, %arg10: memref<8448xf32, #tpu.memory_space<vmem>>, %arg11: memref<128xi32, #tpu.memory_space<vmem>>, %arg12: memref<128xi32, #tpu.memory_space<vmem>>, %arg13: memref<128x128xf32, #tpu.memory_space<vmem>>, %arg14: memref<9216x128xf32, #tpu.memory_space<vmem_shared>>, %arg15: memref<!tpu.dma_semaphore, #tpu.memory_space<semaphore_mem>>, %arg16: memref<!tpu.dma_semaphore, #tpu.memory_space<semaphore_mem>>) attributes {dimension_semantics = [#tpu.dimension_semantics<core_parallel>, #tpu.dimension_semantics<subcore_parallel>], iteration_bounds = array<i64: 2, 16>, scalar_prefetch = 0 : i64, scratch_operands = 11 : i64, tpu.core_type = #tpu.core_type<sc_vector_subcore>, window_params = [{transform_indices = #map}, {transform_indices = #map1}, {transform_indices = #map1}, {transform_indices = #map1}]} {
    %broadcast_in_dim3A = arith.constant 0 : i32
    %broadcast_in_dim3A_0 = vector.broadcast %broadcast_in_dim3A : i32 to vector<16xi32>
    %broadcast_in_dim3A_1 = arith.constant 0.000000e+00 : f32
    %broadcast_in_dim3A_2 = vector.broadcast %broadcast_in_dim3A_1 : f32 to vector<16xf32>
    %scan3A = arith.constant 0 : i32
    %scan3A_3 = arith.constant 0 : i32
    %scan3A_4 = arith.constant 513 : i32
    %scan3A_5 = arith.addi %scan3A_3, %scan3A_4 : i32
    %scan3A_6 = arith.constant 1 : i32
    %scan3A_7 = scf.for %scan3A_24 = %scan3A_3 to %scan3A_5 step %scan3A_6 iter_args(%scan3A_25 = %scan3A) -> (i32)  : i32 {
      %mul3A_26 = arith.constant 16 : i32
      %mul3A_27 = arith.muli %mul3A_26, %scan3A_24 : i32
      %swap3A = arith.index_cast %mul3A_27 : i32 to index
      %swap3A_28 = tpu.vector_load %arg8[%swap3A] {strides = array<i32>} : memref<8208xi32, #tpu.memory_space<vmem>>, vector<16xi32>,
      tpu.vector_store %arg8[%swap3A], %broadcast_in_dim3A_0 {strides = array<i32>} : memref<8208xi32, #tpu.memory_space<vmem>>, vector<16xi32>,
      %mul3A_29 = arith.constant 16 : i32
      %mul3A_30 = arith.muli %mul3A_29, %scan3A_24 : i32
      %swap3A_31 = arith.index_cast %mul3A_30 : i32 to index
      %swap3A_32 = tpu.vector_load %arg9[%swap3A_31] {strides = array<i32>} : memref<8208xi32, #tpu.memory_space<vmem>>, vector<16xi32>,
      tpu.vector_store %arg9[%swap3A_31], %broadcast_in_dim3A_0 {strides = array<i32>} : memref<8208xi32, #tpu.memory_space<vmem>>, vector<16xi32>,
      %scan3A_33 = arith.constant 0 : i32
      scf.yield %scan3A_33 : i32
    }
    %scan3A_8 = arith.constant 513 : i32
    %scan3A_9 = arith.constant 0 : i32
    %scan3A_10 = arith.constant 0 : i32
    %scan3A_11 = arith.constant 528 : i32
    %scan3A_12 = arith.addi %scan3A_10, %scan3A_11 : i32
    %scan3A_13 = arith.constant 1 : i32
    %scan3A_14 = scf.for %scan3A_24 = %scan3A_10 to %scan3A_12 step %scan3A_13 iter_args(%scan3A_25 = %scan3A_9) -> (i32)  : i32 {
      %mul3A_26 = arith.constant 16 : i32
      %mul3A_27 = arith.muli %mul3A_26, %scan3A_24 : i32
      %swap3A = arith.index_cast %mul3A_27 : i32 to index
      %swap3A_28 = tpu.vector_load %arg10[%swap3A] {strides = array<i32>} : memref<8448xf32, #tpu.memory_space<vmem>>, vector<16xf32>,
      tpu.vector_store %arg10[%swap3A], %broadcast_in_dim3A_2 {strides = array<i32>} : memref<8448xf32, #tpu.memory_space<vmem>>, vector<16xf32>,
      %scan3A_29 = arith.constant 0 : i32
      scf.yield %scan3A_29 : i32
    }
    %scan3A_15 = arith.constant 528 : i32
    %mul3A = arith.constant 74 : i32
    %mul3A_16 = arith.muli %arg1, %mul3A : i32
    %scan3A_17 = arith.constant 0 : i32
    %scan3A_18 = arith.constant 0 : i32
    %scan3A_19 = arith.constant 8 : i32
    %scan3A_20 = arith.addi %scan3A_18, %scan3A_19 : i32
    %scan3A_21 = arith.constant 1 : i32
    %scan3A_22 = scf.for %scan3A_24 = %scan3A_18 to %scan3A_20 step %scan3A_21 iter_args(%scan3A_25 = %scan3A_17) -> (i32)  : i32 {
      %mul3A_26 = arith.constant 2 : i32
      %mul3A_27 = arith.muli %mul3A_26, %scan3A_24 : i32
      %add3A = arith.addi %mul3A_27, %arg0 : i32
      %mul3A_28 = arith.constant 9216 : i32
      %mul3A_29 = arith.muli %add3A, %mul3A_28 : i32
      %mul3A_30 = arith.constant 576 : i32
      %mul3A_31 = arith.muli %arg1, %mul3A_30 : i32
      %add3A_32 = arith.addi %mul3A_29, %mul3A_31 : i32
      %mul3A_33 = arith.constant 576 : i32
      %mul3A_34 = arith.muli %arg1, %mul3A_33 : i32
      "tpu.region"() ({
        %run_scoped3A = tpu.sem_alloc : memref<!tpu.dma_semaphore, #tpu.memory_space<semaphore_mem>>
        %dma_start3A_69 = arith.constant 0 : i32
        %dma_start3A_70 = tpu.memref_slice %arg14[%mul3A_34, %dma_start3A_69] : memref<9216x128xf32, #tpu.memory_space<vmem_shared>> -> memref<576x128xf32, #tpu.memory_space<vmem_shared>>
        %dma_start3A_71 = arith.constant 0 : i32
        %dma_start3A_72 = tpu.memref_slice %arg4[%add3A_32, %dma_start3A_71] : memref<147456x128xf32, #tpu.memory_space<hbm>> -> memref<576x128xf32, #tpu.memory_space<hbm>>
        tpu.enqueue_dma source(%dma_start3A_72 : memref<576x128xf32, #tpu.memory_space<hbm>>) target(%dma_start3A_70 : memref<576x128xf32, #tpu.memory_space<vmem_shared>>) target_semaphore(%run_scoped3A : memref<!tpu.dma_semaphore, #tpu.memory_space<semaphore_mem>>)
        %dma_wait3A_73 = arith.constant 0 : i32
        %dma_wait3A_74 = tpu.memref_slice %arg14[%mul3A_34, %dma_wait3A_73] : memref<9216x128xf32, #tpu.memory_space<vmem_shared>> -> memref<576x128xf32, #tpu.memory_space<vmem_shared>>
        %dma_wait3A_75 = arith.constant 0 : i32
        %dma_wait3A_76 = tpu.memref_slice %arg4[%add3A_32, %dma_wait3A_75] : memref<147456x128xf32, #tpu.memory_space<hbm>> -> memref<576x128xf32, #tpu.memory_space<hbm>>
        tpu.wait_dma2 semaphore(%run_scoped3A : memref<!tpu.dma_semaphore, #tpu.memory_space<semaphore_mem>>) src(%dma_wait3A_76 : memref<576x128xf32, #tpu.memory_space<hbm>>) dst(%dma_wait3A_74 : memref<576x128xf32, #tpu.memory_space<vmem_shared>>)
        tpu.yield
      }) : () -> ()
      %barrier3A = arith.constant 0 : index
      tpu.barrier barrier_id(%barrier3A)
      %dma_start3A = arith.constant 0 : i32
      %dma_start3A_35 = arith.constant 0 : i32
      %dma_start3A_36 = tpu.memref_slice %arg2[%mul3A_16, %dma_start3A, %dma_start3A_35] : memref<1184x3x512xi32, #tpu.memory_space<hbm>> -> memref<1x3x512xi32, #tpu.memory_space<hbm>>
      %dma_start3A_37 = tpu.memref_squeeze %dma_start3A_36 : memref<1x3x512xi32, #tpu.memory_space<hbm>> -> memref<3x512xi32, #tpu.memory_space<hbm>>
      %dma_start3A_38 = arith.constant 0 : i32
      %dma_start3A_39 = arith.constant 0 : i32
      %dma_start3A_40 = tpu.memref_slice %arg2[%mul3A_16, %dma_start3A_38, %dma_start3A_39] : memref<1184x3x512xi32, #tpu.memory_space<hbm>> -> memref<1x3x512xi32, #tpu.memory_space<hbm>>
      %dma_start3A_41 = tpu.memref_squeeze %dma_start3A_40 : memref<1x3x512xi32, #tpu.memory_space<hbm>> -> memref<3x512xi32, #tpu.memory_space<hbm>>
      tpu.enqueue_dma source(%dma_start3A_41 : memref<3x512xi32, #tpu.memory_space<hbm>>) target(%arg6 : memref<3x512xi32, #tpu.memory_space<vmem>>) target_semaphore(%arg15 : memref<!tpu.dma_semaphore, #tpu.memory_space<semaphore_mem>>)
      %scan3A_42 = arith.constant 0 : i32
      %scan3A_43 = arith.constant 0 : i32
      %scan3A_44 = arith.constant 37 : i32
      %scan3A_45 = arith.addi %scan3A_43, %scan3A_44 : i32
      %scan3A_46 = arith.constant 1 : i32
      %scan3A_47 = scf.for %scan3A_69 = %scan3A_43 to %scan3A_45 step %scan3A_46 iter_args(%scan3A_70 = %scan3A_42) -> (i32)  : i32 {
        %mul3A_71 = arith.constant 2 : i32
        %mul3A_72 = arith.muli %mul3A_71, %scan3A_69 : i32
        %add3A_73 = arith.addi %mul3A_16, %mul3A_72 : i32
        %add3A_74 = arith.constant 1 : i32
        %add3A_75 = arith.addi %add3A_73, %add3A_74 : i32
        %dma_start3A_76 = arith.constant 0 : i32
        %dma_start3A_77 = arith.constant 0 : i32
        %dma_start3A_78 = tpu.memref_slice %arg2[%add3A_75, %dma_start3A_76, %dma_start3A_77] : memref<1184x3x512xi32, #tpu.memory_space<hbm>> -> memref<1x3x512xi32, #tpu.memory_space<hbm>>
        %dma_start3A_79 = tpu.memref_squeeze %dma_start3A_78 : memref<1x3x512xi32, #tpu.memory_space<hbm>> -> memref<3x512xi32, #tpu.memory_space<hbm>>
        %dma_start3A_80 = arith.constant 0 : i32
        %dma_start3A_81 = arith.constant 0 : i32
        %dma_start3A_82 = tpu.memref_slice %arg2[%add3A_75, %dma_start3A_80, %dma_start3A_81] : memref<1184x3x512xi32, #tpu.memory_space<hbm>> -> memref<1x3x512xi32, #tpu.memory_space<hbm>>
        %dma_start3A_83 = tpu.memref_squeeze %dma_start3A_82 : memref<1x3x512xi32, #tpu.memory_space<hbm>> -> memref<3x512xi32, #tpu.memory_space<hbm>>
        tpu.enqueue_dma source(%dma_start3A_83 : memref<3x512xi32, #tpu.memory_space<hbm>>) target(%arg7 : memref<3x512xi32, #tpu.memory_space<vmem>>) target_semaphore(%arg16 : memref<!tpu.dma_semaphore, #tpu.memory_space<semaphore_mem>>)
        %add3A_84 = arith.addi %mul3A_16, %mul3A_72 : i32
        %dma_wait3A_85 = arith.constant 0 : i32
        %dma_wait3A_86 = arith.constant 0 : i32
        %dma_wait3A_87 = tpu.memref_slice %arg2[%add3A_84, %dma_wait3A_85, %dma_wait3A_86] : memref<1184x3x512xi32, #tpu.memory_space<hbm>> -> memref<1x3x512xi32, #tpu.memory_space<hbm>>
        %dma_wait3A_88 = tpu.memref_squeeze %dma_wait3A_87 : memref<1x3x512xi32, #tpu.memory_space<hbm>> -> memref<3x512xi32, #tpu.memory_space<hbm>>
        %dma_wait3A_89 = arith.constant 0 : i32
        %dma_wait3A_90 = arith.constant 0 : i32
        %dma_wait3A_91 = tpu.memref_slice %arg2[%add3A_84, %dma_wait3A_89, %dma_wait3A_90] : memref<1184x3x512xi32, #tpu.memory_space<hbm>> -> memref<1x3x512xi32, #tpu.memory_space<hbm>>
        %dma_wait3A_92 = tpu.memref_squeeze %dma_wait3A_91 : memref<1x3x512xi32, #tpu.memory_space<hbm>> -> memref<3x512xi32, #tpu.memory_space<hbm>>
        tpu.wait_dma2 semaphore(%arg15 : memref<!tpu.dma_semaphore, #tpu.memory_space<semaphore_mem>>) src(%dma_wait3A_92 : memref<3x512xi32, #tpu.memory_space<hbm>>) dst(%arg6 : memref<3x512xi32, #tpu.memory_space<vmem>>)
        %scan3A_93 = arith.constant 0 : i32
        %scan3A_94 = arith.constant 32 : i32
        %scan3A_95 = arith.addi %scan3A_93, %scan3A_94 : i32
        %scan3A_96 = arith.constant 1 : i32
        %scan3A_97 = scf.for %scan3A_140 = %scan3A_93 to %scan3A_95 step %scan3A_96 iter_args(%scan3A_141 = %scan3A_70) -> (i32)  : i32 {
          %mul3A_142 = arith.constant 16 : i32
          %mul3A_143 = arith.muli %mul3A_142, %scan3A_140 : i32
          %get3A = arith.constant 0 : i32
          %get3A_144 = arith.index_cast %get3A : i32 to index
          %get3A_145 = arith.index_cast %mul3A_143 : i32 to index
          %get3A_146 = tpu.vector_load %arg6[%get3A_144, %get3A_145] {strides = array<i32>} : memref<3x512xi32, #tpu.memory_space<vmem>>, vector<16xi32>,
          %ge3A = vector.broadcast %mul3A_29 : i32 to vector<16xi32>
          %ge3A_147 = arith.cmpi sge, %get3A_146, %ge3A : vector<16xi32>
          %add3A_148 = arith.constant 9216 : i32
          %add3A_149 = arith.addi %mul3A_29, %add3A_148 : i32
          %lt3A = vector.broadcast %add3A_149 : i32 to vector<16xi32>
          %lt3A_150 = arith.cmpi slt, %get3A_146, %lt3A : vector<16xi32>
          %and3A = arith.andi %ge3A_147, %lt3A_150 : vector<16xi1>
          %convert_element_type3A_151 = arith.extui %and3A : vector<16xi1> to vector<16xi32>
          %broadcast_in_dim3A_152 = arith.constant true
          %broadcast_in_dim3A_153 = vector.broadcast %broadcast_in_dim3A_152 : i1 to vector<16xi1>
          %masked_cumsum3A = tpu.scan <sum>, %convert_element_type3A_151 masked %broadcast_in_dim3A_153 : vector<16xi32>, vector<16xi1> -> vector<16xi32>
          %add3A_154 = vector.broadcast %scan3A_141 : i32 to vector<16xi32>
          %add3A_155 = arith.addi %add3A_154, %masked_cumsum3A : vector<16xi32>
          %sub3A_156 = arith.constant 1 : i32
          %sub3A_157 = vector.broadcast %sub3A_156 : i32 to vector<16xi32>
          %sub3A_158 = arith.subi %add3A_155, %sub3A_157 : vector<16xi32>
          %sub3A_159 = vector.broadcast %mul3A_29 : i32 to vector<16xi32>
          %sub3A_160 = arith.subi %get3A_146, %sub3A_159 : vector<16xi32>
          tpu.vector_store_idx %arg8[%sub3A_158], %sub3A_160 masked %and3A : memref<8208xi32, #tpu.memory_space<vmem>>[vector<16xi32>], vector<16xi32>, vector<16xi1>
          %get3A_161 = arith.constant 1 : i32
          %get3A_162 = arith.index_cast %get3A_161 : i32 to index
          %get3A_163 = arith.index_cast %mul3A_143 : i32 to index
          %get3A_164 = tpu.vector_load %arg6[%get3A_162, %get3A_163] {strides = array<i32>} : memref<3x512xi32, #tpu.memory_space<vmem>>, vector<16xi32>,
          tpu.vector_store_idx %arg9[%sub3A_158], %get3A_164 masked %and3A : memref<8208xi32, #tpu.memory_space<vmem>>[vector<16xi32>], vector<16xi32>, vector<16xi1>
          %get3A_165 = arith.constant 2 : i32
          %get3A_166 = arith.index_cast %get3A_165 : i32 to index
          %get3A_167 = arith.index_cast %mul3A_143 : i32 to index
          %get3A_168 = tpu.vector_load %arg6[%get3A_166, %get3A_167] {strides = array<i32>} : memref<3x512xi32, #tpu.memory_space<vmem>>, vector<16xi32>,
          %bitcast3A = vector.bitcast %get3A_168 : vector<16xi32> to vector<16xf32>
          tpu.vector_store_idx %arg10[%sub3A_158], %bitcast3A masked %and3A : memref<8448xf32, #tpu.memory_space<vmem>>[vector<16xi32>], vector<16xf32>, vector<16xi1>
          %slice3A = vector.extract_strided_slice %masked_cumsum3A {offsets = [15], sizes = [1], strides = [1]} : vector<16xi32> to vector<1xi32>
          %squeeze3A = vector.extract %slice3A[0] : i32 from vector<1xi32>
          %add3A_169 = arith.addi %scan3A_141, %squeeze3A : i32
          scf.yield %add3A_169 : i32
        }
        %scan3A_98 = arith.constant 32 : i32
        %gt3A_99 = arith.constant 7680 : i32
        %gt3A_100 = arith.cmpi sgt, %scan3A_97, %gt3A_99 : i32
        %convert_element_type3A_101 = arith.extui %gt3A_100 : i1 to i32
        %cond3A_102 = arith.constant 0 : i32
        %cond3A_103 = arith.cmpi ne, %convert_element_type3A_101, %cond3A_102 : i32
        %cond3A_104 = scf.if %cond3A_103 -> (i32) {
          %scan3A_140 = arith.constant 0 : i32
          %scan3A_141 = arith.constant 0 : i32
          %scan3A_142 = arith.constant 8 : i32
          %scan3A_143 = arith.addi %scan3A_141, %scan3A_142 : i32
          %scan3A_144 = arith.constant 1 : i32
          %scan3A_145 = scf.for %scan3A_180 = %scan3A_141 to %scan3A_143 step %scan3A_144 iter_args(%scan3A_181 = %scan3A_140) -> (i32)  : i32 {
            %mul3A_182 = arith.constant 16 : i32
            %mul3A_183 = arith.muli %mul3A_182, %scan3A_180 : i32
            %add3A_184 = arith.addi %scan3A_97, %mul3A_183 : i32
            %swap3A = arith.index_cast %add3A_184 : i32 to index
            %swap3A_185 = tpu.vector_load %arg10[%swap3A] {strides = array<i32>} : memref<8448xf32, #tpu.memory_space<vmem>>, vector<16xf32>,
            tpu.vector_store %arg10[%swap3A], %broadcast_in_dim3A_2 {strides = array<i32>} : memref<8448xf32, #tpu.memory_space<vmem>>, vector<16xf32>,
            %scan3A_186 = arith.constant 0 : i32
            scf.yield %scan3A_186 : i32
          }
          %scan3A_146 = arith.constant 8 : i32
          %add3A_147 = arith.constant 128 : i32
          %add3A_148 = arith.addi %scan3A_97, %add3A_147 : i32
          %sub3A_149 = arith.constant 1 : i32
          %sub3A_150 = arith.subi %add3A_148, %sub3A_149 : i32
          %jit3A = arith.constant 128 : i32
          %div3A = arith.divsi %sub3A_150, %jit3A : i32
          %sign3A = arith.constant 0 : i32
          %sign3A_151 = arith.cmpi sgt, %sub3A_150, %sign3A : i32
          %sign3A_152 = arith.extui %sign3A_151 : i1 to i32
          %sign3A_153 = arith.constant 0 : i32
          %sign3A_154 = arith.cmpi slt, %sub3A_150, %sign3A_153 : i32
          %sign3A_155 = arith.extui %sign3A_154 : i1 to i32
          %sign3A_156 = arith.subi %sign3A_152, %sign3A_155 : i32
          %sign3A_157 = arith.constant 0 : i32
          %sign3A_158 = arith.cmpi sgt, %jit3A, %sign3A_157 : i32
          %sign3A_159 = arith.extui %sign3A_158 : i1 to i32
          %sign3A_160 = arith.constant 0 : i32
          %sign3A_161 = arith.cmpi slt, %jit3A, %sign3A_160 : i32
          %sign3A_162 = arith.extui %sign3A_161 : i1 to i32
          %sign3A_163 = arith.subi %sign3A_159, %sign3A_162 : i32
          %ne3A = arith.cmpi ne, %sign3A_156, %sign3A_163 : i32
          %rem3A = arith.remsi %sub3A_150, %jit3A : i32
          %ne3A_164 = arith.constant 0 : i32
          %ne3A_165 = arith.cmpi ne, %rem3A, %ne3A_164 : i32
          %and3A = arith.andi %ne3A, %ne3A_165 : i1
          %sub3A_166 = arith.constant 1 : i32
          %sub3A_167 = arith.subi %div3A, %sub3A_166 : i32
          %select_n3A = arith.select %and3A, %sub3A_167, %div3A : i32
          %while3A = arith.constant 0 : i32
          %while3A_168 = arith.constant 0 : i32
          %while3A_169 = arith.subi %select_n3A, %while3A : i32
          %while3A_170 = arith.addi %while3A, %while3A_169 : i32
          %while3A_171 = arith.constant 1 : i32
          %while3A_172 = arith.divsi %while3A_169, %while3A_171 : i32
          %while3A_173 = arith.muli %while3A_172, %while3A_171 : i32
          %while3A_174 = arith.addi %while3A, %while3A_173 : i32
          %while3A_175 = arith.constant 1 : i32
          %while3A_176 = scf.for %while3A_180 = %while3A to %while3A_174 step %while3A_175 iter_args(%while3A_181 = %while3A_168) -> (i32)  : i32 {
            %mul3A_182 = arith.constant 128 : i32
            %mul3A_183 = arith.muli %while3A_180, %mul3A_182 : i32
            %scan3A_184 = arith.constant 0 : i32
            %scan3A_185 = arith.constant 0 : i32
            %scan3A_186 = arith.constant 8 : i32
            %scan3A_187 = arith.addi %scan3A_185, %scan3A_186 : i32
            %scan3A_188 = arith.constant 1 : i32
            %scan3A_189 = scf.for %scan3A_199 = %scan3A_185 to %scan3A_187 step %scan3A_188 iter_args(%scan3A_200 = %scan3A_184) -> (i32)  : i32 {
              %mul3A_201 = arith.constant 16 : i32
              %mul3A_202 = arith.muli %mul3A_201, %scan3A_199 : i32
              %add3A_203 = arith.addi %mul3A_183, %mul3A_202 : i32
              %get3A = arith.index_cast %add3A_203 : i32 to index
              %get3A_204 = tpu.vector_load %arg9[%get3A] {strides = array<i32>} : memref<8208xi32, #tpu.memory_space<vmem>>, vector<16xi32>,
              %mul3A_205 = arith.constant 16 : i32
              %mul3A_206 = arith.muli %mul3A_205, %scan3A_199 : i32
              %swap3A = arith.index_cast %mul3A_206 : i32 to index
              %swap3A_207 = tpu.vector_load %arg12[%swap3A] {strides = array<i32>} : memref<128xi32, #tpu.memory_space<vmem>>, vector<16xi32>,
              tpu.vector_store %arg12[%swap3A], %get3A_204 {strides = array<i32>} : memref<128xi32, #tpu.memory_space<vmem>>, vector<16xi32>,
              %mul3A_208 = arith.constant 16 : i32
              %mul3A_209 = arith.muli %mul3A_208, %scan3A_199 : i32
              %add3A_210 = arith.addi %mul3A_183, %mul3A_209 : i32
              %get3A_211 = arith.index_cast %add3A_210 : i32 to index
              %get3A_212 = tpu.vector_load %arg8[%get3A_211] {strides = array<i32>} : memref<8208xi32, #tpu.memory_space<vmem>>, vector<16xi32>,
              %mul3A_213 = arith.constant 16 : i32
              %mul3A_214 = arith.muli %mul3A_213, %scan3A_199 : i32
              %swap3A_215 = arith.index_cast %mul3A_214 : i32 to index
              %swap3A_216 = tpu.vector_load %arg11[%swap3A_215] {strides = array<i32>} : memref<128xi32, #tpu.memory_space<vmem>>, vector<16xi32>,
              tpu.vector_store %arg11[%swap3A_215], %get3A_212 {strides = array<i32>} : memref<128xi32, #tpu.memory_space<vmem>>, vector<16xi32>,
              %scan3A_217 = arith.constant 0 : i32
              scf.yield %scan3A_217 : i32
            }
            %scan3A_190 = arith.constant 8 : i32
            "tpu.region"() ({
              %run_scoped3A = tpu.sem_alloc : memref<!tpu.dma_semaphore, #tpu.memory_space<semaphore_mem>>
              %dma_start3A_199 = arith.constant 0 : i32
              %dma_start3A_200 = arith.constant 0 : i32
              %dma_start3A_201 = tpu.memref_slice %arg3[%dma_start3A_199, %dma_start3A_200] : memref<147456x128xf32, #tpu.memory_space<hbm>> -> memref<147456x128xf32, #tpu.memory_space<hbm>>
              tpu.enqueue_indirect_dma source(%dma_start3A_201 : memref<147456x128xf32, #tpu.memory_space<hbm>>) target(%arg13 : memref<128x128xf32, #tpu.memory_space<vmem>>) offsets(%arg12 : memref<128xi32, #tpu.memory_space<vmem>>) semaphore(%run_scoped3A : memref<!tpu.dma_semaphore, #tpu.memory_space<semaphore_mem>>)
              %dma_wait3A_202 = arith.constant 0 : i32
              %dma_wait3A_203 = arith.constant 0 : i32
              %dma_wait3A_204 = tpu.memref_slice %arg3[%dma_wait3A_202, %dma_wait3A_203] : memref<147456x128xf32, #tpu.memory_space<hbm>> -> memref<147456x128xf32, #tpu.memory_space<hbm>>
              tpu.wait_indirect_dma semaphore(%run_scoped3A : memref<!tpu.dma_semaphore, #tpu.memory_space<semaphore_mem>>) src(%dma_wait3A_204 : memref<147456x128xf32, #tpu.memory_space<hbm>>) dst(%arg13 : memref<128x128xf32, #tpu.memory_space<vmem>>)
              tpu.yield
            }) : () -> ()
            %scan3A_191 = arith.constant 0 : i32
            %scan3A_192 = arith.constant 0 : i32
            %scan3A_193 = arith.constant 128 : i32
            %scan3A_194 = arith.addi %scan3A_192, %scan3A_193 : i32
            %scan3A_195 = arith.constant 4 : i32
            %scan3A_196 = scf.for %scan3A_199 = %scan3A_192 to %scan3A_194 step %scan3A_195 iter_args(%scan3A_200 = %scan3A_191) -> (i32)  : i32 {
              %add3A_201 = arith.addi %mul3A_183, %scan3A_199 : i32
              %broadcast_in_dim3A_202 = vector.broadcast %add3A_201 : i32 to vector<16xi32>
              %gather3A = tpu.vector_load_idx %arg10[%broadcast_in_dim3A_202] : memref<8448xf32, #tpu.memory_space<vmem>>[vector<16xi32>], vector<16xf32>,
              %get3A = arith.index_cast %scan3A_199 : i32 to index
              %get3A_203 = arith.constant 0 : index
              %get3A_204 = tpu.vector_load %arg13[%get3A, %get3A_203] {strides = array<i32>} : memref<128x128xf32, #tpu.memory_space<vmem>>, vector<16xf32>,
              %mul3A_205 = arith.mulf %get3A_204, %gather3A : vector<16xf32>
              %swap3A = arith.index_cast %scan3A_199 : i32 to index
              %swap3A_206 = arith.constant 0 : index
              %swap3A_207 = tpu.vector_load %arg13[%swap3A, %swap3A_206] {strides = array<i32>} : memref<128x128xf32, #tpu.memory_space<vmem>>, vector<16xf32>,
              tpu.vector_store %arg13[%swap3A, %swap3A_206], %mul3A_205 {strides = array<i32>} : memref<128x128xf32, #tpu.memory_space<vmem>>, vector<16xf32>,
              %get3A_208 = arith.index_cast %scan3A_199 : i32 to index
              %get3A_209 = arith.constant 16 : index
              %get3A_210 = tpu.vector_load %arg13[%get3A_208, %get3A_209] {strides = array<i32>} : memref<128x128xf32, #tpu.memory_space<vmem>>, vector<16xf32>,
              %mul3A_211 = arith.mulf %get3A_210, %gather3A : vector<16xf32>
              %swap3A_212 = arith.index_cast %scan3A_199 : i32 to index
              %swap3A_213 = arith.constant 16 : index
              %swap3A_214 = tpu.vector_load %arg13[%swap3A_212, %swap3A_213] {strides = array<i32>} : memref<128x128xf32, #tpu.memory_space<vmem>>, vector<16xf32>,
              tpu.vector_store %arg13[%swap3A_212, %swap3A_213], %mul3A_211 {strides = array<i32>} : memref<128x128xf32, #tpu.memory_space<vmem>>, vector<16xf32>,
              %get3A_215 = arith.index_cast %scan3A_199 : i32 to index
              %get3A_216 = arith.constant 32 : index
              %get3A_217 = tpu.vector_load %arg13[%get3A_215, %get3A_216] {strides = array<i32>} : memref<128x128xf32, #tpu.memory_space<vmem>>, vector<16xf32>,
              %mul3A_218 = arith.mulf %get3A_217, %gather3A : vector<16xf32>
              %swap3A_219 = arith.index_cast %scan3A_199 : i32 to index
              %swap3A_220 = arith.constant 32 : index
              %swap3A_221 = tpu.vector_load %arg13[%swap3A_219, %swap3A_220] {strides = array<i32>} : memref<128x128xf32, #tpu.memory_space<vmem>>, vector<16xf32>,
              tpu.vector_store %arg13[%swap3A_219, %swap3A_220], %mul3A_218 {strides = array<i32>} : memref<128x128xf32, #tpu.memory_space<vmem>>, vector<16xf32>,
              %get3A_222 = arith.index_cast %scan3A_199 : i32 to index
              %get3A_223 = arith.constant 48 : index
              %get3A_224 = tpu.vector_load %arg13[%get3A_222, %get3A_223] {strides = array<i32>} : memref<128x128xf32, #tpu.memory_space<vmem>>, vector<16xf32>,
              %mul3A_225 = arith.mulf %get3A_224, %gather3A : vector<16xf32>
              %swap3A_226 = arith.index_cast %scan3A_199 : i32 to index
              %swap3A_227 = arith.constant 48 : index
              %swap3A_228 = tpu.vector_load %arg13[%swap3A_226, %swap3A_227] {strides = array<i32>} : memref<128x128xf32, #tpu.memory_space<vmem>>, vector<16xf32>,
              tpu.vector_store %arg13[%swap3A_226, %swap3A_227], %mul3A_225 {strides = array<i32>} : memref<128x128xf32, #tpu.memory_space<vmem>>, vector<16xf32>,
              %get3A_229 = arith.index_cast %scan3A_199 : i32 to index
              %get3A_230 = arith.constant 64 : index
              %get3A_231 = tpu.vector_load %arg13[%get3A_229, %get3A_230] {strides = array<i32>} : memref<128x128xf32, #tpu.memory_space<vmem>>, vector<16xf32>,
              %mul3A_232 = arith.mulf %get3A_231, %gather3A : vector<16xf32>
              %swap3A_233 = arith.index_cast %scan3A_199 : i32 to index
              %swap3A_234 = arith.constant 64 : index
              %swap3A_235 = tpu.vector_load %arg13[%swap3A_233, %swap3A_234] {strides = array<i32>} : memref<128x128xf32, #tpu.memory_space<vmem>>, vector<16xf32>,
              tpu.vector_store %arg13[%swap3A_233, %swap3A_234], %mul3A_232 {strides = array<i32>} : memref<128x128xf32, #tpu.memory_space<vmem>>, vector<16xf32>,
              %get3A_236 = arith.index_cast %scan3A_199 : i32 to index
              %get3A_237 = arith.constant 80 : index
              %get3A_238 = tpu.vector_load %arg13[%get3A_236, %get3A_237] {strides = array<i32>} : memref<128x128xf32, #tpu.memory_space<vmem>>, vector<16xf32>,
              %mul3A_239 = arith.mulf %get3A_238, %gather3A : vector<16xf32>
              %swap3A_240 = arith.index_cast %scan3A_199 : i32 to index
              %swap3A_241 = arith.constant 80 : index
              %swap3A_242 = tpu.vector_load %arg13[%swap3A_240, %swap3A_241] {strides = array<i32>} : memref<128x128xf32, #tpu.memory_space<vmem>>, vector<16xf32>,
              tpu.vector_store %arg13[%swap3A_240, %swap3A_241], %mul3A_239 {strides = array<i32>} : memref<128x128xf32, #tpu.memory_space<vmem>>, vector<16xf32>,
              %get3A_243 = arith.index_cast %scan3A_199 : i32 to index
              %get3A_244 = arith.constant 96 : index
              %get3A_245 = tpu.vector_load %arg13[%get3A_243, %get3A_244] {strides = array<i32>} : memref<128x128xf32, #tpu.memory_space<vmem>>, vector<16xf32>,
              %mul3A_246 = arith.mulf %get3A_245, %gather3A : vector<16xf32>
              %swap3A_247 = arith.index_cast %scan3A_199 : i32 to index
              %swap3A_248 = arith.constant 96 : index
              %swap3A_249 = tpu.vector_load %arg13[%swap3A_247, %swap3A_248] {strides = array<i32>} : memref<128x128xf32, #tpu.memory_space<vmem>>, vector<16xf32>,
              tpu.vector_store %arg13[%swap3A_247, %swap3A_248], %mul3A_246 {strides = array<i32>} : memref<128x128xf32, #tpu.memory_space<vmem>>, vector<16xf32>,
              %get3A_250 = arith.index_cast %scan3A_199 : i32 to index
              %get3A_251 = arith.constant 112 : index
              %get3A_252 = tpu.vector_load %arg13[%get3A_250, %get3A_251] {strides = array<i32>} : memref<128x128xf32, #tpu.memory_space<vmem>>, vector<16xf32>,
              %mul3A_253 = arith.mulf %get3A_252, %gather3A : vector<16xf32>
              %swap3A_254 = arith.index_cast %scan3A_199 : i32 to index
              %swap3A_255 = arith.constant 112 : index
              %swap3A_256 = tpu.vector_load %arg13[%swap3A_254, %swap3A_255] {strides = array<i32>} : memref<128x128xf32, #tpu.memory_space<vmem>>, vector<16xf32>,
              tpu.vector_store %arg13[%swap3A_254, %swap3A_255], %mul3A_253 {strides = array<i32>} : memref<128x128xf32, #tpu.memory_space<vmem>>, vector<16xf32>,
              %scan3A_257 = arith.constant 0 : i32
              %scan3A_258 = arith.constant 1 : i32
              %scan3A_259 = arith.addi %scan3A_199, %scan3A_258 : i32
              %add3A_260 = arith.addi %mul3A_183, %scan3A_259 : i32
              %broadcast_in_dim3A_261 = vector.broadcast %add3A_260 : i32 to vector<16xi32>
              %gather3A_262 = tpu.vector_load_idx %arg10[%broadcast_in_dim3A_261] : memref<8448xf32, #tpu.memory_space<vmem>>[vector<16xi32>], vector<16xf32>,
              %get3A_263 = arith.index_cast %scan3A_259 : i32 to index
              %get3A_264 = arith.constant 0 : index
              %get3A_265 = tpu.vector_load %arg13[%get3A_263, %get3A_264] {strides = array<i32>} : memref<128x128xf32, #tpu.memory_space<vmem>>, vector<16xf32>,
              %mul3A_266 = arith.mulf %get3A_265, %gather3A_262 : vector<16xf32>
              %swap3A_267 = arith.index_cast %scan3A_259 : i32 to index
              %swap3A_268 = arith.constant 0 : index
              %swap3A_269 = tpu.vector_load %arg13[%swap3A_267, %swap3A_268] {strides = array<i32>} : memref<128x128xf32, #tpu.memory_space<vmem>>, vector<16xf32>,
              tpu.vector_store %arg13[%swap3A_267, %swap3A_268], %mul3A_266 {strides = array<i32>} : memref<128x128xf32, #tpu.memory_space<vmem>>, vector<16xf32>,
              %get3A_270 = arith.index_cast %scan3A_259 : i32 to index
              %get3A_271 = arith.constant 16 : index
              %get3A_272 = tpu.vector_load %arg13[%get3A_270, %get3A_271] {strides = array<i32>} : memref<128x128xf32, #tpu.memory_space<vmem>>, vector<16xf32>,
              %mul3A_273 = arith.mulf %get3A_272, %gather3A_262 : vector<16xf32>
              %swap3A_274 = arith.index_cast %scan3A_259 : i32 to index
              %swap3A_275 = arith.constant 16 : index
              %swap3A_276 = tpu.vector_load %arg13[%swap3A_274, %swap3A_275] {strides = array<i32>} : memref<128x128xf32, #tpu.memory_space<vmem>>, vector<16xf32>,
              tpu.vector_store %arg13[%swap3A_274, %swap3A_275], %mul3A_273 {strides = array<i32>} : memref<128x128xf32, #tpu.memory_space<vmem>>, vector<16xf32>,
              %get3A_277 = arith.index_cast %scan3A_259 : i32 to index
              %get3A_278 = arith.constant 32 : index
              %get3A_279 = tpu.vector_load %arg13[%get3A_277, %get3A_278] {strides = array<i32>} : memref<128x128xf32, #tpu.memory_space<vmem>>, vector<16xf32>,
              %mul3A_280 = arith.mulf %get3A_279, %gather3A_262 : vector<16xf32>
              %swap3A_281 = arith.index_cast %scan3A_259 : i32 to index
              %swap3A_282 = arith.constant 32 : index
              %swap3A_283 = tpu.vector_load %arg13[%swap3A_281, %swap3A_282] {strides = array<i32>} : memref<128x128xf32, #tpu.memory_space<vmem>>, vector<16xf32>,
              tpu.vector_store %arg13[%swap3A_281, %swap3A_282], %mul3A_280 {strides = array<i32>} : memref<128x128xf32, #tpu.memory_space<vmem>>, vector<16xf32>,
              %get3A_284 = arith.index_cast %scan3A_259 : i32 to index
              %get3A_285 = arith.constant 48 : index
              %get3A_286 = tpu.vector_load %arg13[%get3A_284, %get3A_285] {strides = array<i32>} : memref<128x128xf32, #tpu.memory_space<vmem>>, vector<16xf32>,
              %mul3A_287 = arith.mulf %get3A_286, %gather3A_262 : vector<16xf32>
              %swap3A_288 = arith.index_cast %scan3A_259 : i32 to index
              %swap3A_289 = arith.constant 48 : index
              %swap3A_290 = tpu.vector_load %arg13[%swap3A_288, %swap3A_289] {strides = array<i32>} : memref<128x128xf32, #tpu.memory_space<vmem>>, vector<16xf32>,
              tpu.vector_store %arg13[%swap3A_288, %swap3A_289], %mul3A_287 {strides = array<i32>} : memref<128x128xf32, #tpu.memory_space<vmem>>, vector<16xf32>,
              %get3A_291 = arith.index_cast %scan3A_259 : i32 to index
              %get3A_292 = arith.constant 64 : index
              %get3A_293 = tpu.vector_load %arg13[%get3A_291, %get3A_292] {strides = array<i32>} : memref<128x128xf32, #tpu.memory_space<vmem>>, vector<16xf32>,
              %mul3A_294 = arith.mulf %get3A_293, %gather3A_262 : vector<16xf32>
              %swap3A_295 = arith.index_cast %scan3A_259 : i32 to index
              %swap3A_296 = arith.constant 64 : index
              %swap3A_297 = tpu.vector_load %arg13[%swap3A_295, %swap3A_296] {strides = array<i32>} : memref<128x128xf32, #tpu.memory_space<vmem>>, vector<16xf32>,
              tpu.vector_store %arg13[%swap3A_295, %swap3A_296], %mul3A_294 {strides = array<i32>} : memref<128x128xf32, #tpu.memory_space<vmem>>, vector<16xf32>,
              %get3A_298 = arith.index_cast %scan3A_259 : i32 to index
              %get3A_299 = arith.constant 80 : index
              %get3A_300 = tpu.vector_load %arg13[%get3A_298, %get3A_299] {strides = array<i32>} : memref<128x128xf32, #tpu.memory_space<vmem>>, vector<16xf32>,
              %mul3A_301 = arith.mulf %get3A_300, %gather3A_262 : vector<16xf32>
              %swap3A_302 = arith.index_cast %scan3A_259 : i32 to index
              %swap3A_303 = arith.constant 80 : index
              %swap3A_304 = tpu.vector_load %arg13[%swap3A_302, %swap3A_303] {strides = array<i32>} : memref<128x128xf32, #tpu.memory_space<vmem>>, vector<16xf32>,
              tpu.vector_store %arg13[%swap3A_302, %swap3A_303], %mul3A_301 {strides = array<i32>} : memref<128x128xf32, #tpu.memory_space<vmem>>, vector<16xf32>,
              %get3A_305 = arith.index_cast %scan3A_259 : i32 to index
              %get3A_306 = arith.constant 96 : index
              %get3A_307 = tpu.vector_load %arg13[%get3A_305, %get3A_306] {strides = array<i32>} : memref<128x128xf32, #tpu.memory_space<vmem>>, vector<16xf32>,
              %mul3A_308 = arith.mulf %get3A_307, %gather3A_262 : vector<16xf32>
              %swap3A_309 = arith.index_cast %scan3A_259 : i32 to index
              %swap3A_310 = arith.constant 96 : index
              %swap3A_311 = tpu.vector_load %arg13[%swap3A_309, %swap3A_310] {strides = array<i32>} : memref<128x128xf32, #tpu.memory_space<vmem>>, vector<16xf32>,
              tpu.vector_store %arg13[%swap3A_309, %swap3A_310], %mul3A_308 {strides = array<i32>} : memref<128x128xf32, #tpu.memory_space<vmem>>, vector<16xf32>,
              %get3A_312 = arith.index_cast %scan3A_259 : i32 to index
              %get3A_313 = arith.constant 112 : index
              %get3A_314 = tpu.vector_load %arg13[%get3A_312, %get3A_313] {strides = array<i32>} : memref<128x128xf32, #tpu.memory_space<vmem>>, vector<16xf32>,
              %mul3A_315 = arith.mulf %get3A_314, %gather3A_262 : vector<16xf32>
              %swap3A_316 = arith.index_cast %scan3A_259 : i32 to index
              %swap3A_317 = arith.constant 112 : index
              %swap3A_318 = tpu.vector_load %arg13[%swap3A_316, %swap3A_317] {strides = array<i32>} : memref<128x128xf32, #tpu.memory_space<vmem>>, vector<16xf32>,
              tpu.vector_store %arg13[%swap3A_316, %swap3A_317], %mul3A_315 {strides = array<i32>} : memref<128x128xf32, #tpu.memory_space<vmem>>, vector<16xf32>,
              %scan3A_319 = arith.constant 0 : i32
              %scan3A_320 = arith.constant 2 : i32
              %scan3A_321 = arith.addi %scan3A_199, %scan3A_320 : i32
              %add3A_322 = arith.addi %mul3A_183, %scan3A_321 : i32
              %broadcast_in_dim3A_323 = vector.broadcast %add3A_322 : i32 to vector<16xi32>
              %gather3A_324 = tpu.vector_load_idx %arg10[%broadcast_in_dim3A_323] : memref<8448xf32, #tpu.memory_space<vmem>>[vector<16xi32>], vector<16xf32>,
              %get3A_325 = arith.index_cast %scan3A_321 : i32 to index
              %get3A_326 = arith.constant 0 : index
              %get3A_327 = tpu.vector_load %arg13[%get3A_325, %get3A_326] {strides = array<i32>} : memref<128x128xf32, #tpu.memory_space<vmem>>, vector<16xf32>,
              %mul3A_328 = arith.mulf %get3A_327, %gather3A_324 : vector<16xf32>
              %swap3A_329 = arith.index_cast %scan3A_321 : i32 to index
              %swap3A_330 = arith.constant 0 : index
              %swap3A_331 = tpu.vector_load %arg13[%swap3A_329, %swap3A_330] {strides = array<i32>} : memref<128x128xf32, #tpu.memory_space<vmem>>, vector<16xf32>,
              tpu.vector_store %arg13[%swap3A_329, %swap3A_330], %mul3A_328 {strides = array<i32>} : memref<128x128xf32, #tpu.memory_space<vmem>>, vector<16xf32>,
              %get3A_332 = arith.index_cast %scan3A_321 : i32 to index
              %get3A_333 = arith.constant 16 : index
              %get3A_334 = tpu.vector_load %arg13[%get3A_332, %get3A_333] {strides = array<i32>} : memref<128x128xf32, #tpu.memory_space<vmem>>, vector<16xf32>,
              %mul3A_335 = arith.mulf %get3A_334, %gather3A_324 : vector<16xf32>
              %swap3A_336 = arith.index_cast %scan3A_321 : i32 to index
              %swap3A_337 = arith.constant 16 : index
              %swap3A_338 = tpu.vector_load %arg13[%swap3A_336, %swap3A_337] {strides = array<i32>} : memref<128x128xf32, #tpu.memory_space<vmem>>, vector<16xf32>,
              tpu.vector_store %arg13[%swap3A_336, %swap3A_337], %mul3A_335 {strides = array<i32>} : memref<128x128xf32, #tpu.memory_space<vmem>>, vector<16xf32>,
              %get3A_339 = arith.index_cast %scan3A_321 : i32 to index
              %get3A_340 = arith.constant 32 : index
              %get3A_341 = tpu.vector_load %arg13[%get3A_339, %get3A_340] {strides = array<i32>} : memref<128x128xf32, #tpu.memory_space<vmem>>, vector<16xf32>,
              %mul3A_342 = arith.mulf %get3A_341, %gather3A_324 : vector<16xf32>
              %swap3A_343 = arith.index_cast %scan3A_321 : i32 to index
              %swap3A_344 = arith.constant 32 : index
              %swap3A_345 = tpu.vector_load %arg13[%swap3A_343, %swap3A_344] {strides = array<i32>} : memref<128x128xf32, #tpu.memory_space<vmem>>, vector<16xf32>,
              tpu.vector_store %arg13[%swap3A_343, %swap3A_344], %mul3A_342 {strides = array<i32>} : memref<128x128xf32, #tpu.memory_space<vmem>>, vector<16xf32>,
              %get3A_346 = arith.index_cast %scan3A_321 : i32 to index
              %get3A_347 = arith.constant 48 : index
              %get3A_348 = tpu.vector_load %arg13[%get3A_346, %get3A_347] {strides = array<i32>} : memref<128x128xf32, #tpu.memory_space<vmem>>, vector<16xf32>,
              %mul3A_349 = arith.mulf %get3A_348, %gather3A_324 : vector<16xf32>
              %swap3A_350 = arith.index_cast %scan3A_321 : i32 to index
              %swap3A_351 = arith.constant 48 : index
              %swap3A_352 = tpu.vector_load %arg13[%swap3A_350, %swap3A_351] {strides = array<i32>} : memref<128x128xf32, #tpu.memory_space<vmem>>, vector<16xf32>,
              tpu.vector_store %arg13[%swap3A_350, %swap3A_351], %mul3A_349 {strides = array<i32>} : memref<128x128xf32, #tpu.memory_space<vmem>>, vector<16xf32>,
              %get3A_353 = arith.index_cast %scan3A_321 : i32 to index
              %get3A_354 = arith.constant 64 : index
              %get3A_355 = tpu.vector_load %arg13[%get3A_353, %get3A_354] {strides = array<i32>} : memref<128x128xf32, #tpu.memory_space<vmem>>, vector<16xf32>,
              %mul3A_356 = arith.mulf %get3A_355, %gather3A_324 : vector<16xf32>
              %swap3A_357 = arith.index_cast %scan3A_321 : i32 to index
              %swap3A_358 = arith.constant 64 : index
              %swap3A_359 = tpu.vector_load %arg13[%swap3A_357, %swap3A_358] {strides = array<i32>} : memref<128x128xf32, #tpu.memory_space<vmem>>, vector<16xf32>,
              tpu.vector_store %arg13[%swap3A_357, %swap3A_358], %mul3A_356 {strides = array<i32>} : memref<128x128xf32, #tpu.memory_space<vmem>>, vector<16xf32>,
              %get3A_360 = arith.index_cast %scan3A_321 : i32 to index
              %get3A_361 = arith.constant 80 : index
              %get3A_362 = tpu.vector_load %arg13[%get3A_360, %get3A_361] {strides = array<i32>} : memref<128x128xf32, #tpu.memory_space<vmem>>, vector<16xf32>,
              %mul3A_363 = arith.mulf %get3A_362, %gather3A_324 : vector<16xf32>
              %swap3A_364 = arith.index_cast %scan3A_321 : i32 to index
              %swap3A_365 = arith.constant 80 : index
              %swap3A_366 = tpu.vector_load %arg13[%swap3A_364, %swap3A_365] {strides = array<i32>} : memref<128x128xf32, #tpu.memory_space<vmem>>, vector<16xf32>,
              tpu.vector_store %arg13[%swap3A_364, %swap3A_365], %mul3A_363 {strides = array<i32>} : memref<128x128xf32, #tpu.memory_space<vmem>>, vector<16xf32>,
              %get3A_367 = arith.index_cast %scan3A_321 : i32 to index
              %get3A_368 = arith.constant 96 : index
              %get3A_369 = tpu.vector_load %arg13[%get3A_367, %get3A_368] {strides = array<i32>} : memref<128x128xf32, #tpu.memory_space<vmem>>, vector<16xf32>,
              %mul3A_370 = arith.mulf %get3A_369, %gather3A_324 : vector<16xf32>
              %swap3A_371 = arith.index_cast %scan3A_321 : i32 to index
              %swap3A_372 = arith.constant 96 : index
              %swap3A_373 = tpu.vector_load %arg13[%swap3A_371, %swap3A_372] {strides = array<i32>} : memref<128x128xf32, #tpu.memory_space<vmem>>, vector<16xf32>,
              tpu.vector_store %arg13[%swap3A_371, %swap3A_372], %mul3A_370 {strides = array<i32>} : memref<128x128xf32, #tpu.memory_space<vmem>>, vector<16xf32>,
              %get3A_374 = arith.index_cast %scan3A_321 : i32 to index
              %get3A_375 = arith.constant 112 : index
              %get3A_376 = tpu.vector_load %arg13[%get3A_374, %get3A_375] {strides = array<i32>} : memref<128x128xf32, #tpu.memory_space<vmem>>, vector<16xf32>,
              %mul3A_377 = arith.mulf %get3A_376, %gather3A_324 : vector<16xf32>
              %swap3A_378 = arith.index_cast %scan3A_321 : i32 to index
              %swap3A_379 = arith.constant 112 : index
              %swap3A_380 = tpu.vector_load %arg13[%swap3A_378, %swap3A_379] {strides = array<i32>} : memref<128x128xf32, #tpu.memory_space<vmem>>, vector<16xf32>,
              tpu.vector_store %arg13[%swap3A_378, %swap3A_379], %mul3A_377 {strides = array<i32>} : memref<128x128xf32, #tpu.memory_space<vmem>>, vector<16xf32>,
              %scan3A_381 = arith.constant 0 : i32
              %scan3A_382 = arith.constant 3 : i32
              %scan3A_383 = arith.addi %scan3A_199, %scan3A_382 : i32
              %add3A_384 = arith.addi %mul3A_183, %scan3A_383 : i32
              %broadcast_in_dim3A_385 = vector.broadcast %add3A_384 : i32 to vector<16xi32>
              %gather3A_386 = tpu.vector_load_idx %arg10[%broadcast_in_dim3A_385] : memref<8448xf32, #tpu.memory_space<vmem>>[vector<16xi32>], vector<16xf32>,
              %get3A_387 = arith.index_cast %scan3A_383 : i32 to index
              %get3A_388 = arith.constant 0 : index
              %get3A_389 = tpu.vector_load %arg13[%get3A_387, %get3A_388] {strides = array<i32>} : memref<128x128xf32, #tpu.memory_space<vmem>>, vector<16xf32>,
              %mul3A_390 = arith.mulf %get3A_389, %gather3A_386 : vector<16xf32>
              %swap3A_391 = arith.index_cast %scan3A_383 : i32 to index
              %swap3A_392 = arith.constant 0 : index
              %swap3A_393 = tpu.vector_load %arg13[%swap3A_391, %swap3A_392] {strides = array<i32>} : memref<128x128xf32, #tpu.memory_space<vmem>>, vector<16xf32>,
              tpu.vector_store %arg13[%swap3A_391, %swap3A_392], %mul3A_390 {strides = array<i32>} : memref<128x128xf32, #tpu.memory_space<vmem>>, vector<16xf32>,
              %get3A_394 = arith.index_cast %scan3A_383 : i32 to index
              %get3A_395 = arith.constant 16 : index
              %get3A_396 = tpu.vector_load %arg13[%get3A_394, %get3A_395] {strides = array<i32>} : memref<128x128xf32, #tpu.memory_space<vmem>>, vector<16xf32>,
              %mul3A_397 = arith.mulf %get3A_396, %gather3A_386 : vector<16xf32>
              %swap3A_398 = arith.index_cast %scan3A_383 : i32 to index
              %swap3A_399 = arith.constant 16 : index
              %swap3A_400 = tpu.vector_load %arg13[%swap3A_398, %swap3A_399] {strides = array<i32>} : memref<128x128xf32, #tpu.memory_space<vmem>>, vector<16xf32>,
              tpu.vector_store %arg13[%swap3A_398, %swap3A_399], %mul3A_397 {strides = array<i32>} : memref<128x128xf32, #tpu.memory_space<vmem>>, vector<16xf32>,
              %get3A_401 = arith.index_cast %scan3A_383 : i32 to index
              %get3A_402 = arith.constant 32 : index
              %get3A_403 = tpu.vector_load %arg13[%get3A_401, %get3A_402] {strides = array<i32>} : memref<128x128xf32, #tpu.memory_space<vmem>>, vector<16xf32>,
              %mul3A_404 = arith.mulf %get3A_403, %gather3A_386 : vector<16xf32>
              %swap3A_405 = arith.index_cast %scan3A_383 : i32 to index
              %swap3A_406 = arith.constant 32 : index
              %swap3A_407 = tpu.vector_load %arg13[%swap3A_405, %swap3A_406] {strides = array<i32>} : memref<128x128xf32, #tpu.memory_space<vmem>>, vector<16xf32>,
              tpu.vector_store %arg13[%swap3A_405, %swap3A_406], %mul3A_404 {strides = array<i32>} : memref<128x128xf32, #tpu.memory_space<vmem>>, vector<16xf32>,
              %get3A_408 = arith.index_cast %scan3A_383 : i32 to index
              %get3A_409 = arith.constant 48 : index
              %get3A_410 = tpu.vector_load %arg13[%get3A_408, %get3A_409] {strides = array<i32>} : memref<128x128xf32, #tpu.memory_space<vmem>>, vector<16xf32>,
              %mul3A_411 = arith.mulf %get3A_410, %gather3A_386 : vector<16xf32>
              %swap3A_412 = arith.index_cast %scan3A_383 : i32 to index
              %swap3A_413 = arith.constant 48 : index
              %swap3A_414 = tpu.vector_load %arg13[%swap3A_412, %swap3A_413] {strides = array<i32>} : memref<128x128xf32, #tpu.memory_space<vmem>>, vector<16xf32>,
              tpu.vector_store %arg13[%swap3A_412, %swap3A_413], %mul3A_411 {strides = array<i32>} : memref<128x128xf32, #tpu.memory_space<vmem>>, vector<16xf32>,
              %get3A_415 = arith.index_cast %scan3A_383 : i32 to index
              %get3A_416 = arith.constant 64 : index
              %get3A_417 = tpu.vector_load %arg13[%get3A_415, %get3A_416] {strides = array<i32>} : memref<128x128xf32, #tpu.memory_space<vmem>>, vector<16xf32>,
              %mul3A_418 = arith.mulf %get3A_417, %gather3A_386 : vector<16xf32>
              %swap3A_419 = arith.index_cast %scan3A_383 : i32 to index
              %swap3A_420 = arith.constant 64 : index
              %swap3A_421 = tpu.vector_load %arg13[%swap3A_419, %swap3A_420] {strides = array<i32>} : memref<128x128xf32, #tpu.memory_space<vmem>>, vector<16xf32>,
              tpu.vector_store %arg13[%swap3A_419, %swap3A_420], %mul3A_418 {strides = array<i32>} : memref<128x128xf32, #tpu.memory_space<vmem>>, vector<16xf32>,
              %get3A_422 = arith.index_cast %scan3A_383 : i32 to index
              %get3A_423 = arith.constant 80 : index
              %get3A_424 = tpu.vector_load %arg13[%get3A_422, %get3A_423] {strides = array<i32>} : memref<128x128xf32, #tpu.memory_space<vmem>>, vector<16xf32>,
              %mul3A_425 = arith.mulf %get3A_424, %gather3A_386 : vector<16xf32>
              %swap3A_426 = arith.index_cast %scan3A_383 : i32 to index
              %swap3A_427 = arith.constant 80 : index
              %swap3A_428 = tpu.vector_load %arg13[%swap3A_426, %swap3A_427] {strides = array<i32>} : memref<128x128xf32, #tpu.memory_space<vmem>>, vector<16xf32>,
              tpu.vector_store %arg13[%swap3A_426, %swap3A_427], %mul3A_425 {strides = array<i32>} : memref<128x128xf32, #tpu.memory_space<vmem>>, vector<16xf32>,
              %get3A_429 = arith.index_cast %scan3A_383 : i32 to index
              %get3A_430 = arith.constant 96 : index
              %get3A_431 = tpu.vector_load %arg13[%get3A_429, %get3A_430] {strides = array<i32>} : memref<128x128xf32, #tpu.memory_space<vmem>>, vector<16xf32>,
              %mul3A_432 = arith.mulf %get3A_431, %gather3A_386 : vector<16xf32>
              %swap3A_433 = arith.index_cast %scan3A_383 : i32 to index
              %swap3A_434 = arith.constant 96 : index
              %swap3A_435 = tpu.vector_load %arg13[%swap3A_433, %swap3A_434] {strides = array<i32>} : memref<128x128xf32, #tpu.memory_space<vmem>>, vector<16xf32>,
              tpu.vector_store %arg13[%swap3A_433, %swap3A_434], %mul3A_432 {strides = array<i32>} : memref<128x128xf32, #tpu.memory_space<vmem>>, vector<16xf32>,
              %get3A_436 = arith.index_cast %scan3A_383 : i32 to index
              %get3A_437 = arith.constant 112 : index
              %get3A_438 = tpu.vector_load %arg13[%get3A_436, %get3A_437] {strides = array<i32>} : memref<128x128xf32, #tpu.memory_space<vmem>>, vector<16xf32>,
              %mul3A_439 = arith.mulf %get3A_438, %gather3A_386 : vector<16xf32>
              %swap3A_440 = arith.index_cast %scan3A_383 : i32 to index
              %swap3A_441 = arith.constant 112 : index
              %swap3A_442 = tpu.vector_load %arg13[%swap3A_440, %swap3A_441] {strides = array<i32>} : memref<128x128xf32, #tpu.memory_space<vmem>>, vector<16xf32>,
              tpu.vector_store %arg13[%swap3A_440, %swap3A_441], %mul3A_439 {strides = array<i32>} : memref<128x128xf32, #tpu.memory_space<vmem>>, vector<16xf32>,
              %scan3A_443 = arith.constant 0 : i32
              scf.yield %scan3A_443 : i32
            }
            %scan3A_197 = arith.constant 128 : i32
            "tpu.region"() ({
              %run_scoped3A = tpu.sem_alloc : memref<!tpu.dma_semaphore, #tpu.memory_space<semaphore_mem>>
              %dma_start3A_199 = arith.constant 0 : i32
              %dma_start3A_200 = arith.constant 0 : i32
              %dma_start3A_201 = tpu.memref_slice %arg14[%dma_start3A_199, %dma_start3A_200] : memref<9216x128xf32, #tpu.memory_space<vmem_shared>> -> memref<9216x128xf32, #tpu.memory_space<vmem_shared>>
              tpu.enqueue_indirect_dma source(%arg13 : memref<128x128xf32, #tpu.memory_space<vmem>>) target(%dma_start3A_201 : memref<9216x128xf32, #tpu.memory_space<vmem_shared>>) offsets(%arg11 : memref<128xi32, #tpu.memory_space<vmem>>) semaphore(%run_scoped3A : memref<!tpu.dma_semaphore, #tpu.memory_space<semaphore_mem>>) {add = true}
              %dma_wait3A_202 = arith.constant 0 : i32
              %dma_wait3A_203 = arith.constant 0 : i32
              %dma_wait3A_204 = tpu.memref_slice %arg14[%dma_wait3A_202, %dma_wait3A_203] : memref<9216x128xf32, #tpu.memory_space<vmem_shared>> -> memref<9216x128xf32, #tpu.memory_space<vmem_shared>>
              tpu.wait_indirect_dma semaphore(%run_scoped3A : memref<!tpu.dma_semaphore, #tpu.memory_space<semaphore_mem>>) src(%arg13 : memref<128x128xf32, #tpu.memory_space<vmem>>) dst(%dma_wait3A_204 : memref<9216x128xf32, #tpu.memory_space<vmem_shared>>)
              tpu.yield
            }) : () -> ()
            %while3A_198 = arith.constant 0 : i32
            scf.yield %while3A_198 : i32
          }
          %while3A_177 = arith.constant 1 : i32
          %while3A_178 = scf.for %while3A_180 = %while3A_174 to %while3A_170 step %while3A_177 iter_args(%while3A_181 = %while3A_176) -> (i32)  : i32 {
            %mul3A_182 = arith.constant 128 : i32
            %mul3A_183 = arith.muli %while3A_180, %mul3A_182 : i32
            %scan3A_184 = arith.constant 0 : i32
            %scan3A_185 = arith.constant 0 : i32
            %scan3A_186 = arith.constant 8 : i32
            %scan3A_187 = arith.addi %scan3A_185, %scan3A_186 : i32
            %scan3A_188 = arith.constant 1 : i32
            %scan3A_189 = scf.for %scan3A_199 = %scan3A_185 to %scan3A_187 step %scan3A_188 iter_args(%scan3A_200 = %scan3A_184) -> (i32)  : i32 {
              %mul3A_201 = arith.constant 16 : i32
              %mul3A_202 = arith.muli %mul3A_201, %scan3A_199 : i32
              %add3A_203 = arith.addi %mul3A_183, %mul3A_202 : i32
              %get3A = arith.index_cast %add3A_203 : i32 to index
              %get3A_204 = tpu.vector_load %arg9[%get3A] {strides = array<i32>} : memref<8208xi32, #tpu.memory_space<vmem>>, vector<16xi32>,
              %mul3A_205 = arith.constant 16 : i32
              %mul3A_206 = arith.muli %mul3A_205, %scan3A_199 : i32
              %swap3A = arith.index_cast %mul3A_206 : i32 to index
              %swap3A_207 = tpu.vector_load %arg12[%swap3A] {strides = array<i32>} : memref<128xi32, #tpu.memory_space<vmem>>, vector<16xi32>,
              tpu.vector_store %arg12[%swap3A], %get3A_204 {strides = array<i32>} : memref<128xi32, #tpu.memory_space<vmem>>, vector<16xi32>,
              %mul3A_208 = arith.constant 16 : i32
              %mul3A_209 = arith.muli %mul3A_208, %scan3A_199 : i32
              %add3A_210 = arith.addi %mul3A_183, %mul3A_209 : i32
              %get3A_211 = arith.index_cast %add3A_210 : i32 to index
              %get3A_212 = tpu.vector_load %arg8[%get3A_211] {strides = array<i32>} : memref<8208xi32, #tpu.memory_space<vmem>>, vector<16xi32>,
              %mul3A_213 = arith.constant 16 : i32
              %mul3A_214 = arith.muli %mul3A_213, %scan3A_199 : i32
              %swap3A_215 = arith.index_cast %mul3A_214 : i32 to index
              %swap3A_216 = tpu.vector_load %arg11[%swap3A_215] {strides = array<i32>} : memref<128xi32, #tpu.memory_space<vmem>>, vector<16xi32>,
              tpu.vector_store %arg11[%swap3A_215], %get3A_212 {strides = array<i32>} : memref<128xi32, #tpu.memory_space<vmem>>, vector<16xi32>,
              %scan3A_217 = arith.constant 0 : i32
              scf.yield %scan3A_217 : i32
            }
            %scan3A_190 = arith.constant 8 : i32
            "tpu.region"() ({
              %run_scoped3A = tpu.sem_alloc : memref<!tpu.dma_semaphore, #tpu.memory_space<semaphore_mem>>
              %dma_start3A_199 = arith.constant 0 : i32
              %dma_start3A_200 = arith.constant 0 : i32
              %dma_start3A_201 = tpu.memref_slice %arg3[%dma_start3A_199, %dma_start3A_200] : memref<147456x128xf32, #tpu.memory_space<hbm>> -> memref<147456x128xf32, #tpu.memory_space<hbm>>
              tpu.enqueue_indirect_dma source(%dma_start3A_201 : memref<147456x128xf32, #tpu.memory_space<hbm>>) target(%arg13 : memref<128x128xf32, #tpu.memory_space<vmem>>) offsets(%arg12 : memref<128xi32, #tpu.memory_space<vmem>>) semaphore(%run_scoped3A : memref<!tpu.dma_semaphore, #tpu.memory_space<semaphore_mem>>)
              %dma_wait3A_202 = arith.constant 0 : i32
              %dma_wait3A_203 = arith.constant 0 : i32
              %dma_wait3A_204 = tpu.memref_slice %arg3[%dma_wait3A_202, %dma_wait3A_203] : memref<147456x128xf32, #tpu.memory_space<hbm>> -> memref<147456x128xf32, #tpu.memory_space<hbm>>
              tpu.wait_indirect_dma semaphore(%run_scoped3A : memref<!tpu.dma_semaphore, #tpu.memory_space<semaphore_mem>>) src(%dma_wait3A_204 : memref<147456x128xf32, #tpu.memory_space<hbm>>) dst(%arg13 : memref<128x128xf32, #tpu.memory_space<vmem>>)
              tpu.yield
            }) : () -> ()
            %scan3A_191 = arith.constant 0 : i32
            %scan3A_192 = arith.constant 0 : i32
            %scan3A_193 = arith.constant 128 : i32
            %scan3A_194 = arith.addi %scan3A_192, %scan3A_193 : i32
            %scan3A_195 = arith.constant 4 : i32
            %scan3A_196 = scf.for %scan3A_199 = %scan3A_192 to %scan3A_194 step %scan3A_195 iter_args(%scan3A_200 = %scan3A_191) -> (i32)  : i32 {
              %add3A_201 = arith.addi %mul3A_183, %scan3A_199 : i32
              %broadcast_in_dim3A_202 = vector.broadcast %add3A_201 : i32 to vector<16xi32>
              %gather3A = tpu.vector_load_idx %arg10[%broadcast_in_dim3A_202] : memref<8448xf32, #tpu.memory_space<vmem>>[vector<16xi32>], vector<16xf32>,
              %get3A = arith.index_cast %scan3A_199 : i32 to index
              %get3A_203 = arith.constant 0 : index
              %get3A_204 = tpu.vector_load %arg13[%get3A, %get3A_203] {strides = array<i32>} : memref<128x128xf32, #tpu.memory_space<vmem>>, vector<16xf32>,
              %mul3A_205 = arith.mulf %get3A_204, %gather3A : vector<16xf32>
              %swap3A = arith.index_cast %scan3A_199 : i32 to index
              %swap3A_206 = arith.constant 0 : index
              %swap3A_207 = tpu.vector_load %arg13[%swap3A, %swap3A_206] {strides = array<i32>} : memref<128x128xf32, #tpu.memory_space<vmem>>, vector<16xf32>,
              tpu.vector_store %arg13[%swap3A, %swap3A_206], %mul3A_205 {strides = array<i32>} : memref<128x128xf32, #tpu.memory_space<vmem>>, vector<16xf32>,
              %get3A_208 = arith.index_cast %scan3A_199 : i32 to index
              %get3A_209 = arith.constant 16 : index
              %get3A_210 = tpu.vector_load %arg13[%get3A_208, %get3A_209] {strides = array<i32>} : memref<128x128xf32, #tpu.memory_space<vmem>>, vector<16xf32>,
              %mul3A_211 = arith.mulf %get3A_210, %gather3A : vector<16xf32>
              %swap3A_212 = arith.index_cast %scan3A_199 : i32 to index
              %swap3A_213 = arith.constant 16 : index
              %swap3A_214 = tpu.vector_load %arg13[%swap3A_212, %swap3A_213] {strides = array<i32>} : memref<128x128xf32, #tpu.memory_space<vmem>>, vector<16xf32>,
              tpu.vector_store %arg13[%swap3A_212, %swap3A_213], %mul3A_211 {strides = array<i32>} : memref<128x128xf32, #tpu.memory_space<vmem>>, vector<16xf32>,
              %get3A_215 = arith.index_cast %scan3A_199 : i32 to index
              %get3A_216 = arith.constant 32 : index
              %get3A_217 = tpu.vector_load %arg13[%get3A_215, %get3A_216] {strides = array<i32>} : memref<128x128xf32, #tpu.memory_space<vmem>>, vector<16xf32>,
              %mul3A_218 = arith.mulf %get3A_217, %gather3A : vector<16xf32>
              %swap3A_219 = arith.index_cast %scan3A_199 : i32 to index
              %swap3A_220 = arith.constant 32 : index
              %swap3A_221 = tpu.vector_load %arg13[%swap3A_219, %swap3A_220] {strides = array<i32>} : memref<128x128xf32, #tpu.memory_space<vmem>>, vector<16xf32>,
              tpu.vector_store %arg13[%swap3A_219, %swap3A_220], %mul3A_218 {strides = array<i32>} : memref<128x128xf32, #tpu.memory_space<vmem>>, vector<16xf32>,
              %get3A_222 = arith.index_cast %scan3A_199 : i32 to index
              %get3A_223 = arith.constant 48 : index
              %get3A_224 = tpu.vector_load %arg13[%get3A_222, %get3A_223] {strides = array<i32>} : memref<128x128xf32, #tpu.memory_space<vmem>>, vector<16xf32>,
              %mul3A_225 = arith.mulf %get3A_224, %gather3A : vector<16xf32>
              %swap3A_226 = arith.index_cast %scan3A_199 : i32 to index
              %swap3A_227 = arith.constant 48 : index
              %swap3A_228 = tpu.vector_load %arg13[%swap3A_226, %swap3A_227] {strides = array<i32>} : memref<128x128xf32, #tpu.memory_space<vmem>>, vector<16xf32>,
              tpu.vector_store %arg13[%swap3A_226, %swap3A_227], %mul3A_225 {strides = array<i32>} : memref<128x128xf32, #tpu.memory_space<vmem>>, vector<16xf32>,
              %get3A_229 = arith.index_cast %scan3A_199 : i32 to index
              %get3A_230 = arith.constant 64 : index
              %get3A_231 = tpu.vector_load %arg13[%get3A_229, %get3A_230] {strides = array<i32>} : memref<128x128xf32, #tpu.memory_space<vmem>>, vector<16xf32>,
              %mul3A_232 = arith.mulf %get3A_231, %gather3A : vector<16xf32>
              %swap3A_233 = arith.index_cast %scan3A_199 : i32 to index
              %swap3A_234 = arith.constant 64 : index
              %swap3A_235 = tpu.vector_load %arg13[%swap3A_233, %swap3A_234] {strides = array<i32>} : memref<128x128xf32, #tpu.memory_space<vmem>>, vector<16xf32>,
              tpu.vector_store %arg13[%swap3A_233, %swap3A_234], %mul3A_232 {strides = array<i32>} : memref<128x128xf32, #tpu.memory_space<vmem>>, vector<16xf32>,
              %get3A_236 = arith.index_cast %scan3A_199 : i32 to index
              %get3A_237 = arith.constant 80 : index
              %get3A_238 = tpu.vector_load %arg13[%get3A_236, %get3A_237] {strides = array<i32>} : memref<128x128xf32, #tpu.memory_space<vmem>>, vector<16xf32>,
              %mul3A_239 = arith.mulf %get3A_238, %gather3A : vector<16xf32>
              %swap3A_240 = arith.index_cast %scan3A_199 : i32 to index
              %swap3A_241 = arith.constant 80 : index
              %swap3A_242 = tpu.vector_load %arg13[%swap3A_240, %swap3A_241] {strides = array<i32>} : memref<128x128xf32, #tpu.memory_space<vmem>>, vector<16xf32>,
              tpu.vector_store %arg13[%swap3A_240, %swap3A_241], %mul3A_239 {strides = array<i32>} : memref<128x128xf32, #tpu.memory_space<vmem>>, vector<16xf32>,
              %get3A_243 = arith.index_cast %scan3A_199 : i32 to index
              %get3A_244 = arith.constant 96 : index
              %get3A_245 = tpu.vector_load %arg13[%get3A_243, %get3A_244] {strides = array<i32>} : memref<128x128xf32, #tpu.memory_space<vmem>>, vector<16xf32>,
              %mul3A_246 = arith.mulf %get3A_245, %gather3A : vector<16xf32>
              %swap3A_247 = arith.index_cast %scan3A_199 : i32 to index
              %swap3A_248 = arith.constant 96 : index
              %swap3A_249 = tpu.vector_load %arg13[%swap3A_247, %swap3A_248] {strides = array<i32>} : memref<128x128xf32, #tpu.memory_space<vmem>>, vector<16xf32>,
              tpu.vector_store %arg13[%swap3A_247, %swap3A_248], %mul3A_246 {strides = array<i32>} : memref<128x128xf32, #tpu.memory_space<vmem>>, vector<16xf32>,
              %get3A_250 = arith.index_cast %scan3A_199 : i32 to index
              %get3A_251 = arith.constant 112 : index
              %get3A_252 = tpu.vector_load %arg13[%get3A_250, %get3A_251] {strides = array<i32>} : memref<128x128xf32, #tpu.memory_space<vmem>>, vector<16xf32>,
              %mul3A_253 = arith.mulf %get3A_252, %gather3A : vector<16xf32>
              %swap3A_254 = arith.index_cast %scan3A_199 : i32 to index
              %swap3A_255 = arith.constant 112 : index
              %swap3A_256 = tpu.vector_load %arg13[%swap3A_254, %swap3A_255] {strides = array<i32>} : memref<128x128xf32, #tpu.memory_space<vmem>>, vector<16xf32>,
              tpu.vector_store %arg13[%swap3A_254, %swap3A_255], %mul3A_253 {strides = array<i32>} : memref<128x128xf32, #tpu.memory_space<vmem>>, vector<16xf32>,
              %scan3A_257 = arith.constant 0 : i32
              %scan3A_258 = arith.constant 1 : i32
              %scan3A_259 = arith.addi %scan3A_199, %scan3A_258 : i32
              %add3A_260 = arith.addi %mul3A_183, %scan3A_259 : i32
              %broadcast_in_dim3A_261 = vector.broadcast %add3A_260 : i32 to vector<16xi32>
              %gather3A_262 = tpu.vector_load_idx %arg10[%broadcast_in_dim3A_261] : memref<8448xf32, #tpu.memory_space<vmem>>[vector<16xi32>], vector<16xf32>,
              %get3A_263 = arith.index_cast %scan3A_259 : i32 to index
              %get3A_264 = arith.constant 0 : index
              %get3A_265 = tpu.vector_load %arg13[%get3A_263, %get3A_264] {strides = array<i32>} : memref<128x128xf32, #tpu.memory_space<vmem>>, vector<16xf32>,
              %mul3A_266 = arith.mulf %get3A_265, %gather3A_262 : vector<16xf32>
              %swap3A_267 = arith.index_cast %scan3A_259 : i32 to index
              %swap3A_268 = arith.constant 0 : index
              %swap3A_269 = tpu.vector_load %arg13[%swap3A_267, %swap3A_268] {strides = array<i32>} : memref<128x128xf32, #tpu.memory_space<vmem>>, vector<16xf32>,
              tpu.vector_store %arg13[%swap3A_267, %swap3A_268], %mul3A_266 {strides = array<i32>} : memref<128x128xf32, #tpu.memory_space<vmem>>, vector<16xf32>,
              %get3A_270 = arith.index_cast %scan3A_259 : i32 to index
              %get3A_271 = arith.constant 16 : index
              %get3A_272 = tpu.vector_load %arg13[%get3A_270, %get3A_271] {strides = array<i32>} : memref<128x128xf32, #tpu.memory_space<vmem>>, vector<16xf32>,
              %mul3A_273 = arith.mulf %get3A_272, %gather3A_262 : vector<16xf32>
              %swap3A_274 = arith.index_cast %scan3A_259 : i32 to index
              %swap3A_275 = arith.constant 16 : index
              %swap3A_276 = tpu.vector_load %arg13[%swap3A_274, %swap3A_275] {strides = array<i32>} : memref<128x128xf32, #tpu.memory_space<vmem>>, vector<16xf32>,
              tpu.vector_store %arg13[%swap3A_274, %swap3A_275], %mul3A_273 {strides = array<i32>} : memref<128x128xf32, #tpu.memory_space<vmem>>, vector<16xf32>,
              %get3A_277 = arith.index_cast %scan3A_259 : i32 to index
              %get3A_278 = arith.constant 32 : index
              %get3A_279 = tpu.vector_load %arg13[%get3A_277, %get3A_278] {strides = array<i32>} : memref<128x128xf32, #tpu.memory_space<vmem>>, vector<16xf32>,
              %mul3A_280 = arith.mulf %get3A_279, %gather3A_262 : vector<16xf32>
              %swap3A_281 = arith.index_cast %scan3A_259 : i32 to index
              %swap3A_282 = arith.constant 32 : index
              %swap3A_283 = tpu.vector_load %arg13[%swap3A_281, %swap3A_282] {strides = array<i32>} : memref<128x128xf32, #tpu.memory_space<vmem>>, vector<16xf32>,
              tpu.vector_store %arg13[%swap3A_281, %swap3A_282], %mul3A_280 {strides = array<i32>} : memref<128x128xf32, #tpu.memory_space<vmem>>, vector<16xf32>,
              %get3A_284 = arith.index_cast %scan3A_259 : i32 to index
              %get3A_285 = arith.constant 48 : index
              %get3A_286 = tpu.vector_load %arg13[%get3A_284, %get3A_285] {strides = array<i32>} : memref<128x128xf32, #tpu.memory_space<vmem>>, vector<16xf32>,
              %mul3A_287 = arith.mulf %get3A_286, %gather3A_262 : vector<16xf32>
              %swap3A_288 = arith.index_cast %scan3A_259 : i32 to index
              %swap3A_289 = arith.constant 48 : index
              %swap3A_290 = tpu.vector_load %arg13[%swap3A_288, %swap3A_289] {strides = array<i32>} : memref<128x128xf32, #tpu.memory_space<vmem>>, vector<16xf32>,
              tpu.vector_store %arg13[%swap3A_288, %swap3A_289], %mul3A_287 {strides = array<i32>} : memref<128x128xf32, #tpu.memory_space<vmem>>, vector<16xf32>,
              %get3A_291 = arith.index_cast %scan3A_259 : i32 to index
              %get3A_292 = arith.constant 64 : index
              %get3A_293 = tpu.vector_load %arg13[%get3A_291, %get3A_292] {strides = array<i32>} : memref<128x128xf32, #tpu.memory_space<vmem>>, vector<16xf32>,
              %mul3A_294 = arith.mulf %get3A_293, %gather3A_262 : vector<16xf32>
              %swap3A_295 = arith.index_cast %scan3A_259 : i32 to index
              %swap3A_296 = arith.constant 64 : index
              %swap3A_297 = tpu.vector_load %arg13[%swap3A_295, %swap3A_296] {strides = array<i32>} : memref<128x128xf32, #tpu.memory_space<vmem>>, vector<16xf32>,
              tpu.vector_store %arg13[%swap3A_295, %swap3A_296], %mul3A_294 {strides = array<i32>} : memref<128x128xf32, #tpu.memory_space<vmem>>, vector<16xf32>,
              %get3A_298 = arith.index_cast %scan3A_259 : i32 to index
              %get3A_299 = arith.constant 80 : index
              %get3A_300 = tpu.vector_load %arg13[%get3A_298, %get3A_299] {strides = array<i32>} : memref<128x128xf32, #tpu.memory_space<vmem>>, vector<16xf32>,
              %mul3A_301 = arith.mulf %get3A_300, %gather3A_262 : vector<16xf32>
              %swap3A_302 = arith.index_cast %scan3A_259 : i32 to index
              %swap3A_303 = arith.constant 80 : index
              %swap3A_304 = tpu.vector_load %arg13[%swap3A_302, %swap3A_303] {strides = array<i32>} : memref<128x128xf32, #tpu.memory_space<vmem>>, vector<16xf32>,
              tpu.vector_store %arg13[%swap3A_302, %swap3A_303], %mul3A_301 {strides = array<i32>} : memref<128x128xf32, #tpu.memory_space<vmem>>, vector<16xf32>,
              %get3A_305 = arith.index_cast %scan3A_259 : i32 to index
              %get3A_306 = arith.constant 96 : index
              %get3A_307 = tpu.vector_load %arg13[%get3A_305, %get3A_306] {strides = array<i32>} : memref<128x128xf32, #tpu.memory_space<vmem>>, vector<16xf32>,
              %mul3A_308 = arith.mulf %get3A_307, %gather3A_262 : vector<16xf32>
              %swap3A_309 = arith.index_cast %scan3A_259 : i32 to index
              %swap3A_310 = arith.constant 96 : index
              %swap3A_311 = tpu.vector_load %arg13[%swap3A_309, %swap3A_310] {strides = array<i32>} : memref<128x128xf32, #tpu.memory_space<vmem>>, vector<16xf32>,
              tpu.vector_store %arg13[%swap3A_309, %swap3A_310], %mul3A_308 {strides = array<i32>} : memref<128x128xf32, #tpu.memory_space<vmem>>, vector<16xf32>,
              %get3A_312 = arith.index_cast %scan3A_259 : i32 to index
              %get3A_313 = arith.constant 112 : index
              %get3A_314 = tpu.vector_load %arg13[%get3A_312, %get3A_313] {strides = array<i32>} : memref<128x128xf32, #tpu.memory_space<vmem>>, vector<16xf32>,
              %mul3A_315 = arith.mulf %get3A_314, %gather3A_262 : vector<16xf32>
              %swap3A_316 = arith.index_cast %scan3A_259 : i32 to index
              %swap3A_317 = arith.constant 112 : index
              %swap3A_318 = tpu.vector_load %arg13[%swap3A_316, %swap3A_317] {strides = array<i32>} : memref<128x128xf32, #tpu.memory_space<vmem>>, vector<16xf32>,
              tpu.vector_store %arg13[%swap3A_316, %swap3A_317], %mul3A_315 {strides = array<i32>} : memref<128x128xf32, #tpu.memory_space<vmem>>, vector<16xf32>,
              %scan3A_319 = arith.constant 0 : i32
              %scan3A_320 = arith.constant 2 : i32
              %scan3A_321 = arith.addi %scan3A_199, %scan3A_320 : i32
              %add3A_322 = arith.addi %mul3A_183, %scan3A_321 : i32
              %broadcast_in_dim3A_323 = vector.broadcast %add3A_322 : i32 to vector<16xi32>
              %gather3A_324 = tpu.vector_load_idx %arg10[%broadcast_in_dim3A_323] : memref<8448xf32, #tpu.memory_space<vmem>>[vector<16xi32>], vector<16xf32>,
              %get3A_325 = arith.index_cast %scan3A_321 : i32 to index
              %get3A_326 = arith.constant 0 : index
              %get3A_327 = tpu.vector_load %arg13[%get3A_325, %get3A_326] {strides = array<i32>} : memref<128x128xf32, #tpu.memory_space<vmem>>, vector<16xf32>,
              %mul3A_328 = arith.mulf %get3A_327, %gather3A_324 : vector<16xf32>
              %swap3A_329 = arith.index_cast %scan3A_321 : i32 to index
              %swap3A_330 = arith.constant 0 : index
              %swap3A_331 = tpu.vector_load %arg13[%swap3A_329, %swap3A_330] {strides = array<i32>} : memref<128x128xf32, #tpu.memory_space<vmem>>, vector<16xf32>,
              tpu.vector_store %arg13[%swap3A_329, %swap3A_330], %mul3A_328 {strides = array<i32>} : memref<128x128xf32, #tpu.memory_space<vmem>>, vector<16xf32>,
              %get3A_332 = arith.index_cast %scan3A_321 : i32 to index
              %get3A_333 = arith.constant 16 : index
              %get3A_334 = tpu.vector_load %arg13[%get3A_332, %get3A_333] {strides = array<i32>} : memref<128x128xf32, #tpu.memory_space<vmem>>, vector<16xf32>,
              %mul3A_335 = arith.mulf %get3A_334, %gather3A_324 : vector<16xf32>
              %swap3A_336 = arith.index_cast %scan3A_321 : i32 to index
              %swap3A_337 = arith.constant 16 : index
              %swap3A_338 = tpu.vector_load %arg13[%swap3A_336, %swap3A_337] {strides = array<i32>} : memref<128x128xf32, #tpu.memory_space<vmem>>, vector<16xf32>,
              tpu.vector_store %arg13[%swap3A_336, %swap3A_337], %mul3A_335 {strides = array<i32>} : memref<128x128xf32, #tpu.memory_space<vmem>>, vector<16xf32>,
              %get3A_339 = arith.index_cast %scan3A_321 : i32 to index
              %get3A_340 = arith.constant 32 : index
              %get3A_341 = tpu.vector_load %arg13[%get3A_339, %get3A_340] {strides = array<i32>} : memref<128x128xf32, #tpu.memory_space<vmem>>, vector<16xf32>,
              %mul3A_342 = arith.mulf %get3A_341, %gather3A_324 : vector<16xf32>
              %swap3A_343 = arith.index_cast %scan3A_321 : i32 to index
              %swap3A_344 = arith.constant 32 : index
              %swap3A_345 = tpu.vector_load %arg13[%swap3A_343, %swap3A_344] {strides = array<i32>} : memref<128x128xf32, #tpu.memory_space<vmem>>, vector<16xf32>,
              tpu.vector_store %arg13[%swap3A_343, %swap3A_344], %mul3A_342 {strides = array<i32>} : memref<128x128xf32, #tpu.memory_space<vmem>>, vector<16xf32>,
              %get3A_346 = arith.index_cast %scan3A_321 : i32 to index
              %get3A_347 = arith.constant 48 : index
              %get3A_348 = tpu.vector_load %arg13[%get3A_346, %get3A_347] {strides = array<i32>} : memref<128x128xf32, #tpu.memory_space<vmem>>, vector<16xf32>,
              %mul3A_349 = arith.mulf %get3A_348, %gather3A_324 : vector<16xf32>
              %swap3A_350 = arith.index_cast %scan3A_321 : i32 to index
              %swap3A_351 = arith.constant 48 : index
              %swap3A_352 = tpu.vector_load %arg13[%swap3A_350, %swap3A_351] {strides = array<i32>} : memref<128x128xf32, #tpu.memory_space<vmem>>, vector<16xf32>,
              tpu.vector_store %arg13[%swap3A_350, %swap3A_351], %mul3A_349 {strides = array<i32>} : memref<128x128xf32, #tpu.memory_space<vmem>>, vector<16xf32>,
              %get3A_353 = arith.index_cast %scan3A_321 : i32 to index
              %get3A_354 = arith.constant 64 : index
              %get3A_355 = tpu.vector_load %arg13[%get3A_353, %get3A_354] {strides = array<i32>} : memref<128x128xf32, #tpu.memory_space<vmem>>, vector<16xf32>,
              %mul3A_356 = arith.mulf %get3A_355, %gather3A_324 : vector<16xf32>
              %swap3A_357 = arith.index_cast %scan3A_321 : i32 to index
              %swap3A_358 = arith.constant 64 : index
              %swap3A_359 = tpu.vector_load %arg13[%swap3A_357, %swap3A_358] {strides = array<i32>} : memref<128x128xf32, #tpu.memory_space<vmem>>, vector<16xf32>,
              tpu.vector_store %arg13[%swap3A_357, %swap3A_358], %mul3A_356 {strides = array<i32>} : memref<128x128xf32, #tpu.memory_space<vmem>>, vector<16xf32>,
              %get3A_360 = arith.index_cast %scan3A_321 : i32 to index
              %get3A_361 = arith.constant 80 : index
              %get3A_362 = tpu.vector_load %arg13[%get3A_360, %get3A_361] {strides = array<i32>} : memref<128x128xf32, #tpu.memory_space<vmem>>, vector<16xf32>,
              %mul3A_363 = arith.mulf %get3A_362, %gather3A_324 : vector<16xf32>
              %swap3A_364 = arith.index_cast %scan3A_321 : i32 to index
              %swap3A_365 = arith.constant 80 : index
              %swap3A_366 = tpu.vector_load %arg13[%swap3A_364, %swap3A_365] {strides = array<i32>} : memref<128x128xf32, #tpu.memory_space<vmem>>, vector<16xf32>,
              tpu.vector_store %arg13[%swap3A_364, %swap3A_365], %mul3A_363 {strides = array<i32>} : memref<128x128xf32, #tpu.memory_space<vmem>>, vector<16xf32>,
              %get3A_367 = arith.index_cast %scan3A_321 : i32 to index
              %get3A_368 = arith.constant 96 : index
              %get3A_369 = tpu.vector_load %arg13[%get3A_367, %get3A_368] {strides = array<i32>} : memref<128x128xf32, #tpu.memory_space<vmem>>, vector<16xf32>,
              %mul3A_370 = arith.mulf %get3A_369, %gather3A_324 : vector<16xf32>
              %swap3A_371 = arith.index_cast %scan3A_321 : i32 to index
              %swap3A_372 = arith.constant 96 : index
              %swap3A_373 = tpu.vector_load %arg13[%swap3A_371, %swap3A_372] {strides = array<i32>} : memref<128x128xf32, #tpu.memory_space<vmem>>, vector<16xf32>,
              tpu.vector_store %arg13[%swap3A_371, %swap3A_372], %mul3A_370 {strides = array<i32>} : memref<128x128xf32, #tpu.memory_space<vmem>>, vector<16xf32>,
              %get3A_374 = arith.index_cast %scan3A_321 : i32 to index
              %get3A_375 = arith.constant 112 : index
              %get3A_376 = tpu.vector_load %arg13[%get3A_374, %get3A_375] {strides = array<i32>} : memref<128x128xf32, #tpu.memory_space<vmem>>, vector<16xf32>,
              %mul3A_377 = arith.mulf %get3A_376, %gather3A_324 : vector<16xf32>
              %swap3A_378 = arith.index_cast %scan3A_321 : i32 to index
              %swap3A_379 = arith.constant 112 : index
              %swap3A_380 = tpu.vector_load %arg13[%swap3A_378, %swap3A_379] {strides = array<i32>} : memref<128x128xf32, #tpu.memory_space<vmem>>, vector<16xf32>,
              tpu.vector_store %arg13[%swap3A_378, %swap3A_379], %mul3A_377 {strides = array<i32>} : memref<128x128xf32, #tpu.memory_space<vmem>>, vector<16xf32>,
              %scan3A_381 = arith.constant 0 : i32
              %scan3A_382 = arith.constant 3 : i32
              %scan3A_383 = arith.addi %scan3A_199, %scan3A_382 : i32
              %add3A_384 = arith.addi %mul3A_183, %scan3A_383 : i32
              %broadcast_in_dim3A_385 = vector.broadcast %add3A_384 : i32 to vector<16xi32>
              %gather3A_386 = tpu.vector_load_idx %arg10[%broadcast_in_dim3A_385] : memref<8448xf32, #tpu.memory_space<vmem>>[vector<16xi32>], vector<16xf32>,
              %get3A_387 = arith.index_cast %scan3A_383 : i32 to index
              %get3A_388 = arith.constant 0 : index
              %get3A_389 = tpu.vector_load %arg13[%get3A_387, %get3A_388] {strides = array<i32>} : memref<128x128xf32, #tpu.memory_space<vmem>>, vector<16xf32>,
              %mul3A_390 = arith.mulf %get3A_389, %gather3A_386 : vector<16xf32>
              %swap3A_391 = arith.index_cast %scan3A_383 : i32 to index
              %swap3A_392 = arith.constant 0 : index
              %swap3A_393 = tpu.vector_load %arg13[%swap3A_391, %swap3A_392] {strides = array<i32>} : memref<128x128xf32, #tpu.memory_space<vmem>>, vector<16xf32>,
              tpu.vector_store %arg13[%swap3A_391, %swap3A_392], %mul3A_390 {strides = array<i32>} : memref<128x128xf32, #tpu.memory_space<vmem>>, vector<16xf32>,
              %get3A_394 = arith.index_cast %scan3A_383 : i32 to index
              %get3A_395 = arith.constant 16 : index
              %get3A_396 = tpu.vector_load %arg13[%get3A_394, %get3A_395] {strides = array<i32>} : memref<128x128xf32, #tpu.memory_space<vmem>>, vector<16xf32>,
              %mul3A_397 = arith.mulf %get3A_396, %gather3A_386 : vector<16xf32>
              %swap3A_398 = arith.index_cast %scan3A_383 : i32 to index
              %swap3A_399 = arith.constant 16 : index
              %swap3A_400 = tpu.vector_load %arg13[%swap3A_398, %swap3A_399] {strides = array<i32>} : memref<128x128xf32, #tpu.memory_space<vmem>>, vector<16xf32>,
              tpu.vector_store %arg13[%swap3A_398, %swap3A_399], %mul3A_397 {strides = array<i32>} : memref<128x128xf32, #tpu.memory_space<vmem>>, vector<16xf32>,
              %get3A_401 = arith.index_cast %scan3A_383 : i32 to index
              %get3A_402 = arith.constant 32 : index
              %get3A_403 = tpu.vector_load %arg13[%get3A_401, %get3A_402] {strides = array<i32>} : memref<128x128xf32, #tpu.memory_space<vmem>>, vector<16xf32>,
              %mul3A_404 = arith.mulf %get3A_403, %gather3A_386 : vector<16xf32>
              %swap3A_405 = arith.index_cast %scan3A_383 : i32 to index
              %swap3A_406 = arith.constant 32 : index
              %swap3A_407 = tpu.vector_load %arg13[%swap3A_405, %swap3A_406] {strides = array<i32>} : memref<128x128xf32, #tpu.memory_space<vmem>>, vector<16xf32>,
              tpu.vector_store %arg13[%swap3A_405, %swap3A_406], %mul3A_404 {strides = array<i32>} : memref<128x128xf32, #tpu.memory_space<vmem>>, vector<16xf32>,
              %get3A_408 = arith.index_cast %scan3A_383 : i32 to index
              %get3A_409 = arith.constant 48 : index
              %get3A_410 = tpu.vector_load %arg13[%get3A_408, %get3A_409] {strides = array<i32>} : memref<128x128xf32, #tpu.memory_space<vmem>>, vector<16xf32>,
              %mul3A_411 = arith.mulf %get3A_410, %gather3A_386 : vector<16xf32>
              %swap3A_412 = arith.index_cast %scan3A_383 : i32 to index
              %swap3A_413 = arith.constant 48 : index
              %swap3A_414 = tpu.vector_load %arg13[%swap3A_412, %swap3A_413] {strides = array<i32>} : memref<128x128xf32, #tpu.memory_space<vmem>>, vector<16xf32>,
              tpu.vector_store %arg13[%swap3A_412, %swap3A_413], %mul3A_411 {strides = array<i32>} : memref<128x128xf32, #tpu.memory_space<vmem>>, vector<16xf32>,
              %get3A_415 = arith.index_cast %scan3A_383 : i32 to index
              %get3A_416 = arith.constant 64 : index
              %get3A_417 = tpu.vector_load %arg13[%get3A_415, %get3A_416] {strides = array<i32>} : memref<128x128xf32, #tpu.memory_space<vmem>>, vector<16xf32>,
              %mul3A_418 = arith.mulf %get3A_417, %gather3A_386 : vector<16xf32>
              %swap3A_419 = arith.index_cast %scan3A_383 : i32 to index
              %swap3A_420 = arith.constant 64 : index
              %swap3A_421 = tpu.vector_load %arg13[%swap3A_419, %swap3A_420] {strides = array<i32>} : memref<128x128xf32, #tpu.memory_space<vmem>>, vector<16xf32>,
              tpu.vector_store %arg13[%swap3A_419, %swap3A_420], %mul3A_418 {strides = array<i32>} : memref<128x128xf32, #tpu.memory_space<vmem>>, vector<16xf32>,
              %get3A_422 = arith.index_cast %scan3A_383 : i32 to index
              %get3A_423 = arith.constant 80 : index
              %get3A_424 = tpu.vector_load %arg13[%get3A_422, %get3A_423] {strides = array<i32>} : memref<128x128xf32, #tpu.memory_space<vmem>>, vector<16xf32>,
              %mul3A_425 = arith.mulf %get3A_424, %gather3A_386 : vector<16xf32>
              %swap3A_426 = arith.index_cast %scan3A_383 : i32 to index
              %swap3A_427 = arith.constant 80 : index
              %swap3A_428 = tpu.vector_load %arg13[%swap3A_426, %swap3A_427] {strides = array<i32>} : memref<128x128xf32, #tpu.memory_space<vmem>>, vector<16xf32>,
              tpu.vector_store %arg13[%swap3A_426, %swap3A_427], %mul3A_425 {strides = array<i32>} : memref<128x128xf32, #tpu.memory_space<vmem>>, vector<16xf32>,
              %get3A_429 = arith.index_cast %scan3A_383 : i32 to index
              %get3A_430 = arith.constant 96 : index
              %get3A_431 = tpu.vector_load %arg13[%get3A_429, %get3A_430] {strides = array<i32>} : memref<128x128xf32, #tpu.memory_space<vmem>>, vector<16xf32>,
              %mul3A_432 = arith.mulf %get3A_431, %gather3A_386 : vector<16xf32>
              %swap3A_433 = arith.index_cast %scan3A_383 : i32 to index
              %swap3A_434 = arith.constant 96 : index
              %swap3A_435 = tpu.vector_load %arg13[%swap3A_433, %swap3A_434] {strides = array<i32>} : memref<128x128xf32, #tpu.memory_space<vmem>>, vector<16xf32>,
              tpu.vector_store %arg13[%swap3A_433, %swap3A_434], %mul3A_432 {strides = array<i32>} : memref<128x128xf32, #tpu.memory_space<vmem>>, vector<16xf32>,
              %get3A_436 = arith.index_cast %scan3A_383 : i32 to index
              %get3A_437 = arith.constant 112 : index
              %get3A_438 = tpu.vector_load %arg13[%get3A_436, %get3A_437] {strides = array<i32>} : memref<128x128xf32, #tpu.memory_space<vmem>>, vector<16xf32>,
              %mul3A_439 = arith.mulf %get3A_438, %gather3A_386 : vector<16xf32>
              %swap3A_440 = arith.index_cast %scan3A_383 : i32 to index
              %swap3A_441 = arith.constant 112 : index
              %swap3A_442 = tpu.vector_load %arg13[%swap3A_440, %swap3A_441] {strides = array<i32>} : memref<128x128xf32, #tpu.memory_space<vmem>>, vector<16xf32>,
              tpu.vector_store %arg13[%swap3A_440, %swap3A_441], %mul3A_439 {strides = array<i32>} : memref<128x128xf32, #tpu.memory_space<vmem>>, vector<16xf32>,
              %scan3A_443 = arith.constant 0 : i32
              scf.yield %scan3A_443 : i32
            }
            %scan3A_197 = arith.constant 128 : i32
            "tpu.region"() ({
              %run_scoped3A = tpu.sem_alloc : memref<!tpu.dma_semaphore, #tpu.memory_space<semaphore_mem>>
              %dma_start3A_199 = arith.constant 0 : i32
              %dma_start3A_200 = arith.constant 0 : i32
              %dma_start3A_201 = tpu.memref_slice %arg14[%dma_start3A_199, %dma_start3A_200] : memref<9216x128xf32, #tpu.memory_space<vmem_shared>> -> memref<9216x128xf32, #tpu.memory_space<vmem_shared>>
              tpu.enqueue_indirect_dma source(%arg13 : memref<128x128xf32, #tpu.memory_space<vmem>>) target(%dma_start3A_201 : memref<9216x128xf32, #tpu.memory_space<vmem_shared>>) offsets(%arg11 : memref<128xi32, #tpu.memory_space<vmem>>) semaphore(%run_scoped3A : memref<!tpu.dma_semaphore, #tpu.memory_space<semaphore_mem>>) {add = true}
              %dma_wait3A_202 = arith.constant 0 : i32
              %dma_wait3A_203 = arith.constant 0 : i32
              %dma_wait3A_204 = tpu.memref_slice %arg14[%dma_wait3A_202, %dma_wait3A_203] : memref<9216x128xf32, #tpu.memory_space<vmem_shared>> -> memref<9216x128xf32, #tpu.memory_space<vmem_shared>>
              tpu.wait_indirect_dma semaphore(%run_scoped3A : memref<!tpu.dma_semaphore, #tpu.memory_space<semaphore_mem>>) src(%arg13 : memref<128x128xf32, #tpu.memory_space<vmem>>) dst(%dma_wait3A_204 : memref<9216x128xf32, #tpu.memory_space<vmem_shared>>)
              tpu.yield
            }) : () -> ()
            %while3A_198 = arith.constant 0 : i32
            scf.yield %while3A_198 : i32
          }
          %cond3A_179 = arith.constant 0 : i32
          scf.yield %cond3A_179 : i32
        } else {
          scf.yield %scan3A_97 : i32
        }
        %add3A_105 = arith.constant 2 : i32
        %add3A_106 = arith.addi %mul3A_72, %add3A_105 : i32
        %min3A = arith.constant 72 : i32
        %min3A_107 = arith.minsi %add3A_106, %min3A : i32
        %add3A_108 = arith.addi %mul3A_16, %min3A_107 : i32
        %dma_start3A_109 = arith.constant 0 : i32
        %dma_start3A_110 = arith.constant 0 : i32
        %dma_start3A_111 = tpu.memref_slice %arg2[%add3A_108, %dma_start3A_109, %dma_start3A_110] : memref<1184x3x512xi32, #tpu.memory_space<hbm>> -> memref<1x3x512xi32, #tpu.memory_space<hbm>>
        %dma_start3A_112 = tpu.memref_squeeze %dma_start3A_111 : memref<1x3x512xi32, #tpu.memory_space<hbm>> -> memref<3x512xi32, #tpu.memory_space<hbm>>
        %dma_start3A_113 = arith.constant 0 : i32
        %dma_start3A_114 = arith.constant 0 : i32
        %dma_start3A_115 = tpu.memref_slice %arg2[%add3A_108, %dma_start3A_113, %dma_start3A_114] : memref<1184x3x512xi32, #tpu.memory_space<hbm>> -> memref<1x3x512xi32, #tpu.memory_space<hbm>>
        %dma_start3A_116 = tpu.memref_squeeze %dma_start3A_115 : memref<1x3x512xi32, #tpu.memory_space<hbm>> -> memref<3x512xi32, #tpu.memory_space<hbm>>
        tpu.enqueue_dma source(%dma_start3A_116 : memref<3x512xi32, #tpu.memory_space<hbm>>) target(%arg6 : memref<3x512xi32, #tpu.memory_space<vmem>>) target_semaphore(%arg15 : memref<!tpu.dma_semaphore, #tpu.memory_space<semaphore_mem>>)
        %add3A_117 = arith.addi %mul3A_16, %mul3A_72 : i32
        %add3A_118 = arith.constant 1 : i32
        %add3A_119 = arith.addi %add3A_117, %add3A_118 : i32
        %dma_wait3A_120 = arith.constant 0 : i32
        %dma_wait3A_121 = arith.constant 0 : i32
        %dma_wait3A_122 = tpu.memref_slice %arg2[%add3A_119, %dma_wait3A_120, %dma_wait3A_121] : memref<1184x3x512xi32, #tpu.memory_space<hbm>> -> memref<1x3x512xi32, #tpu.memory_space<hbm>>
        %dma_wait3A_123 = tpu.memref_squeeze %dma_wait3A_122 : memref<1x3x512xi32, #tpu.memory_space<hbm>> -> memref<3x512xi32, #tpu.memory_space<hbm>>
        %dma_wait3A_124 = arith.constant 0 : i32
        %dma_wait3A_125 = arith.constant 0 : i32
        %dma_wait3A_126 = tpu.memref_slice %arg2[%add3A_119, %dma_wait3A_124, %dma_wait3A_125] : memref<1184x3x512xi32, #tpu.memory_space<hbm>> -> memref<1x3x512xi32, #tpu.memory_space<hbm>>
        %dma_wait3A_127 = tpu.memref_squeeze %dma_wait3A_126 : memref<1x3x512xi32, #tpu.memory_space<hbm>> -> memref<3x512xi32, #tpu.memory_space<hbm>>
        tpu.wait_dma2 semaphore(%arg16 : memref<!tpu.dma_semaphore, #tpu.memory_space<semaphore_mem>>) src(%dma_wait3A_127 : memref<3x512xi32, #tpu.memory_space<hbm>>) dst(%arg7 : memref<3x512xi32, #tpu.memory_space<vmem>>)
        %scan3A_128 = arith.constant 0 : i32
        %scan3A_129 = arith.constant 32 : i32
        %scan3A_130 = arith.addi %scan3A_128, %scan3A_129 : i32
        %scan3A_131 = arith.constant 1 : i32
        %scan3A_132 = scf.for %scan3A_140 = %scan3A_128 to %scan3A_130 step %scan3A_131 iter_args(%scan3A_141 = %cond3A_104) -> (i32)  : i32 {
          %mul3A_142 = arith.constant 16 : i32
          %mul3A_143 = arith.muli %mul3A_142, %scan3A_140 : i32
          %get3A = arith.constant 0 : i32
          %get3A_144 = arith.index_cast %get3A : i32 to index
          %get3A_145 = arith.index_cast %mul3A_143 : i32 to index
          %get3A_146 = tpu.vector_load %arg7[%get3A_144, %get3A_145] {strides = array<i32>} : memref<3x512xi32, #tpu.memory_space<vmem>>, vector<16xi32>,
          %ge3A = vector.broadcast %mul3A_29 : i32 to vector<16xi32>
          %ge3A_147 = arith.cmpi sge, %get3A_146, %ge3A : vector<16xi32>
          %add3A_148 = arith.constant 9216 : i32
          %add3A_149 = arith.addi %mul3A_29, %add3A_148 : i32
          %lt3A = vector.broadcast %add3A_149 : i32 to vector<16xi32>
          %lt3A_150 = arith.cmpi slt, %get3A_146, %lt3A : vector<16xi32>
          %and3A = arith.andi %ge3A_147, %lt3A_150 : vector<16xi1>
          %convert_element_type3A_151 = arith.extui %and3A : vector<16xi1> to vector<16xi32>
          %broadcast_in_dim3A_152 = arith.constant true
          %broadcast_in_dim3A_153 = vector.broadcast %broadcast_in_dim3A_152 : i1 to vector<16xi1>
          %masked_cumsum3A = tpu.scan <sum>, %convert_element_type3A_151 masked %broadcast_in_dim3A_153 : vector<16xi32>, vector<16xi1> -> vector<16xi32>
          %add3A_154 = vector.broadcast %scan3A_141 : i32 to vector<16xi32>
          %add3A_155 = arith.addi %add3A_154, %masked_cumsum3A : vector<16xi32>
          %sub3A_156 = arith.constant 1 : i32
          %sub3A_157 = vector.broadcast %sub3A_156 : i32 to vector<16xi32>
          %sub3A_158 = arith.subi %add3A_155, %sub3A_157 : vector<16xi32>
          %sub3A_159 = vector.broadcast %mul3A_29 : i32 to vector<16xi32>
          %sub3A_160 = arith.subi %get3A_146, %sub3A_159 : vector<16xi32>
          tpu.vector_store_idx %arg8[%sub3A_158], %sub3A_160 masked %and3A : memref<8208xi32, #tpu.memory_space<vmem>>[vector<16xi32>], vector<16xi32>, vector<16xi1>
          %get3A_161 = arith.constant 1 : i32
          %get3A_162 = arith.index_cast %get3A_161 : i32 to index
          %get3A_163 = arith.index_cast %mul3A_143 : i32 to index
          %get3A_164 = tpu.vector_load %arg7[%get3A_162, %get3A_163] {strides = array<i32>} : memref<3x512xi32, #tpu.memory_space<vmem>>, vector<16xi32>,
          tpu.vector_store_idx %arg9[%sub3A_158], %get3A_164 masked %and3A : memref<8208xi32, #tpu.memory_space<vmem>>[vector<16xi32>], vector<16xi32>, vector<16xi1>
          %get3A_165 = arith.constant 2 : i32
          %get3A_166 = arith.index_cast %get3A_165 : i32 to index
          %get3A_167 = arith.index_cast %mul3A_143 : i32 to index
          %get3A_168 = tpu.vector_load %arg7[%get3A_166, %get3A_167] {strides = array<i32>} : memref<3x512xi32, #tpu.memory_space<vmem>>, vector<16xi32>,
          %bitcast3A = vector.bitcast %get3A_168 : vector<16xi32> to vector<16xf32>
          tpu.vector_store_idx %arg10[%sub3A_158], %bitcast3A masked %and3A : memref<8448xf32, #tpu.memory_space<vmem>>[vector<16xi32>], vector<16xf32>, vector<16xi1>
          %slice3A = vector.extract_strided_slice %masked_cumsum3A {offsets = [15], sizes = [1], strides = [1]} : vector<16xi32> to vector<1xi32>
          %squeeze3A = vector.extract %slice3A[0] : i32 from vector<1xi32>
          %add3A_169 = arith.addi %scan3A_141, %squeeze3A : i32
          scf.yield %add3A_169 : i32
        }
        %scan3A_133 = arith.constant 32 : i32
        %gt3A_134 = arith.constant 7680 : i32
        %gt3A_135 = arith.cmpi sgt, %scan3A_132, %gt3A_134 : i32
        %convert_element_type3A_136 = arith.extui %gt3A_135 : i1 to i32
        %cond3A_137 = arith.constant 0 : i32
        %cond3A_138 = arith.cmpi ne, %convert_element_type3A_136, %cond3A_137 : i32
        %cond3A_139 = scf.if %cond3A_138 -> (i32) {
          %scan3A_140 = arith.constant 0 : i32
          %scan3A_141 = arith.constant 0 : i32
          %scan3A_142 = arith.constant 8 : i32
          %scan3A_143 = arith.addi %scan3A_141, %scan3A_142 : i32
          %scan3A_144 = arith.constant 1 : i32
          %scan3A_145 = scf.for %scan3A_180 = %scan3A_141 to %scan3A_143 step %scan3A_144 iter_args(%scan3A_181 = %scan3A_140) -> (i32)  : i32 {
            %mul3A_182 = arith.constant 16 : i32
            %mul3A_183 = arith.muli %mul3A_182, %scan3A_180 : i32
            %add3A_184 = arith.addi %scan3A_132, %mul3A_183 : i32
            %swap3A = arith.index_cast %add3A_184 : i32 to index
            %swap3A_185 = tpu.vector_load %arg10[%swap3A] {strides = array<i32>} : memref<8448xf32, #tpu.memory_space<vmem>>, vector<16xf32>,
            tpu.vector_store %arg10[%swap3A], %broadcast_in_dim3A_2 {strides = array<i32>} : memref<8448xf32, #tpu.memory_space<vmem>>, vector<16xf32>,
            %scan3A_186 = arith.constant 0 : i32
            scf.yield %scan3A_186 : i32
          }
          %scan3A_146 = arith.constant 8 : i32
          %add3A_147 = arith.constant 128 : i32
          %add3A_148 = arith.addi %scan3A_132, %add3A_147 : i32
          %sub3A_149 = arith.constant 1 : i32
          %sub3A_150 = arith.subi %add3A_148, %sub3A_149 : i32
          %jit3A = arith.constant 128 : i32
          %div3A = arith.divsi %sub3A_150, %jit3A : i32
          %sign3A = arith.constant 0 : i32
          %sign3A_151 = arith.cmpi sgt, %sub3A_150, %sign3A : i32
          %sign3A_152 = arith.extui %sign3A_151 : i1 to i32
          %sign3A_153 = arith.constant 0 : i32
          %sign3A_154 = arith.cmpi slt, %sub3A_150, %sign3A_153 : i32
          %sign3A_155 = arith.extui %sign3A_154 : i1 to i32
          %sign3A_156 = arith.subi %sign3A_152, %sign3A_155 : i32
          %sign3A_157 = arith.constant 0 : i32
          %sign3A_158 = arith.cmpi sgt, %jit3A, %sign3A_157 : i32
          %sign3A_159 = arith.extui %sign3A_158 : i1 to i32
          %sign3A_160 = arith.constant 0 : i32
          %sign3A_161 = arith.cmpi slt, %jit3A, %sign3A_160 : i32
          %sign3A_162 = arith.extui %sign3A_161 : i1 to i32
          %sign3A_163 = arith.subi %sign3A_159, %sign3A_162 : i32
          %ne3A = arith.cmpi ne, %sign3A_156, %sign3A_163 : i32
          %rem3A = arith.remsi %sub3A_150, %jit3A : i32
          %ne3A_164 = arith.constant 0 : i32
          %ne3A_165 = arith.cmpi ne, %rem3A, %ne3A_164 : i32
          %and3A = arith.andi %ne3A, %ne3A_165 : i1
          %sub3A_166 = arith.constant 1 : i32
          %sub3A_167 = arith.subi %div3A, %sub3A_166 : i32
          %select_n3A = arith.select %and3A, %sub3A_167, %div3A : i32
          %while3A = arith.constant 0 : i32
          %while3A_168 = arith.constant 0 : i32
          %while3A_169 = arith.subi %select_n3A, %while3A : i32
          %while3A_170 = arith.addi %while3A, %while3A_169 : i32
          %while3A_171 = arith.constant 1 : i32
          %while3A_172 = arith.divsi %while3A_169, %while3A_171 : i32
          %while3A_173 = arith.muli %while3A_172, %while3A_171 : i32
          %while3A_174 = arith.addi %while3A, %while3A_173 : i32
          %while3A_175 = arith.constant 1 : i32
          %while3A_176 = scf.for %while3A_180 = %while3A to %while3A_174 step %while3A_175 iter_args(%while3A_181 = %while3A_168) -> (i32)  : i32 {
            %mul3A_182 = arith.constant 128 : i32
            %mul3A_183 = arith.muli %while3A_180, %mul3A_182 : i32
            %scan3A_184 = arith.constant 0 : i32
            %scan3A_185 = arith.constant 0 : i32
            %scan3A_186 = arith.constant 8 : i32
            %scan3A_187 = arith.addi %scan3A_185, %scan3A_186 : i32
            %scan3A_188 = arith.constant 1 : i32
            %scan3A_189 = scf.for %scan3A_199 = %scan3A_185 to %scan3A_187 step %scan3A_188 iter_args(%scan3A_200 = %scan3A_184) -> (i32)  : i32 {
              %mul3A_201 = arith.constant 16 : i32
              %mul3A_202 = arith.muli %mul3A_201, %scan3A_199 : i32
              %add3A_203 = arith.addi %mul3A_183, %mul3A_202 : i32
              %get3A = arith.index_cast %add3A_203 : i32 to index
              %get3A_204 = tpu.vector_load %arg9[%get3A] {strides = array<i32>} : memref<8208xi32, #tpu.memory_space<vmem>>, vector<16xi32>,
              %mul3A_205 = arith.constant 16 : i32
              %mul3A_206 = arith.muli %mul3A_205, %scan3A_199 : i32
              %swap3A = arith.index_cast %mul3A_206 : i32 to index
              %swap3A_207 = tpu.vector_load %arg12[%swap3A] {strides = array<i32>} : memref<128xi32, #tpu.memory_space<vmem>>, vector<16xi32>,
              tpu.vector_store %arg12[%swap3A], %get3A_204 {strides = array<i32>} : memref<128xi32, #tpu.memory_space<vmem>>, vector<16xi32>,
              %mul3A_208 = arith.constant 16 : i32
              %mul3A_209 = arith.muli %mul3A_208, %scan3A_199 : i32
              %add3A_210 = arith.addi %mul3A_183, %mul3A_209 : i32
              %get3A_211 = arith.index_cast %add3A_210 : i32 to index
              %get3A_212 = tpu.vector_load %arg8[%get3A_211] {strides = array<i32>} : memref<8208xi32, #tpu.memory_space<vmem>>, vector<16xi32>,
              %mul3A_213 = arith.constant 16 : i32
              %mul3A_214 = arith.muli %mul3A_213, %scan3A_199 : i32
              %swap3A_215 = arith.index_cast %mul3A_214 : i32 to index
              %swap3A_216 = tpu.vector_load %arg11[%swap3A_215] {strides = array<i32>} : memref<128xi32, #tpu.memory_space<vmem>>, vector<16xi32>,
              tpu.vector_store %arg11[%swap3A_215], %get3A_212 {strides = array<i32>} : memref<128xi32, #tpu.memory_space<vmem>>, vector<16xi32>,
              %scan3A_217 = arith.constant 0 : i32
              scf.yield %scan3A_217 : i32
            }
            %scan3A_190 = arith.constant 8 : i32
            "tpu.region"() ({
              %run_scoped3A = tpu.sem_alloc : memref<!tpu.dma_semaphore, #tpu.memory_space<semaphore_mem>>
              %dma_start3A_199 = arith.constant 0 : i32
              %dma_start3A_200 = arith.constant 0 : i32
              %dma_start3A_201 = tpu.memref_slice %arg3[%dma_start3A_199, %dma_start3A_200] : memref<147456x128xf32, #tpu.memory_space<hbm>> -> memref<147456x128xf32, #tpu.memory_space<hbm>>
              tpu.enqueue_indirect_dma source(%dma_start3A_201 : memref<147456x128xf32, #tpu.memory_space<hbm>>) target(%arg13 : memref<128x128xf32, #tpu.memory_space<vmem>>) offsets(%arg12 : memref<128xi32, #tpu.memory_space<vmem>>) semaphore(%run_scoped3A : memref<!tpu.dma_semaphore, #tpu.memory_space<semaphore_mem>>)
              %dma_wait3A_202 = arith.constant 0 : i32
              %dma_wait3A_203 = arith.constant 0 : i32
              %dma_wait3A_204 = tpu.memref_slice %arg3[%dma_wait3A_202, %dma_wait3A_203] : memref<147456x128xf32, #tpu.memory_space<hbm>> -> memref<147456x128xf32, #tpu.memory_space<hbm>>
              tpu.wait_indirect_dma semaphore(%run_scoped3A : memref<!tpu.dma_semaphore, #tpu.memory_space<semaphore_mem>>) src(%dma_wait3A_204 : memref<147456x128xf32, #tpu.memory_space<hbm>>) dst(%arg13 : memref<128x128xf32, #tpu.memory_space<vmem>>)
              tpu.yield
            }) : () -> ()
            %scan3A_191 = arith.constant 0 : i32
            %scan3A_192 = arith.constant 0 : i32
            %scan3A_193 = arith.constant 128 : i32
            %scan3A_194 = arith.addi %scan3A_192, %scan3A_193 : i32
            %scan3A_195 = arith.constant 4 : i32
            %scan3A_196 = scf.for %scan3A_199 = %scan3A_192 to %scan3A_194 step %scan3A_195 iter_args(%scan3A_200 = %scan3A_191) -> (i32)  : i32 {
              %add3A_201 = arith.addi %mul3A_183, %scan3A_199 : i32
              %broadcast_in_dim3A_202 = vector.broadcast %add3A_201 : i32 to vector<16xi32>
              %gather3A = tpu.vector_load_idx %arg10[%broadcast_in_dim3A_202] : memref<8448xf32, #tpu.memory_space<vmem>>[vector<16xi32>], vector<16xf32>,
              %get3A = arith.index_cast %scan3A_199 : i32 to index
              %get3A_203 = arith.constant 0 : index
              %get3A_204 = tpu.vector_load %arg13[%get3A, %get3A_203] {strides = array<i32>} : memref<128x128xf32, #tpu.memory_space<vmem>>, vector<16xf32>,
              %mul3A_205 = arith.mulf %get3A_204, %gather3A : vector<16xf32>
              %swap3A = arith.index_cast %scan3A_199 : i32 to index
              %swap3A_206 = arith.constant 0 : index
              %swap3A_207 = tpu.vector_load %arg13[%swap3A, %swap3A_206] {strides = array<i32>} : memref<128x128xf32, #tpu.memory_space<vmem>>, vector<16xf32>,
              tpu.vector_store %arg13[%swap3A, %swap3A_206], %mul3A_205 {strides = array<i32>} : memref<128x128xf32, #tpu.memory_space<vmem>>, vector<16xf32>,
              %get3A_208 = arith.index_cast %scan3A_199 : i32 to index
              %get3A_209 = arith.constant 16 : index
              %get3A_210 = tpu.vector_load %arg13[%get3A_208, %get3A_209] {strides = array<i32>} : memref<128x128xf32, #tpu.memory_space<vmem>>, vector<16xf32>,
              %mul3A_211 = arith.mulf %get3A_210, %gather3A : vector<16xf32>
              %swap3A_212 = arith.index_cast %scan3A_199 : i32 to index
              %swap3A_213 = arith.constant 16 : index
              %swap3A_214 = tpu.vector_load %arg13[%swap3A_212, %swap3A_213] {strides = array<i32>} : memref<128x128xf32, #tpu.memory_space<vmem>>, vector<16xf32>,
              tpu.vector_store %arg13[%swap3A_212, %swap3A_213], %mul3A_211 {strides = array<i32>} : memref<128x128xf32, #tpu.memory_space<vmem>>, vector<16xf32>,
              %get3A_215 = arith.index_cast %scan3A_199 : i32 to index
              %get3A_216 = arith.constant 32 : index
              %get3A_217 = tpu.vector_load %arg13[%get3A_215, %get3A_216] {strides = array<i32>} : memref<128x128xf32, #tpu.memory_space<vmem>>, vector<16xf32>,
              %mul3A_218 = arith.mulf %get3A_217, %gather3A : vector<16xf32>
              %swap3A_219 = arith.index_cast %scan3A_199 : i32 to index
              %swap3A_220 = arith.constant 32 : index
              %swap3A_221 = tpu.vector_load %arg13[%swap3A_219, %swap3A_220] {strides = array<i32>} : memref<128x128xf32, #tpu.memory_space<vmem>>, vector<16xf32>,
              tpu.vector_store %arg13[%swap3A_219, %swap3A_220], %mul3A_218 {strides = array<i32>} : memref<128x128xf32, #tpu.memory_space<vmem>>, vector<16xf32>,
              %get3A_222 = arith.index_cast %scan3A_199 : i32 to index
              %get3A_223 = arith.constant 48 : index
              %get3A_224 = tpu.vector_load %arg13[%get3A_222, %get3A_223] {strides = array<i32>} : memref<128x128xf32, #tpu.memory_space<vmem>>, vector<16xf32>,
              %mul3A_225 = arith.mulf %get3A_224, %gather3A : vector<16xf32>
              %swap3A_226 = arith.index_cast %scan3A_199 : i32 to index
              %swap3A_227 = arith.constant 48 : index
              %swap3A_228 = tpu.vector_load %arg13[%swap3A_226, %swap3A_227] {strides = array<i32>} : memref<128x128xf32, #tpu.memory_space<vmem>>, vector<16xf32>,
              tpu.vector_store %arg13[%swap3A_226, %swap3A_227], %mul3A_225 {strides = array<i32>} : memref<128x128xf32, #tpu.memory_space<vmem>>, vector<16xf32>,
              %get3A_229 = arith.index_cast %scan3A_199 : i32 to index
              %get3A_230 = arith.constant 64 : index
              %get3A_231 = tpu.vector_load %arg13[%get3A_229, %get3A_230] {strides = array<i32>} : memref<128x128xf32, #tpu.memory_space<vmem>>, vector<16xf32>,
              %mul3A_232 = arith.mulf %get3A_231, %gather3A : vector<16xf32>
              %swap3A_233 = arith.index_cast %scan3A_199 : i32 to index
              %swap3A_234 = arith.constant 64 : index
              %swap3A_235 = tpu.vector_load %arg13[%swap3A_233, %swap3A_234] {strides = array<i32>} : memref<128x128xf32, #tpu.memory_space<vmem>>, vector<16xf32>,
              tpu.vector_store %arg13[%swap3A_233, %swap3A_234], %mul3A_232 {strides = array<i32>} : memref<128x128xf32, #tpu.memory_space<vmem>>, vector<16xf32>,
              %get3A_236 = arith.index_cast %scan3A_199 : i32 to index
              %get3A_237 = arith.constant 80 : index
              %get3A_238 = tpu.vector_load %arg13[%get3A_236, %get3A_237] {strides = array<i32>} : memref<128x128xf32, #tpu.memory_space<vmem>>, vector<16xf32>,
              %mul3A_239 = arith.mulf %get3A_238, %gather3A : vector<16xf32>
              %swap3A_240 = arith.index_cast %scan3A_199 : i32 to index
              %swap3A_241 = arith.constant 80 : index
              %swap3A_242 = tpu.vector_load %arg13[%swap3A_240, %swap3A_241] {strides = array<i32>} : memref<128x128xf32, #tpu.memory_space<vmem>>, vector<16xf32>,
              tpu.vector_store %arg13[%swap3A_240, %swap3A_241], %mul3A_239 {strides = array<i32>} : memref<128x128xf32, #tpu.memory_space<vmem>>, vector<16xf32>,
              %get3A_243 = arith.index_cast %scan3A_199 : i32 to index
              %get3A_244 = arith.constant 96 : index
              %get3A_245 = tpu.vector_load %arg13[%get3A_243, %get3A_244] {strides = array<i32>} : memref<128x128xf32, #tpu.memory_space<vmem>>, vector<16xf32>,
              %mul3A_246 = arith.mulf %get3A_245, %gather3A : vector<16xf32>
              %swap3A_247 = arith.index_cast %scan3A_199 : i32 to index
              %swap3A_248 = arith.constant 96 : index
              %swap3A_249 = tpu.vector_load %arg13[%swap3A_247, %swap3A_248] {strides = array<i32>} : memref<128x128xf32, #tpu.memory_space<vmem>>, vector<16xf32>,
              tpu.vector_store %arg13[%swap3A_247, %swap3A_248], %mul3A_246 {strides = array<i32>} : memref<128x128xf32, #tpu.memory_space<vmem>>, vector<16xf32>,
              %get3A_250 = arith.index_cast %scan3A_199 : i32 to index
              %get3A_251 = arith.constant 112 : index
              %get3A_252 = tpu.vector_load %arg13[%get3A_250, %get3A_251] {strides = array<i32>} : memref<128x128xf32, #tpu.memory_space<vmem>>, vector<16xf32>,
              %mul3A_253 = arith.mulf %get3A_252, %gather3A : vector<16xf32>
              %swap3A_254 = arith.index_cast %scan3A_199 : i32 to index
              %swap3A_255 = arith.constant 112 : index
              %swap3A_256 = tpu.vector_load %arg13[%swap3A_254, %swap3A_255] {strides = array<i32>} : memref<128x128xf32, #tpu.memory_space<vmem>>, vector<16xf32>,
              tpu.vector_store %arg13[%swap3A_254, %swap3A_255], %mul3A_253 {strides = array<i32>} : memref<128x128xf32, #tpu.memory_space<vmem>>, vector<16xf32>,
              %scan3A_257 = arith.constant 0 : i32
              %scan3A_258 = arith.constant 1 : i32
              %scan3A_259 = arith.addi %scan3A_199, %scan3A_258 : i32
              %add3A_260 = arith.addi %mul3A_183, %scan3A_259 : i32
              %broadcast_in_dim3A_261 = vector.broadcast %add3A_260 : i32 to vector<16xi32>
              %gather3A_262 = tpu.vector_load_idx %arg10[%broadcast_in_dim3A_261] : memref<8448xf32, #tpu.memory_space<vmem>>[vector<16xi32>], vector<16xf32>,
              %get3A_263 = arith.index_cast %scan3A_259 : i32 to index
              %get3A_264 = arith.constant 0 : index
              %get3A_265 = tpu.vector_load %arg13[%get3A_263, %get3A_264] {strides = array<i32>} : memref<128x128xf32, #tpu.memory_space<vmem>>, vector<16xf32>,
              %mul3A_266 = arith.mulf %get3A_265, %gather3A_262 : vector<16xf32>
              %swap3A_267 = arith.index_cast %scan3A_259 : i32 to index
              %swap3A_268 = arith.constant 0 : index
              %swap3A_269 = tpu.vector_load %arg13[%swap3A_267, %swap3A_268] {strides = array<i32>} : memref<128x128xf32, #tpu.memory_space<vmem>>, vector<16xf32>,
              tpu.vector_store %arg13[%swap3A_267, %swap3A_268], %mul3A_266 {strides = array<i32>} : memref<128x128xf32, #tpu.memory_space<vmem>>, vector<16xf32>,
              %get3A_270 = arith.index_cast %scan3A_259 : i32 to index
              %get3A_271 = arith.constant 16 : index
              %get3A_272 = tpu.vector_load %arg13[%get3A_270, %get3A_271] {strides = array<i32>} : memref<128x128xf32, #tpu.memory_space<vmem>>, vector<16xf32>,
              %mul3A_273 = arith.mulf %get3A_272, %gather3A_262 : vector<16xf32>
              %swap3A_274 = arith.index_cast %scan3A_259 : i32 to index
              %swap3A_275 = arith.constant 16 : index
              %swap3A_276 = tpu.vector_load %arg13[%swap3A_274, %swap3A_275] {strides = array<i32>} : memref<128x128xf32, #tpu.memory_space<vmem>>, vector<16xf32>,
              tpu.vector_store %arg13[%swap3A_274, %swap3A_275], %mul3A_273 {strides = array<i32>} : memref<128x128xf32, #tpu.memory_space<vmem>>, vector<16xf32>,
              %get3A_277 = arith.index_cast %scan3A_259 : i32 to index
              %get3A_278 = arith.constant 32 : index
              %get3A_279 = tpu.vector_load %arg13[%get3A_277, %get3A_278] {strides = array<i32>} : memref<128x128xf32, #tpu.memory_space<vmem>>, vector<16xf32>,
              %mul3A_280 = arith.mulf %get3A_279, %gather3A_262 : vector<16xf32>
              %swap3A_281 = arith.index_cast %scan3A_259 : i32 to index
              %swap3A_282 = arith.constant 32 : index
              %swap3A_283 = tpu.vector_load %arg13[%swap3A_281, %swap3A_282] {strides = array<i32>} : memref<128x128xf32, #tpu.memory_space<vmem>>, vector<16xf32>,
              tpu.vector_store %arg13[%swap3A_281, %swap3A_282], %mul3A_280 {strides = array<i32>} : memref<128x128xf32, #tpu.memory_space<vmem>>, vector<16xf32>,
              %get3A_284 = arith.index_cast %scan3A_259 : i32 to index
              %get3A_285 = arith.constant 48 : index
              %get3A_286 = tpu.vector_load %arg13[%get3A_284, %get3A_285] {strides = array<i32>} : memref<128x128xf32, #tpu.memory_space<vmem>>, vector<16xf32>,
              %mul3A_287 = arith.mulf %get3A_286, %gather3A_262 : vector<16xf32>
              %swap3A_288 = arith.index_cast %scan3A_259 : i32 to index
              %swap3A_289 = arith.constant 48 : index
              %swap3A_290 = tpu.vector_load %arg13[%swap3A_288, %swap3A_289] {strides = array<i32>} : memref<128x128xf32, #tpu.memory_space<vmem>>, vector<16xf32>,
              tpu.vector_store %arg13[%swap3A_288, %swap3A_289], %mul3A_287 {strides = array<i32>} : memref<128x128xf32, #tpu.memory_space<vmem>>, vector<16xf32>,
              %get3A_291 = arith.index_cast %scan3A_259 : i32 to index
              %get3A_292 = arith.constant 64 : index
              %get3A_293 = tpu.vector_load %arg13[%get3A_291, %get3A_292] {strides = array<i32>} : memref<128x128xf32, #tpu.memory_space<vmem>>, vector<16xf32>,
              %mul3A_294 = arith.mulf %get3A_293, %gather3A_262 : vector<16xf32>
              %swap3A_295 = arith.index_cast %scan3A_259 : i32 to index
              %swap3A_296 = arith.constant 64 : index
              %swap3A_297 = tpu.vector_load %arg13[%swap3A_295, %swap3A_296] {strides = array<i32>} : memref<128x128xf32, #tpu.memory_space<vmem>>, vector<16xf32>,
              tpu.vector_store %arg13[%swap3A_295, %swap3A_296], %mul3A_294 {strides = array<i32>} : memref<128x128xf32, #tpu.memory_space<vmem>>, vector<16xf32>,
              %get3A_298 = arith.index_cast %scan3A_259 : i32 to index
              %get3A_299 = arith.constant 80 : index
              %get3A_300 = tpu.vector_load %arg13[%get3A_298, %get3A_299] {strides = array<i32>} : memref<128x128xf32, #tpu.memory_space<vmem>>, vector<16xf32>,
              %mul3A_301 = arith.mulf %get3A_300, %gather3A_262 : vector<16xf32>
              %swap3A_302 = arith.index_cast %scan3A_259 : i32 to index
              %swap3A_303 = arith.constant 80 : index
              %swap3A_304 = tpu.vector_load %arg13[%swap3A_302, %swap3A_303] {strides = array<i32>} : memref<128x128xf32, #tpu.memory_space<vmem>>, vector<16xf32>,
              tpu.vector_store %arg13[%swap3A_302, %swap3A_303], %mul3A_301 {strides = array<i32>} : memref<128x128xf32, #tpu.memory_space<vmem>>, vector<16xf32>,
              %get3A_305 = arith.index_cast %scan3A_259 : i32 to index
              %get3A_306 = arith.constant 96 : index
              %get3A_307 = tpu.vector_load %arg13[%get3A_305, %get3A_306] {strides = array<i32>} : memref<128x128xf32, #tpu.memory_space<vmem>>, vector<16xf32>,
              %mul3A_308 = arith.mulf %get3A_307, %gather3A_262 : vector<16xf32>
              %swap3A_309 = arith.index_cast %scan3A_259 : i32 to index
              %swap3A_310 = arith.constant 96 : index
              %swap3A_311 = tpu.vector_load %arg13[%swap3A_309, %swap3A_310] {strides = array<i32>} : memref<128x128xf32, #tpu.memory_space<vmem>>, vector<16xf32>,
              tpu.vector_store %arg13[%swap3A_309, %swap3A_310], %mul3A_308 {strides = array<i32>} : memref<128x128xf32, #tpu.memory_space<vmem>>, vector<16xf32>,
              %get3A_312 = arith.index_cast %scan3A_259 : i32 to index
              %get3A_313 = arith.constant 112 : index
              %get3A_314 = tpu.vector_load %arg13[%get3A_312, %get3A_313] {strides = array<i32>} : memref<128x128xf32, #tpu.memory_space<vmem>>, vector<16xf32>,
              %mul3A_315 = arith.mulf %get3A_314, %gather3A_262 : vector<16xf32>
              %swap3A_316 = arith.index_cast %scan3A_259 : i32 to index
              %swap3A_317 = arith.constant 112 : index
              %swap3A_318 = tpu.vector_load %arg13[%swap3A_316, %swap3A_317] {strides = array<i32>} : memref<128x128xf32, #tpu.memory_space<vmem>>, vector<16xf32>,
              tpu.vector_store %arg13[%swap3A_316, %swap3A_317], %mul3A_315 {strides = array<i32>} : memref<128x128xf32, #tpu.memory_space<vmem>>, vector<16xf32>,
              %scan3A_319 = arith.constant 0 : i32
              %scan3A_320 = arith.constant 2 : i32
              %scan3A_321 = arith.addi %scan3A_199, %scan3A_320 : i32
              %add3A_322 = arith.addi %mul3A_183, %scan3A_321 : i32
              %broadcast_in_dim3A_323 = vector.broadcast %add3A_322 : i32 to vector<16xi32>
              %gather3A_324 = tpu.vector_load_idx %arg10[%broadcast_in_dim3A_323] : memref<8448xf32, #tpu.memory_space<vmem>>[vector<16xi32>], vector<16xf32>,
              %get3A_325 = arith.index_cast %scan3A_321 : i32 to index
              %get3A_326 = arith.constant 0 : index
              %get3A_327 = tpu.vector_load %arg13[%get3A_325, %get3A_326] {strides = array<i32>} : memref<128x128xf32, #tpu.memory_space<vmem>>, vector<16xf32>,
              %mul3A_328 = arith.mulf %get3A_327, %gather3A_324 : vector<16xf32>
              %swap3A_329 = arith.index_cast %scan3A_321 : i32 to index
              %swap3A_330 = arith.constant 0 : index
              %swap3A_331 = tpu.vector_load %arg13[%swap3A_329, %swap3A_330] {strides = array<i32>} : memref<128x128xf32, #tpu.memory_space<vmem>>, vector<16xf32>,
              tpu.vector_store %arg13[%swap3A_329, %swap3A_330], %mul3A_328 {strides = array<i32>} : memref<128x128xf32, #tpu.memory_space<vmem>>, vector<16xf32>,
              %get3A_332 = arith.index_cast %scan3A_321 : i32 to index
              %get3A_333 = arith.constant 16 : index
              %get3A_334 = tpu.vector_load %arg13[%get3A_332, %get3A_333] {strides = array<i32>} : memref<128x128xf32, #tpu.memory_space<vmem>>, vector<16xf32>,
              %mul3A_335 = arith.mulf %get3A_334, %gather3A_324 : vector<16xf32>
              %swap3A_336 = arith.index_cast %scan3A_321 : i32 to index
              %swap3A_337 = arith.constant 16 : index
              %swap3A_338 = tpu.vector_load %arg13[%swap3A_336, %swap3A_337] {strides = array<i32>} : memref<128x128xf32, #tpu.memory_space<vmem>>, vector<16xf32>,
              tpu.vector_store %arg13[%swap3A_336, %swap3A_337], %mul3A_335 {strides = array<i32>} : memref<128x128xf32, #tpu.memory_space<vmem>>, vector<16xf32>,
              %get3A_339 = arith.index_cast %scan3A_321 : i32 to index
              %get3A_340 = arith.constant 32 : index
              %get3A_341 = tpu.vector_load %arg13[%get3A_339, %get3A_340] {strides = array<i32>} : memref<128x128xf32, #tpu.memory_space<vmem>>, vector<16xf32>,
              %mul3A_342 = arith.mulf %get3A_341, %gather3A_324 : vector<16xf32>
              %swap3A_343 = arith.index_cast %scan3A_321 : i32 to index
              %swap3A_344 = arith.constant 32 : index
              %swap3A_345 = tpu.vector_load %arg13[%swap3A_343, %swap3A_344] {strides = array<i32>} : memref<128x128xf32, #tpu.memory_space<vmem>>, vector<16xf32>,
              tpu.vector_store %arg13[%swap3A_343, %swap3A_344], %mul3A_342 {strides = array<i32>} : memref<128x128xf32, #tpu.memory_space<vmem>>, vector<16xf32>,
              %get3A_346 = arith.index_cast %scan3A_321 : i32 to index
              %get3A_347 = arith.constant 48 : index
              %get3A_348 = tpu.vector_load %arg13[%get3A_346, %get3A_347] {strides = array<i32>} : memref<128x128xf32, #tpu.memory_space<vmem>>, vector<16xf32>,
              %mul3A_349 = arith.mulf %get3A_348, %gather3A_324 : vector<16xf32>
              %swap3A_350 = arith.index_cast %scan3A_321 : i32 to index
              %swap3A_351 = arith.constant 48 : index
              %swap3A_352 = tpu.vector_load %arg13[%swap3A_350, %swap3A_351] {strides = array<i32>} : memref<128x128xf32, #tpu.memory_space<vmem>>, vector<16xf32>,
              tpu.vector_store %arg13[%swap3A_350, %swap3A_351], %mul3A_349 {strides = array<i32>} : memref<128x128xf32, #tpu.memory_space<vmem>>, vector<16xf32>,
              %get3A_353 = arith.index_cast %scan3A_321 : i32 to index
              %get3A_354 = arith.constant 64 : index
              %get3A_355 = tpu.vector_load %arg13[%get3A_353, %get3A_354] {strides = array<i32>} : memref<128x128xf32, #tpu.memory_space<vmem>>, vector<16xf32>,
              %mul3A_356 = arith.mulf %get3A_355, %gather3A_324 : vector<16xf32>
              %swap3A_357 = arith.index_cast %scan3A_321 : i32 to index
              %swap3A_358 = arith.constant 64 : index
              %swap3A_359 = tpu.vector_load %arg13[%swap3A_357, %swap3A_358] {strides = array<i32>} : memref<128x128xf32, #tpu.memory_space<vmem>>, vector<16xf32>,
              tpu.vector_store %arg13[%swap3A_357, %swap3A_358], %mul3A_356 {strides = array<i32>} : memref<128x128xf32, #tpu.memory_space<vmem>>, vector<16xf32>,
              %get3A_360 = arith.index_cast %scan3A_321 : i32 to index
              %get3A_361 = arith.constant 80 : index
              %get3A_362 = tpu.vector_load %arg13[%get3A_360, %get3A_361] {strides = array<i32>} : memref<128x128xf32, #tpu.memory_space<vmem>>, vector<16xf32>,
              %mul3A_363 = arith.mulf %get3A_362, %gather3A_324 : vector<16xf32>
              %swap3A_364 = arith.index_cast %scan3A_321 : i32 to index
              %swap3A_365 = arith.constant 80 : index
              %swap3A_366 = tpu.vector_load %arg13[%swap3A_364, %swap3A_365] {strides = array<i32>} : memref<128x128xf32, #tpu.memory_space<vmem>>, vector<16xf32>,
              tpu.vector_store %arg13[%swap3A_364, %swap3A_365], %mul3A_363 {strides = array<i32>} : memref<128x128xf32, #tpu.memory_space<vmem>>, vector<16xf32>,
              %get3A_367 = arith.index_cast %scan3A_321 : i32 to index
              %get3A_368 = arith.constant 96 : index
              %get3A_369 = tpu.vector_load %arg13[%get3A_367, %get3A_368] {strides = array<i32>} : memref<128x128xf32, #tpu.memory_space<vmem>>, vector<16xf32>,
              %mul3A_370 = arith.mulf %get3A_369, %gather3A_324 : vector<16xf32>
              %swap3A_371 = arith.index_cast %scan3A_321 : i32 to index
              %swap3A_372 = arith.constant 96 : index
              %swap3A_373 = tpu.vector_load %arg13[%swap3A_371, %swap3A_372] {strides = array<i32>} : memref<128x128xf32, #tpu.memory_space<vmem>>, vector<16xf32>,
              tpu.vector_store %arg13[%swap3A_371, %swap3A_372], %mul3A_370 {strides = array<i32>} : memref<128x128xf32, #tpu.memory_space<vmem>>, vector<16xf32>,
              %get3A_374 = arith.index_cast %scan3A_321 : i32 to index
              %get3A_375 = arith.constant 112 : index
              %get3A_376 = tpu.vector_load %arg13[%get3A_374, %get3A_375] {strides = array<i32>} : memref<128x128xf32, #tpu.memory_space<vmem>>, vector<16xf32>,
              %mul3A_377 = arith.mulf %get3A_376, %gather3A_324 : vector<16xf32>
              %swap3A_378 = arith.index_cast %scan3A_321 : i32 to index
              %swap3A_379 = arith.constant 112 : index
              %swap3A_380 = tpu.vector_load %arg13[%swap3A_378, %swap3A_379] {strides = array<i32>} : memref<128x128xf32, #tpu.memory_space<vmem>>, vector<16xf32>,
              tpu.vector_store %arg13[%swap3A_378, %swap3A_379], %mul3A_377 {strides = array<i32>} : memref<128x128xf32, #tpu.memory_space<vmem>>, vector<16xf32>,
              %scan3A_381 = arith.constant 0 : i32
              %scan3A_382 = arith.constant 3 : i32
              %scan3A_383 = arith.addi %scan3A_199, %scan3A_382 : i32
              %add3A_384 = arith.addi %mul3A_183, %scan3A_383 : i32
              %broadcast_in_dim3A_385 = vector.broadcast %add3A_384 : i32 to vector<16xi32>
              %gather3A_386 = tpu.vector_load_idx %arg10[%broadcast_in_dim3A_385] : memref<8448xf32, #tpu.memory_space<vmem>>[vector<16xi32>], vector<16xf32>,
              %get3A_387 = arith.index_cast %scan3A_383 : i32 to index
              %get3A_388 = arith.constant 0 : index
              %get3A_389 = tpu.vector_load %arg13[%get3A_387, %get3A_388] {strides = array<i32>} : memref<128x128xf32, #tpu.memory_space<vmem>>, vector<16xf32>,
              %mul3A_390 = arith.mulf %get3A_389, %gather3A_386 : vector<16xf32>
              %swap3A_391 = arith.index_cast %scan3A_383 : i32 to index
              %swap3A_392 = arith.constant 0 : index
              %swap3A_393 = tpu.vector_load %arg13[%swap3A_391, %swap3A_392] {strides = array<i32>} : memref<128x128xf32, #tpu.memory_space<vmem>>, vector<16xf32>,
              tpu.vector_store %arg13[%swap3A_391, %swap3A_392], %mul3A_390 {strides = array<i32>} : memref<128x128xf32, #tpu.memory_space<vmem>>, vector<16xf32>,
              %get3A_394 = arith.index_cast %scan3A_383 : i32 to index
              %get3A_395 = arith.constant 16 : index
              %get3A_396 = tpu.vector_load %arg13[%get3A_394, %get3A_395] {strides = array<i32>} : memref<128x128xf32, #tpu.memory_space<vmem>>, vector<16xf32>,
              %mul3A_397 = arith.mulf %get3A_396, %gather3A_386 : vector<16xf32>
              %swap3A_398 = arith.index_cast %scan3A_383 : i32 to index
              %swap3A_399 = arith.constant 16 : index
              %swap3A_400 = tpu.vector_load %arg13[%swap3A_398, %swap3A_399] {strides = array<i32>} : memref<128x128xf32, #tpu.memory_space<vmem>>, vector<16xf32>,
              tpu.vector_store %arg13[%swap3A_398, %swap3A_399], %mul3A_397 {strides = array<i32>} : memref<128x128xf32, #tpu.memory_space<vmem>>, vector<16xf32>,
              %get3A_401 = arith.index_cast %scan3A_383 : i32 to index
              %get3A_402 = arith.constant 32 : index
              %get3A_403 = tpu.vector_load %arg13[%get3A_401, %get3A_402] {strides = array<i32>} : memref<128x128xf32, #tpu.memory_space<vmem>>, vector<16xf32>,
              %mul3A_404 = arith.mulf %get3A_403, %gather3A_386 : vector<16xf32>
              %swap3A_405 = arith.index_cast %scan3A_383 : i32 to index
              %swap3A_406 = arith.constant 32 : index
              %swap3A_407 = tpu.vector_load %arg13[%swap3A_405, %swap3A_406] {strides = array<i32>} : memref<128x128xf32, #tpu.memory_space<vmem>>, vector<16xf32>,
              tpu.vector_store %arg13[%swap3A_405, %swap3A_406], %mul3A_404 {strides = array<i32>} : memref<128x128xf32, #tpu.memory_space<vmem>>, vector<16xf32>,
              %get3A_408 = arith.index_cast %scan3A_383 : i32 to index
              %get3A_409 = arith.constant 48 : index
              %get3A_410 = tpu.vector_load %arg13[%get3A_408, %get3A_409] {strides = array<i32>} : memref<128x128xf32, #tpu.memory_space<vmem>>, vector<16xf32>,
              %mul3A_411 = arith.mulf %get3A_410, %gather3A_386 : vector<16xf32>
              %swap3A_412 = arith.index_cast %scan3A_383 : i32 to index
              %swap3A_413 = arith.constant 48 : index
              %swap3A_414 = tpu.vector_load %arg13[%swap3A_412, %swap3A_413] {strides = array<i32>} : memref<128x128xf32, #tpu.memory_space<vmem>>, vector<16xf32>,
              tpu.vector_store %arg13[%swap3A_412, %swap3A_413], %mul3A_411 {strides = array<i32>} : memref<128x128xf32, #tpu.memory_space<vmem>>, vector<16xf32>,
              %get3A_415 = arith.index_cast %scan3A_383 : i32 to index
              %get3A_416 = arith.constant 64 : index
              %get3A_417 = tpu.vector_load %arg13[%get3A_415, %get3A_416] {strides = array<i32>} : memref<128x128xf32, #tpu.memory_space<vmem>>, vector<16xf32>,
              %mul3A_418 = arith.mulf %get3A_417, %gather3A_386 : vector<16xf32>
              %swap3A_419 = arith.index_cast %scan3A_383 : i32 to index
              %swap3A_420 = arith.constant 64 : index
              %swap3A_421 = tpu.vector_load %arg13[%swap3A_419, %swap3A_420] {strides = array<i32>} : memref<128x128xf32, #tpu.memory_space<vmem>>, vector<16xf32>,
              tpu.vector_store %arg13[%swap3A_419, %swap3A_420], %mul3A_418 {strides = array<i32>} : memref<128x128xf32, #tpu.memory_space<vmem>>, vector<16xf32>,
              %get3A_422 = arith.index_cast %scan3A_383 : i32 to index
              %get3A_423 = arith.constant 80 : index
              %get3A_424 = tpu.vector_load %arg13[%get3A_422, %get3A_423] {strides = array<i32>} : memref<128x128xf32, #tpu.memory_space<vmem>>, vector<16xf32>,
              %mul3A_425 = arith.mulf %get3A_424, %gather3A_386 : vector<16xf32>
              %swap3A_426 = arith.index_cast %scan3A_383 : i32 to index
              %swap3A_427 = arith.constant 80 : index
              %swap3A_428 = tpu.vector_load %arg13[%swap3A_426, %swap3A_427] {strides = array<i32>} : memref<128x128xf32, #tpu.memory_space<vmem>>, vector<16xf32>,
              tpu.vector_store %arg13[%swap3A_426, %swap3A_427], %mul3A_425 {strides = array<i32>} : memref<128x128xf32, #tpu.memory_space<vmem>>, vector<16xf32>,
              %get3A_429 = arith.index_cast %scan3A_383 : i32 to index
              %get3A_430 = arith.constant 96 : index
              %get3A_431 = tpu.vector_load %arg13[%get3A_429, %get3A_430] {strides = array<i32>} : memref<128x128xf32, #tpu.memory_space<vmem>>, vector<16xf32>,
              %mul3A_432 = arith.mulf %get3A_431, %gather3A_386 : vector<16xf32>
              %swap3A_433 = arith.index_cast %scan3A_383 : i32 to index
              %swap3A_434 = arith.constant 96 : index
              %swap3A_435 = tpu.vector_load %arg13[%swap3A_433, %swap3A_434] {strides = array<i32>} : memref<128x128xf32, #tpu.memory_space<vmem>>, vector<16xf32>,
              tpu.vector_store %arg13[%swap3A_433, %swap3A_434], %mul3A_432 {strides = array<i32>} : memref<128x128xf32, #tpu.memory_space<vmem>>, vector<16xf32>,
              %get3A_436 = arith.index_cast %scan3A_383 : i32 to index
              %get3A_437 = arith.constant 112 : index
              %get3A_438 = tpu.vector_load %arg13[%get3A_436, %get3A_437] {strides = array<i32>} : memref<128x128xf32, #tpu.memory_space<vmem>>, vector<16xf32>,
              %mul3A_439 = arith.mulf %get3A_438, %gather3A_386 : vector<16xf32>
              %swap3A_440 = arith.index_cast %scan3A_383 : i32 to index
              %swap3A_441 = arith.constant 112 : index
              %swap3A_442 = tpu.vector_load %arg13[%swap3A_440, %swap3A_441] {strides = array<i32>} : memref<128x128xf32, #tpu.memory_space<vmem>>, vector<16xf32>,
              tpu.vector_store %arg13[%swap3A_440, %swap3A_441], %mul3A_439 {strides = array<i32>} : memref<128x128xf32, #tpu.memory_space<vmem>>, vector<16xf32>,
              %scan3A_443 = arith.constant 0 : i32
              scf.yield %scan3A_443 : i32
            }
            %scan3A_197 = arith.constant 128 : i32
            "tpu.region"() ({
              %run_scoped3A = tpu.sem_alloc : memref<!tpu.dma_semaphore, #tpu.memory_space<semaphore_mem>>
              %dma_start3A_199 = arith.constant 0 : i32
              %dma_start3A_200 = arith.constant 0 : i32
              %dma_start3A_201 = tpu.memref_slice %arg14[%dma_start3A_199, %dma_start3A_200] : memref<9216x128xf32, #tpu.memory_space<vmem_shared>> -> memref<9216x128xf32, #tpu.memory_space<vmem_shared>>
              tpu.enqueue_indirect_dma source(%arg13 : memref<128x128xf32, #tpu.memory_space<vmem>>) target(%dma_start3A_201 : memref<9216x128xf32, #tpu.memory_space<vmem_shared>>) offsets(%arg11 : memref<128xi32, #tpu.memory_space<vmem>>) semaphore(%run_scoped3A : memref<!tpu.dma_semaphore, #tpu.memory_space<semaphore_mem>>) {add = true}
              %dma_wait3A_202 = arith.constant 0 : i32
              %dma_wait3A_203 = arith.constant 0 : i32
              %dma_wait3A_204 = tpu.memref_slice %arg14[%dma_wait3A_202, %dma_wait3A_203] : memref<9216x128xf32, #tpu.memory_space<vmem_shared>> -> memref<9216x128xf32, #tpu.memory_space<vmem_shared>>
              tpu.wait_indirect_dma semaphore(%run_scoped3A : memref<!tpu.dma_semaphore, #tpu.memory_space<semaphore_mem>>) src(%arg13 : memref<128x128xf32, #tpu.memory_space<vmem>>) dst(%dma_wait3A_204 : memref<9216x128xf32, #tpu.memory_space<vmem_shared>>)
              tpu.yield
            }) : () -> ()
            %while3A_198 = arith.constant 0 : i32
            scf.yield %while3A_198 : i32
          }
          %while3A_177 = arith.constant 1 : i32
          %while3A_178 = scf.for %while3A_180 = %while3A_174 to %while3A_170 step %while3A_177 iter_args(%while3A_181 = %while3A_176) -> (i32)  : i32 {
            %mul3A_182 = arith.constant 128 : i32
            %mul3A_183 = arith.muli %while3A_180, %mul3A_182 : i32
            %scan3A_184 = arith.constant 0 : i32
            %scan3A_185 = arith.constant 0 : i32
            %scan3A_186 = arith.constant 8 : i32
            %scan3A_187 = arith.addi %scan3A_185, %scan3A_186 : i32
            %scan3A_188 = arith.constant 1 : i32
            %scan3A_189 = scf.for %scan3A_199 = %scan3A_185 to %scan3A_187 step %scan3A_188 iter_args(%scan3A_200 = %scan3A_184) -> (i32)  : i32 {
              %mul3A_201 = arith.constant 16 : i32
              %mul3A_202 = arith.muli %mul3A_201, %scan3A_199 : i32
              %add3A_203 = arith.addi %mul3A_183, %mul3A_202 : i32
              %get3A = arith.index_cast %add3A_203 : i32 to index
              %get3A_204 = tpu.vector_load %arg9[%get3A] {strides = array<i32>} : memref<8208xi32, #tpu.memory_space<vmem>>, vector<16xi32>,
              %mul3A_205 = arith.constant 16 : i32
              %mul3A_206 = arith.muli %mul3A_205, %scan3A_199 : i32
              %swap3A = arith.index_cast %mul3A_206 : i32 to index
              %swap3A_207 = tpu.vector_load %arg12[%swap3A] {strides = array<i32>} : memref<128xi32, #tpu.memory_space<vmem>>, vector<16xi32>,
              tpu.vector_store %arg12[%swap3A], %get3A_204 {strides = array<i32>} : memref<128xi32, #tpu.memory_space<vmem>>, vector<16xi32>,
              %mul3A_208 = arith.constant 16 : i32
              %mul3A_209 = arith.muli %mul3A_208, %scan3A_199 : i32
              %add3A_210 = arith.addi %mul3A_183, %mul3A_209 : i32
              %get3A_211 = arith.index_cast %add3A_210 : i32 to index
              %get3A_212 = tpu.vector_load %arg8[%get3A_211] {strides = array<i32>} : memref<8208xi32, #tpu.memory_space<vmem>>, vector<16xi32>,
              %mul3A_213 = arith.constant 16 : i32
              %mul3A_214 = arith.muli %mul3A_213, %scan3A_199 : i32
              %swap3A_215 = arith.index_cast %mul3A_214 : i32 to index
              %swap3A_216 = tpu.vector_load %arg11[%swap3A_215] {strides = array<i32>} : memref<128xi32, #tpu.memory_space<vmem>>, vector<16xi32>,
              tpu.vector_store %arg11[%swap3A_215], %get3A_212 {strides = array<i32>} : memref<128xi32, #tpu.memory_space<vmem>>, vector<16xi32>,
              %scan3A_217 = arith.constant 0 : i32
              scf.yield %scan3A_217 : i32
            }
            %scan3A_190 = arith.constant 8 : i32
            "tpu.region"() ({
              %run_scoped3A = tpu.sem_alloc : memref<!tpu.dma_semaphore, #tpu.memory_space<semaphore_mem>>
              %dma_start3A_199 = arith.constant 0 : i32
              %dma_start3A_200 = arith.constant 0 : i32
              %dma_start3A_201 = tpu.memref_slice %arg3[%dma_start3A_199, %dma_start3A_200] : memref<147456x128xf32, #tpu.memory_space<hbm>> -> memref<147456x128xf32, #tpu.memory_space<hbm>>
              tpu.enqueue_indirect_dma source(%dma_start3A_201 : memref<147456x128xf32, #tpu.memory_space<hbm>>) target(%arg13 : memref<128x128xf32, #tpu.memory_space<vmem>>) offsets(%arg12 : memref<128xi32, #tpu.memory_space<vmem>>) semaphore(%run_scoped3A : memref<!tpu.dma_semaphore, #tpu.memory_space<semaphore_mem>>)
              %dma_wait3A_202 = arith.constant 0 : i32
              %dma_wait3A_203 = arith.constant 0 : i32
              %dma_wait3A_204 = tpu.memref_slice %arg3[%dma_wait3A_202, %dma_wait3A_203] : memref<147456x128xf32, #tpu.memory_space<hbm>> -> memref<147456x128xf32, #tpu.memory_space<hbm>>
              tpu.wait_indirect_dma semaphore(%run_scoped3A : memref<!tpu.dma_semaphore, #tpu.memory_space<semaphore_mem>>) src(%dma_wait3A_204 : memref<147456x128xf32, #tpu.memory_space<hbm>>) dst(%arg13 : memref<128x128xf32, #tpu.memory_space<vmem>>)
              tpu.yield
            }) : () -> ()
            %scan3A_191 = arith.constant 0 : i32
            %scan3A_192 = arith.constant 0 : i32
            %scan3A_193 = arith.constant 128 : i32
            %scan3A_194 = arith.addi %scan3A_192, %scan3A_193 : i32
            %scan3A_195 = arith.constant 4 : i32
            %scan3A_196 = scf.for %scan3A_199 = %scan3A_192 to %scan3A_194 step %scan3A_195 iter_args(%scan3A_200 = %scan3A_191) -> (i32)  : i32 {
              %add3A_201 = arith.addi %mul3A_183, %scan3A_199 : i32
              %broadcast_in_dim3A_202 = vector.broadcast %add3A_201 : i32 to vector<16xi32>
              %gather3A = tpu.vector_load_idx %arg10[%broadcast_in_dim3A_202] : memref<8448xf32, #tpu.memory_space<vmem>>[vector<16xi32>], vector<16xf32>,
              %get3A = arith.index_cast %scan3A_199 : i32 to index
              %get3A_203 = arith.constant 0 : index
              %get3A_204 = tpu.vector_load %arg13[%get3A, %get3A_203] {strides = array<i32>} : memref<128x128xf32, #tpu.memory_space<vmem>>, vector<16xf32>,
              %mul3A_205 = arith.mulf %get3A_204, %gather3A : vector<16xf32>
              %swap3A = arith.index_cast %scan3A_199 : i32 to index
              %swap3A_206 = arith.constant 0 : index
              %swap3A_207 = tpu.vector_load %arg13[%swap3A, %swap3A_206] {strides = array<i32>} : memref<128x128xf32, #tpu.memory_space<vmem>>, vector<16xf32>,
              tpu.vector_store %arg13[%swap3A, %swap3A_206], %mul3A_205 {strides = array<i32>} : memref<128x128xf32, #tpu.memory_space<vmem>>, vector<16xf32>,
              %get3A_208 = arith.index_cast %scan3A_199 : i32 to index
              %get3A_209 = arith.constant 16 : index
              %get3A_210 = tpu.vector_load %arg13[%get3A_208, %get3A_209] {strides = array<i32>} : memref<128x128xf32, #tpu.memory_space<vmem>>, vector<16xf32>,
              %mul3A_211 = arith.mulf %get3A_210, %gather3A : vector<16xf32>
              %swap3A_212 = arith.index_cast %scan3A_199 : i32 to index
              %swap3A_213 = arith.constant 16 : index
              %swap3A_214 = tpu.vector_load %arg13[%swap3A_212, %swap3A_213] {strides = array<i32>} : memref<128x128xf32, #tpu.memory_space<vmem>>, vector<16xf32>,
              tpu.vector_store %arg13[%swap3A_212, %swap3A_213], %mul3A_211 {strides = array<i32>} : memref<128x128xf32, #tpu.memory_space<vmem>>, vector<16xf32>,
              %get3A_215 = arith.index_cast %scan3A_199 : i32 to index
              %get3A_216 = arith.constant 32 : index
              %get3A_217 = tpu.vector_load %arg13[%get3A_215, %get3A_216] {strides = array<i32>} : memref<128x128xf32, #tpu.memory_space<vmem>>, vector<16xf32>,
              %mul3A_218 = arith.mulf %get3A_217, %gather3A : vector<16xf32>
              %swap3A_219 = arith.index_cast %scan3A_199 : i32 to index
              %swap3A_220 = arith.constant 32 : index
              %swap3A_221 = tpu.vector_load %arg13[%swap3A_219, %swap3A_220] {strides = array<i32>} : memref<128x128xf32, #tpu.memory_space<vmem>>, vector<16xf32>,
              tpu.vector_store %arg13[%swap3A_219, %swap3A_220], %mul3A_218 {strides = array<i32>} : memref<128x128xf32, #tpu.memory_space<vmem>>, vector<16xf32>,
              %get3A_222 = arith.index_cast %scan3A_199 : i32 to index
              %get3A_223 = arith.constant 48 : index
              %get3A_224 = tpu.vector_load %arg13[%get3A_222, %get3A_223] {strides = array<i32>} : memref<128x128xf32, #tpu.memory_space<vmem>>, vector<16xf32>,
              %mul3A_225 = arith.mulf %get3A_224, %gather3A : vector<16xf32>
              %swap3A_226 = arith.index_cast %scan3A_199 : i32 to index
              %swap3A_227 = arith.constant 48 : index
              %swap3A_228 = tpu.vector_load %arg13[%swap3A_226, %swap3A_227] {strides = array<i32>} : memref<128x128xf32, #tpu.memory_space<vmem>>, vector<16xf32>,
              tpu.vector_store %arg13[%swap3A_226, %swap3A_227], %mul3A_225 {strides = array<i32>} : memref<128x128xf32, #tpu.memory_space<vmem>>, vector<16xf32>,
              %get3A_229 = arith.index_cast %scan3A_199 : i32 to index
              %get3A_230 = arith.constant 64 : index
              %get3A_231 = tpu.vector_load %arg13[%get3A_229, %get3A_230] {strides = array<i32>} : memref<128x128xf32, #tpu.memory_space<vmem>>, vector<16xf32>,
              %mul3A_232 = arith.mulf %get3A_231, %gather3A : vector<16xf32>
              %swap3A_233 = arith.index_cast %scan3A_199 : i32 to index
              %swap3A_234 = arith.constant 64 : index
              %swap3A_235 = tpu.vector_load %arg13[%swap3A_233, %swap3A_234] {strides = array<i32>} : memref<128x128xf32, #tpu.memory_space<vmem>>, vector<16xf32>,
              tpu.vector_store %arg13[%swap3A_233, %swap3A_234], %mul3A_232 {strides = array<i32>} : memref<128x128xf32, #tpu.memory_space<vmem>>, vector<16xf32>,
              %get3A_236 = arith.index_cast %scan3A_199 : i32 to index
              %get3A_237 = arith.constant 80 : index
              %get3A_238 = tpu.vector_load %arg13[%get3A_236, %get3A_237] {strides = array<i32>} : memref<128x128xf32, #tpu.memory_space<vmem>>, vector<16xf32>,
              %mul3A_239 = arith.mulf %get3A_238, %gather3A : vector<16xf32>
              %swap3A_240 = arith.index_cast %scan3A_199 : i32 to index
              %swap3A_241 = arith.constant 80 : index
              %swap3A_242 = tpu.vector_load %arg13[%swap3A_240, %swap3A_241] {strides = array<i32>} : memref<128x128xf32, #tpu.memory_space<vmem>>, vector<16xf32>,
              tpu.vector_store %arg13[%swap3A_240, %swap3A_241], %mul3A_239 {strides = array<i32>} : memref<128x128xf32, #tpu.memory_space<vmem>>, vector<16xf32>,
              %get3A_243 = arith.index_cast %scan3A_199 : i32 to index
              %get3A_244 = arith.constant 96 : index
              %get3A_245 = tpu.vector_load %arg13[%get3A_243, %get3A_244] {strides = array<i32>} : memref<128x128xf32, #tpu.memory_space<vmem>>, vector<16xf32>,
              %mul3A_246 = arith.mulf %get3A_245, %gather3A : vector<16xf32>
              %swap3A_247 = arith.index_cast %scan3A_199 : i32 to index
              %swap3A_248 = arith.constant 96 : index
              %swap3A_249 = tpu.vector_load %arg13[%swap3A_247, %swap3A_248] {strides = array<i32>} : memref<128x128xf32, #tpu.memory_space<vmem>>, vector<16xf32>,
              tpu.vector_store %arg13[%swap3A_247, %swap3A_248], %mul3A_246 {strides = array<i32>} : memref<128x128xf32, #tpu.memory_space<vmem>>, vector<16xf32>,
              %get3A_250 = arith.index_cast %scan3A_199 : i32 to index
              %get3A_251 = arith.constant 112 : index
              %get3A_252 = tpu.vector_load %arg13[%get3A_250, %get3A_251] {strides = array<i32>} : memref<128x128xf32, #tpu.memory_space<vmem>>, vector<16xf32>,
              %mul3A_253 = arith.mulf %get3A_252, %gather3A : vector<16xf32>
              %swap3A_254 = arith.index_cast %scan3A_199 : i32 to index
              %swap3A_255 = arith.constant 112 : index
              %swap3A_256 = tpu.vector_load %arg13[%swap3A_254, %swap3A_255] {strides = array<i32>} : memref<128x128xf32, #tpu.memory_space<vmem>>, vector<16xf32>,
              tpu.vector_store %arg13[%swap3A_254, %swap3A_255], %mul3A_253 {strides = array<i32>} : memref<128x128xf32, #tpu.memory_space<vmem>>, vector<16xf32>,
              %scan3A_257 = arith.constant 0 : i32
              %scan3A_258 = arith.constant 1 : i32
              %scan3A_259 = arith.addi %scan3A_199, %scan3A_258 : i32
              %add3A_260 = arith.addi %mul3A_183, %scan3A_259 : i32
              %broadcast_in_dim3A_261 = vector.broadcast %add3A_260 : i32 to vector<16xi32>
              %gather3A_262 = tpu.vector_load_idx %arg10[%broadcast_in_dim3A_261] : memref<8448xf32, #tpu.memory_space<vmem>>[vector<16xi32>], vector<16xf32>,
              %get3A_263 = arith.index_cast %scan3A_259 : i32 to index
              %get3A_264 = arith.constant 0 : index
              %get3A_265 = tpu.vector_load %arg13[%get3A_263, %get3A_264] {strides = array<i32>} : memref<128x128xf32, #tpu.memory_space<vmem>>, vector<16xf32>,
              %mul3A_266 = arith.mulf %get3A_265, %gather3A_262 : vector<16xf32>
              %swap3A_267 = arith.index_cast %scan3A_259 : i32 to index
              %swap3A_268 = arith.constant 0 : index
              %swap3A_269 = tpu.vector_load %arg13[%swap3A_267, %swap3A_268] {strides = array<i32>} : memref<128x128xf32, #tpu.memory_space<vmem>>, vector<16xf32>,
              tpu.vector_store %arg13[%swap3A_267, %swap3A_268], %mul3A_266 {strides = array<i32>} : memref<128x128xf32, #tpu.memory_space<vmem>>, vector<16xf32>,
              %get3A_270 = arith.index_cast %scan3A_259 : i32 to index
              %get3A_271 = arith.constant 16 : index
              %get3A_272 = tpu.vector_load %arg13[%get3A_270, %get3A_271] {strides = array<i32>} : memref<128x128xf32, #tpu.memory_space<vmem>>, vector<16xf32>,
              %mul3A_273 = arith.mulf %get3A_272, %gather3A_262 : vector<16xf32>
              %swap3A_274 = arith.index_cast %scan3A_259 : i32 to index
              %swap3A_275 = arith.constant 16 : index
              %swap3A_276 = tpu.vector_load %arg13[%swap3A_274, %swap3A_275] {strides = array<i32>} : memref<128x128xf32, #tpu.memory_space<vmem>>, vector<16xf32>,
              tpu.vector_store %arg13[%swap3A_274, %swap3A_275], %mul3A_273 {strides = array<i32>} : memref<128x128xf32, #tpu.memory_space<vmem>>, vector<16xf32>,
              %get3A_277 = arith.index_cast %scan3A_259 : i32 to index
              %get3A_278 = arith.constant 32 : index
              %get3A_279 = tpu.vector_load %arg13[%get3A_277, %get3A_278] {strides = array<i32>} : memref<128x128xf32, #tpu.memory_space<vmem>>, vector<16xf32>,
              %mul3A_280 = arith.mulf %get3A_279, %gather3A_262 : vector<16xf32>
              %swap3A_281 = arith.index_cast %scan3A_259 : i32 to index
              %swap3A_282 = arith.constant 32 : index
              %swap3A_283 = tpu.vector_load %arg13[%swap3A_281, %swap3A_282] {strides = array<i32>} : memref<128x128xf32, #tpu.memory_space<vmem>>, vector<16xf32>,
              tpu.vector_store %arg13[%swap3A_281, %swap3A_282], %mul3A_280 {strides = array<i32>} : memref<128x128xf32, #tpu.memory_space<vmem>>, vector<16xf32>,
              %get3A_284 = arith.index_cast %scan3A_259 : i32 to index
              %get3A_285 = arith.constant 48 : index
              %get3A_286 = tpu.vector_load %arg13[%get3A_284, %get3A_285] {strides = array<i32>} : memref<128x128xf32, #tpu.memory_space<vmem>>, vector<16xf32>,
              %mul3A_287 = arith.mulf %get3A_286, %gather3A_262 : vector<16xf32>
              %swap3A_288 = arith.index_cast %scan3A_259 : i32 to index
              %swap3A_289 = arith.constant 48 : index
              %swap3A_290 = tpu.vector_load %arg13[%swap3A_288, %swap3A_289] {strides = array<i32>} : memref<128x128xf32, #tpu.memory_space<vmem>>, vector<16xf32>,
              tpu.vector_store %arg13[%swap3A_288, %swap3A_289], %mul3A_287 {strides = array<i32>} : memref<128x128xf32, #tpu.memory_space<vmem>>, vector<16xf32>,
              %get3A_291 = arith.index_cast %scan3A_259 : i32 to index
              %get3A_292 = arith.constant 64 : index
              %get3A_293 = tpu.vector_load %arg13[%get3A_291, %get3A_292] {strides = array<i32>} : memref<128x128xf32, #tpu.memory_space<vmem>>, vector<16xf32>,
              %mul3A_294 = arith.mulf %get3A_293, %gather3A_262 : vector<16xf32>
              %swap3A_295 = arith.index_cast %scan3A_259 : i32 to index
              %swap3A_296 = arith.constant 64 : index
              %swap3A_297 = tpu.vector_load %arg13[%swap3A_295, %swap3A_296] {strides = array<i32>} : memref<128x128xf32, #tpu.memory_space<vmem>>, vector<16xf32>,
              tpu.vector_store %arg13[%swap3A_295, %swap3A_296], %mul3A_294 {strides = array<i32>} : memref<128x128xf32, #tpu.memory_space<vmem>>, vector<16xf32>,
              %get3A_298 = arith.index_cast %scan3A_259 : i32 to index
              %get3A_299 = arith.constant 80 : index
              %get3A_300 = tpu.vector_load %arg13[%get3A_298, %get3A_299] {strides = array<i32>} : memref<128x128xf32, #tpu.memory_space<vmem>>, vector<16xf32>,
              %mul3A_301 = arith.mulf %get3A_300, %gather3A_262 : vector<16xf32>
              %swap3A_302 = arith.index_cast %scan3A_259 : i32 to index
              %swap3A_303 = arith.constant 80 : index
              %swap3A_304 = tpu.vector_load %arg13[%swap3A_302, %swap3A_303] {strides = array<i32>} : memref<128x128xf32, #tpu.memory_space<vmem>>, vector<16xf32>,
              tpu.vector_store %arg13[%swap3A_302, %swap3A_303], %mul3A_301 {strides = array<i32>} : memref<128x128xf32, #tpu.memory_space<vmem>>, vector<16xf32>,
              %get3A_305 = arith.index_cast %scan3A_259 : i32 to index
              %get3A_306 = arith.constant 96 : index
              %get3A_307 = tpu.vector_load %arg13[%get3A_305, %get3A_306] {strides = array<i32>} : memref<128x128xf32, #tpu.memory_space<vmem>>, vector<16xf32>,
              %mul3A_308 = arith.mulf %get3A_307, %gather3A_262 : vector<16xf32>
              %swap3A_309 = arith.index_cast %scan3A_259 : i32 to index
              %swap3A_310 = arith.constant 96 : index
              %swap3A_311 = tpu.vector_load %arg13[%swap3A_309, %swap3A_310] {strides = array<i32>} : memref<128x128xf32, #tpu.memory_space<vmem>>, vector<16xf32>,
              tpu.vector_store %arg13[%swap3A_309, %swap3A_310], %mul3A_308 {strides = array<i32>} : memref<128x128xf32, #tpu.memory_space<vmem>>, vector<16xf32>,
              %get3A_312 = arith.index_cast %scan3A_259 : i32 to index
              %get3A_313 = arith.constant 112 : index
              %get3A_314 = tpu.vector_load %arg13[%get3A_312, %get3A_313] {strides = array<i32>} : memref<128x128xf32, #tpu.memory_space<vmem>>, vector<16xf32>,
              %mul3A_315 = arith.mulf %get3A_314, %gather3A_262 : vector<16xf32>
              %swap3A_316 = arith.index_cast %scan3A_259 : i32 to index
              %swap3A_317 = arith.constant 112 : index
              %swap3A_318 = tpu.vector_load %arg13[%swap3A_316, %swap3A_317] {strides = array<i32>} : memref<128x128xf32, #tpu.memory_space<vmem>>, vector<16xf32>,
              tpu.vector_store %arg13[%swap3A_316, %swap3A_317], %mul3A_315 {strides = array<i32>} : memref<128x128xf32, #tpu.memory_space<vmem>>, vector<16xf32>,
              %scan3A_319 = arith.constant 0 : i32
              %scan3A_320 = arith.constant 2 : i32
              %scan3A_321 = arith.addi %scan3A_199, %scan3A_320 : i32
              %add3A_322 = arith.addi %mul3A_183, %scan3A_321 : i32
              %broadcast_in_dim3A_323 = vector.broadcast %add3A_322 : i32 to vector<16xi32>
              %gather3A_324 = tpu.vector_load_idx %arg10[%broadcast_in_dim3A_323] : memref<8448xf32, #tpu.memory_space<vmem>>[vector<16xi32>], vector<16xf32>,
              %get3A_325 = arith.index_cast %scan3A_321 : i32 to index
              %get3A_326 = arith.constant 0 : index
              %get3A_327 = tpu.vector_load %arg13[%get3A_325, %get3A_326] {strides = array<i32>} : memref<128x128xf32, #tpu.memory_space<vmem>>, vector<16xf32>,
              %mul3A_328 = arith.mulf %get3A_327, %gather3A_324 : vector<16xf32>
              %swap3A_329 = arith.index_cast %scan3A_321 : i32 to index
              %swap3A_330 = arith.constant 0 : index
              %swap3A_331 = tpu.vector_load %arg13[%swap3A_329, %swap3A_330] {strides = array<i32>} : memref<128x128xf32, #tpu.memory_space<vmem>>, vector<16xf32>,
              tpu.vector_store %arg13[%swap3A_329, %swap3A_330], %mul3A_328 {strides = array<i32>} : memref<128x128xf32, #tpu.memory_space<vmem>>, vector<16xf32>,
              %get3A_332 = arith.index_cast %scan3A_321 : i32 to index
              %get3A_333 = arith.constant 16 : index
              %get3A_334 = tpu.vector_load %arg13[%get3A_332, %get3A_333] {strides = array<i32>} : memref<128x128xf32, #tpu.memory_space<vmem>>, vector<16xf32>,
              %mul3A_335 = arith.mulf %get3A_334, %gather3A_324 : vector<16xf32>
              %swap3A_336 = arith.index_cast %scan3A_321 : i32 to index
              %swap3A_337 = arith.constant 16 : index
              %swap3A_338 = tpu.vector_load %arg13[%swap3A_336, %swap3A_337] {strides = array<i32>} : memref<128x128xf32, #tpu.memory_space<vmem>>, vector<16xf32>,
              tpu.vector_store %arg13[%swap3A_336, %swap3A_337], %mul3A_335 {strides = array<i32>} : memref<128x128xf32, #tpu.memory_space<vmem>>, vector<16xf32>,
              %get3A_339 = arith.index_cast %scan3A_321 : i32 to index
              %get3A_340 = arith.constant 32 : index
              %get3A_341 = tpu.vector_load %arg13[%get3A_339, %get3A_340] {strides = array<i32>} : memref<128x128xf32, #tpu.memory_space<vmem>>, vector<16xf32>,
              %mul3A_342 = arith.mulf %get3A_341, %gather3A_324 : vector<16xf32>
              %swap3A_343 = arith.index_cast %scan3A_321 : i32 to index
              %swap3A_344 = arith.constant 32 : index
              %swap3A_345 = tpu.vector_load %arg13[%swap3A_343, %swap3A_344] {strides = array<i32>} : memref<128x128xf32, #tpu.memory_space<vmem>>, vector<16xf32>,
              tpu.vector_store %arg13[%swap3A_343, %swap3A_344], %mul3A_342 {strides = array<i32>} : memref<128x128xf32, #tpu.memory_space<vmem>>, vector<16xf32>,
              %get3A_346 = arith.index_cast %scan3A_321 : i32 to index
              %get3A_347 = arith.constant 48 : index
              %get3A_348 = tpu.vector_load %arg13[%get3A_346, %get3A_347] {strides = array<i32>} : memref<128x128xf32, #tpu.memory_space<vmem>>, vector<16xf32>,
              %mul3A_349 = arith.mulf %get3A_348, %gather3A_324 : vector<16xf32>
              %swap3A_350 = arith.index_cast %scan3A_321 : i32 to index
              %swap3A_351 = arith.constant 48 : index
              %swap3A_352 = tpu.vector_load %arg13[%swap3A_350, %swap3A_351] {strides = array<i32>} : memref<128x128xf32, #tpu.memory_space<vmem>>, vector<16xf32>,
              tpu.vector_store %arg13[%swap3A_350, %swap3A_351], %mul3A_349 {strides = array<i32>} : memref<128x128xf32, #tpu.memory_space<vmem>>, vector<16xf32>,
              %get3A_353 = arith.index_cast %scan3A_321 : i32 to index
              %get3A_354 = arith.constant 64 : index
              %get3A_355 = tpu.vector_load %arg13[%get3A_353, %get3A_354] {strides = array<i32>} : memref<128x128xf32, #tpu.memory_space<vmem>>, vector<16xf32>,
              %mul3A_356 = arith.mulf %get3A_355, %gather3A_324 : vector<16xf32>
              %swap3A_357 = arith.index_cast %scan3A_321 : i32 to index
              %swap3A_358 = arith.constant 64 : index
              %swap3A_359 = tpu.vector_load %arg13[%swap3A_357, %swap3A_358] {strides = array<i32>} : memref<128x128xf32, #tpu.memory_space<vmem>>, vector<16xf32>,
              tpu.vector_store %arg13[%swap3A_357, %swap3A_358], %mul3A_356 {strides = array<i32>} : memref<128x128xf32, #tpu.memory_space<vmem>>, vector<16xf32>,
              %get3A_360 = arith.index_cast %scan3A_321 : i32 to index
              %get3A_361 = arith.constant 80 : index
              %get3A_362 = tpu.vector_load %arg13[%get3A_360, %get3A_361] {strides = array<i32>} : memref<128x128xf32, #tpu.memory_space<vmem>>, vector<16xf32>,
              %mul3A_363 = arith.mulf %get3A_362, %gather3A_324 : vector<16xf32>
              %swap3A_364 = arith.index_cast %scan3A_321 : i32 to index
              %swap3A_365 = arith.constant 80 : index
              %swap3A_366 = tpu.vector_load %arg13[%swap3A_364, %swap3A_365] {strides = array<i32>} : memref<128x128xf32, #tpu.memory_space<vmem>>, vector<16xf32>,
              tpu.vector_store %arg13[%swap3A_364, %swap3A_365], %mul3A_363 {strides = array<i32>} : memref<128x128xf32, #tpu.memory_space<vmem>>, vector<16xf32>,
              %get3A_367 = arith.index_cast %scan3A_321 : i32 to index
              %get3A_368 = arith.constant 96 : index
              %get3A_369 = tpu.vector_load %arg13[%get3A_367, %get3A_368] {strides = array<i32>} : memref<128x128xf32, #tpu.memory_space<vmem>>, vector<16xf32>,
              %mul3A_370 = arith.mulf %get3A_369, %gather3A_324 : vector<16xf32>
              %swap3A_371 = arith.index_cast %scan3A_321 : i32 to index
              %swap3A_372 = arith.constant 96 : index
              %swap3A_373 = tpu.vector_load %arg13[%swap3A_371, %swap3A_372] {strides = array<i32>} : memref<128x128xf32, #tpu.memory_space<vmem>>, vector<16xf32>,
              tpu.vector_store %arg13[%swap3A_371, %swap3A_372], %mul3A_370 {strides = array<i32>} : memref<128x128xf32, #tpu.memory_space<vmem>>, vector<16xf32>,
              %get3A_374 = arith.index_cast %scan3A_321 : i32 to index
              %get3A_375 = arith.constant 112 : index
              %get3A_376 = tpu.vector_load %arg13[%get3A_374, %get3A_375] {strides = array<i32>} : memref<128x128xf32, #tpu.memory_space<vmem>>, vector<16xf32>,
              %mul3A_377 = arith.mulf %get3A_376, %gather3A_324 : vector<16xf32>
              %swap3A_378 = arith.index_cast %scan3A_321 : i32 to index
              %swap3A_379 = arith.constant 112 : index
              %swap3A_380 = tpu.vector_load %arg13[%swap3A_378, %swap3A_379] {strides = array<i32>} : memref<128x128xf32, #tpu.memory_space<vmem>>, vector<16xf32>,
              tpu.vector_store %arg13[%swap3A_378, %swap3A_379], %mul3A_377 {strides = array<i32>} : memref<128x128xf32, #tpu.memory_space<vmem>>, vector<16xf32>,
              %scan3A_381 = arith.constant 0 : i32
              %scan3A_382 = arith.constant 3 : i32
              %scan3A_383 = arith.addi %scan3A_199, %scan3A_382 : i32
              %add3A_384 = arith.addi %mul3A_183, %scan3A_383 : i32
              %broadcast_in_dim3A_385 = vector.broadcast %add3A_384 : i32 to vector<16xi32>
              %gather3A_386 = tpu.vector_load_idx %arg10[%broadcast_in_dim3A_385] : memref<8448xf32, #tpu.memory_space<vmem>>[vector<16xi32>], vector<16xf32>,
              %get3A_387 = arith.index_cast %scan3A_383 : i32 to index
              %get3A_388 = arith.constant 0 : index
              %get3A_389 = tpu.vector_load %arg13[%get3A_387, %get3A_388] {strides = array<i32>} : memref<128x128xf32, #tpu.memory_space<vmem>>, vector<16xf32>,
              %mul3A_390 = arith.mulf %get3A_389, %gather3A_386 : vector<16xf32>
              %swap3A_391 = arith.index_cast %scan3A_383 : i32 to index
              %swap3A_392 = arith.constant 0 : index
              %swap3A_393 = tpu.vector_load %arg13[%swap3A_391, %swap3A_392] {strides = array<i32>} : memref<128x128xf32, #tpu.memory_space<vmem>>, vector<16xf32>,
              tpu.vector_store %arg13[%swap3A_391, %swap3A_392], %mul3A_390 {strides = array<i32>} : memref<128x128xf32, #tpu.memory_space<vmem>>, vector<16xf32>,
              %get3A_394 = arith.index_cast %scan3A_383 : i32 to index
              %get3A_395 = arith.constant 16 : index
              %get3A_396 = tpu.vector_load %arg13[%get3A_394, %get3A_395] {strides = array<i32>} : memref<128x128xf32, #tpu.memory_space<vmem>>, vector<16xf32>,
              %mul3A_397 = arith.mulf %get3A_396, %gather3A_386 : vector<16xf32>
              %swap3A_398 = arith.index_cast %scan3A_383 : i32 to index
              %swap3A_399 = arith.constant 16 : index
              %swap3A_400 = tpu.vector_load %arg13[%swap3A_398, %swap3A_399] {strides = array<i32>} : memref<128x128xf32, #tpu.memory_space<vmem>>, vector<16xf32>,
              tpu.vector_store %arg13[%swap3A_398, %swap3A_399], %mul3A_397 {strides = array<i32>} : memref<128x128xf32, #tpu.memory_space<vmem>>, vector<16xf32>,
              %get3A_401 = arith.index_cast %scan3A_383 : i32 to index
              %get3A_402 = arith.constant 32 : index
              %get3A_403 = tpu.vector_load %arg13[%get3A_401, %get3A_402] {strides = array<i32>} : memref<128x128xf32, #tpu.memory_space<vmem>>, vector<16xf32>,
              %mul3A_404 = arith.mulf %get3A_403, %gather3A_386 : vector<16xf32>
              %swap3A_405 = arith.index_cast %scan3A_383 : i32 to index
              %swap3A_406 = arith.constant 32 : index
              %swap3A_407 = tpu.vector_load %arg13[%swap3A_405, %swap3A_406] {strides = array<i32>} : memref<128x128xf32, #tpu.memory_space<vmem>>, vector<16xf32>,
              tpu.vector_store %arg13[%swap3A_405, %swap3A_406], %mul3A_404 {strides = array<i32>} : memref<128x128xf32, #tpu.memory_space<vmem>>, vector<16xf32>,
              %get3A_408 = arith.index_cast %scan3A_383 : i32 to index
              %get3A_409 = arith.constant 48 : index
              %get3A_410 = tpu.vector_load %arg13[%get3A_408, %get3A_409] {strides = array<i32>} : memref<128x128xf32, #tpu.memory_space<vmem>>, vector<16xf32>,
              %mul3A_411 = arith.mulf %get3A_410, %gather3A_386 : vector<16xf32>
              %swap3A_412 = arith.index_cast %scan3A_383 : i32 to index
              %swap3A_413 = arith.constant 48 : index
              %swap3A_414 = tpu.vector_load %arg13[%swap3A_412, %swap3A_413] {strides = array<i32>} : memref<128x128xf32, #tpu.memory_space<vmem>>, vector<16xf32>,
              tpu.vector_store %arg13[%swap3A_412, %swap3A_413], %mul3A_411 {strides = array<i32>} : memref<128x128xf32, #tpu.memory_space<vmem>>, vector<16xf32>,
              %get3A_415 = arith.index_cast %scan3A_383 : i32 to index
              %get3A_416 = arith.constant 64 : index
              %get3A_417 = tpu.vector_load %arg13[%get3A_415, %get3A_416] {strides = array<i32>} : memref<128x128xf32, #tpu.memory_space<vmem>>, vector<16xf32>,
              %mul3A_418 = arith.mulf %get3A_417, %gather3A_386 : vector<16xf32>
              %swap3A_419 = arith.index_cast %scan3A_383 : i32 to index
              %swap3A_420 = arith.constant 64 : index
              %swap3A_421 = tpu.vector_load %arg13[%swap3A_419, %swap3A_420] {strides = array<i32>} : memref<128x128xf32, #tpu.memory_space<vmem>>, vector<16xf32>,
              tpu.vector_store %arg13[%swap3A_419, %swap3A_420], %mul3A_418 {strides = array<i32>} : memref<128x128xf32, #tpu.memory_space<vmem>>, vector<16xf32>,
              %get3A_422 = arith.index_cast %scan3A_383 : i32 to index
              %get3A_423 = arith.constant 80 : index
              %get3A_424 = tpu.vector_load %arg13[%get3A_422, %get3A_423] {strides = array<i32>} : memref<128x128xf32, #tpu.memory_space<vmem>>, vector<16xf32>,
              %mul3A_425 = arith.mulf %get3A_424, %gather3A_386 : vector<16xf32>
              %swap3A_426 = arith.index_cast %scan3A_383 : i32 to index
              %swap3A_427 = arith.constant 80 : index
              %swap3A_428 = tpu.vector_load %arg13[%swap3A_426, %swap3A_427] {strides = array<i32>} : memref<128x128xf32, #tpu.memory_space<vmem>>, vector<16xf32>,
              tpu.vector_store %arg13[%swap3A_426, %swap3A_427], %mul3A_425 {strides = array<i32>} : memref<128x128xf32, #tpu.memory_space<vmem>>, vector<16xf32>,
              %get3A_429 = arith.index_cast %scan3A_383 : i32 to index
              %get3A_430 = arith.constant 96 : index
              %get3A_431 = tpu.vector_load %arg13[%get3A_429, %get3A_430] {strides = array<i32>} : memref<128x128xf32, #tpu.memory_space<vmem>>, vector<16xf32>,
              %mul3A_432 = arith.mulf %get3A_431, %gather3A_386 : vector<16xf32>
              %swap3A_433 = arith.index_cast %scan3A_383 : i32 to index
              %swap3A_434 = arith.constant 96 : index
              %swap3A_435 = tpu.vector_load %arg13[%swap3A_433, %swap3A_434] {strides = array<i32>} : memref<128x128xf32, #tpu.memory_space<vmem>>, vector<16xf32>,
              tpu.vector_store %arg13[%swap3A_433, %swap3A_434], %mul3A_432 {strides = array<i32>} : memref<128x128xf32, #tpu.memory_space<vmem>>, vector<16xf32>,
              %get3A_436 = arith.index_cast %scan3A_383 : i32 to index
              %get3A_437 = arith.constant 112 : index
              %get3A_438 = tpu.vector_load %arg13[%get3A_436, %get3A_437] {strides = array<i32>} : memref<128x128xf32, #tpu.memory_space<vmem>>, vector<16xf32>,
              %mul3A_439 = arith.mulf %get3A_438, %gather3A_386 : vector<16xf32>
              %swap3A_440 = arith.index_cast %scan3A_383 : i32 to index
              %swap3A_441 = arith.constant 112 : index
              %swap3A_442 = tpu.vector_load %arg13[%swap3A_440, %swap3A_441] {strides = array<i32>} : memref<128x128xf32, #tpu.memory_space<vmem>>, vector<16xf32>,
              tpu.vector_store %arg13[%swap3A_440, %swap3A_441], %mul3A_439 {strides = array<i32>} : memref<128x128xf32, #tpu.memory_space<vmem>>, vector<16xf32>,
              %scan3A_443 = arith.constant 0 : i32
              scf.yield %scan3A_443 : i32
            }
            %scan3A_197 = arith.constant 128 : i32
            "tpu.region"() ({
              %run_scoped3A = tpu.sem_alloc : memref<!tpu.dma_semaphore, #tpu.memory_space<semaphore_mem>>
              %dma_start3A_199 = arith.constant 0 : i32
              %dma_start3A_200 = arith.constant 0 : i32
              %dma_start3A_201 = tpu.memref_slice %arg14[%dma_start3A_199, %dma_start3A_200] : memref<9216x128xf32, #tpu.memory_space<vmem_shared>> -> memref<9216x128xf32, #tpu.memory_space<vmem_shared>>
              tpu.enqueue_indirect_dma source(%arg13 : memref<128x128xf32, #tpu.memory_space<vmem>>) target(%dma_start3A_201 : memref<9216x128xf32, #tpu.memory_space<vmem_shared>>) offsets(%arg11 : memref<128xi32, #tpu.memory_space<vmem>>) semaphore(%run_scoped3A : memref<!tpu.dma_semaphore, #tpu.memory_space<semaphore_mem>>) {add = true}
              %dma_wait3A_202 = arith.constant 0 : i32
              %dma_wait3A_203 = arith.constant 0 : i32
              %dma_wait3A_204 = tpu.memref_slice %arg14[%dma_wait3A_202, %dma_wait3A_203] : memref<9216x128xf32, #tpu.memory_space<vmem_shared>> -> memref<9216x128xf32, #tpu.memory_space<vmem_shared>>
              tpu.wait_indirect_dma semaphore(%run_scoped3A : memref<!tpu.dma_semaphore, #tpu.memory_space<semaphore_mem>>) src(%arg13 : memref<128x128xf32, #tpu.memory_space<vmem>>) dst(%dma_wait3A_204 : memref<9216x128xf32, #tpu.memory_space<vmem_shared>>)
              tpu.yield
            }) : () -> ()
            %while3A_198 = arith.constant 0 : i32
            scf.yield %while3A_198 : i32
          }
          %cond3A_179 = arith.constant 0 : i32
          scf.yield %cond3A_179 : i32
        } else {
          scf.yield %scan3A_132 : i32
        }
        scf.yield %cond3A_139 : i32
      }
      %scan3A_48 = arith.constant 37 : i32
      %add3A_49 = arith.constant 74 : i32
      %add3A_50 = arith.addi %mul3A_16, %add3A_49 : i32
      %sub3A = arith.constant 2 : i32
      %sub3A_51 = arith.subi %add3A_50, %sub3A : i32
      %dma_wait3A = arith.constant 0 : i32
      %dma_wait3A_52 = arith.constant 0 : i32
      %dma_wait3A_53 = tpu.memref_slice %arg2[%sub3A_51, %dma_wait3A, %dma_wait3A_52] : memref<1184x3x512xi32, #tpu.memory_space<hbm>> -> memref<1x3x512xi32, #tpu.memory_space<hbm>>
      %dma_wait3A_54 = tpu.memref_squeeze %dma_wait3A_53 : memref<1x3x512xi32, #tpu.memory_space<hbm>> -> memref<3x512xi32, #tpu.memory_space<hbm>>
      %dma_wait3A_55 = arith.constant 0 : i32
      %dma_wait3A_56 = arith.constant 0 : i32
      %dma_wait3A_57 = tpu.memref_slice %arg2[%sub3A_51, %dma_wait3A_55, %dma_wait3A_56] : memref<1184x3x512xi32, #tpu.memory_space<hbm>> -> memref<1x3x512xi32, #tpu.memory_space<hbm>>
      %dma_wait3A_58 = tpu.memref_squeeze %dma_wait3A_57 : memref<1x3x512xi32, #tpu.memory_space<hbm>> -> memref<3x512xi32, #tpu.memory_space<hbm>>
      tpu.wait_dma2 semaphore(%arg15 : memref<!tpu.dma_semaphore, #tpu.memory_space<semaphore_mem>>) src(%dma_wait3A_58 : memref<3x512xi32, #tpu.memory_space<hbm>>) dst(%arg6 : memref<3x512xi32, #tpu.memory_space<vmem>>)
      %gt3A = arith.constant 0 : i32
      %gt3A_59 = arith.cmpi sgt, %scan3A_47, %gt3A : i32
      %convert_element_type3A = arith.extui %gt3A_59 : i1 to i32
      %cond3A = arith.constant 0 : i32
      %cond3A_60 = arith.cmpi ne, %convert_element_type3A, %cond3A : i32
      %cond3A_61 = scf.if %cond3A_60 -> (i32) {
        %scan3A_69 = arith.constant 0 : i32
        %scan3A_70 = arith.constant 0 : i32
        %scan3A_71 = arith.constant 8 : i32
        %scan3A_72 = arith.addi %scan3A_70, %scan3A_71 : i32
        %scan3A_73 = arith.constant 1 : i32
        %scan3A_74 = scf.for %scan3A_109 = %scan3A_70 to %scan3A_72 step %scan3A_73 iter_args(%scan3A_110 = %scan3A_69) -> (i32)  : i32 {
          %mul3A_111 = arith.constant 16 : i32
          %mul3A_112 = arith.muli %mul3A_111, %scan3A_109 : i32
          %add3A_113 = arith.addi %scan3A_47, %mul3A_112 : i32
          %swap3A = arith.index_cast %add3A_113 : i32 to index
          %swap3A_114 = tpu.vector_load %arg10[%swap3A] {strides = array<i32>} : memref<8448xf32, #tpu.memory_space<vmem>>, vector<16xf32>,
          tpu.vector_store %arg10[%swap3A], %broadcast_in_dim3A_2 {strides = array<i32>} : memref<8448xf32, #tpu.memory_space<vmem>>, vector<16xf32>,
          %scan3A_115 = arith.constant 0 : i32
          scf.yield %scan3A_115 : i32
        }
        %scan3A_75 = arith.constant 8 : i32
        %add3A_76 = arith.constant 128 : i32
        %add3A_77 = arith.addi %scan3A_47, %add3A_76 : i32
        %sub3A_78 = arith.constant 1 : i32
        %sub3A_79 = arith.subi %add3A_77, %sub3A_78 : i32
        %jit3A = arith.constant 128 : i32
        %div3A = arith.divsi %sub3A_79, %jit3A : i32
        %sign3A = arith.constant 0 : i32
        %sign3A_80 = arith.cmpi sgt, %sub3A_79, %sign3A : i32
        %sign3A_81 = arith.extui %sign3A_80 : i1 to i32
        %sign3A_82 = arith.constant 0 : i32
        %sign3A_83 = arith.cmpi slt, %sub3A_79, %sign3A_82 : i32
        %sign3A_84 = arith.extui %sign3A_83 : i1 to i32
        %sign3A_85 = arith.subi %sign3A_81, %sign3A_84 : i32
        %sign3A_86 = arith.constant 0 : i32
        %sign3A_87 = arith.cmpi sgt, %jit3A, %sign3A_86 : i32
        %sign3A_88 = arith.extui %sign3A_87 : i1 to i32
        %sign3A_89 = arith.constant 0 : i32
        %sign3A_90 = arith.cmpi slt, %jit3A, %sign3A_89 : i32
        %sign3A_91 = arith.extui %sign3A_90 : i1 to i32
        %sign3A_92 = arith.subi %sign3A_88, %sign3A_91 : i32
        %ne3A = arith.cmpi ne, %sign3A_85, %sign3A_92 : i32
        %rem3A = arith.remsi %sub3A_79, %jit3A : i32
        %ne3A_93 = arith.constant 0 : i32
        %ne3A_94 = arith.cmpi ne, %rem3A, %ne3A_93 : i32
        %and3A = arith.andi %ne3A, %ne3A_94 : i1
        %sub3A_95 = arith.constant 1 : i32
        %sub3A_96 = arith.subi %div3A, %sub3A_95 : i32
        %select_n3A = arith.select %and3A, %sub3A_96, %div3A : i32
        %while3A = arith.constant 0 : i32
        %while3A_97 = arith.constant 0 : i32
        %while3A_98 = arith.subi %select_n3A, %while3A : i32
        %while3A_99 = arith.addi %while3A, %while3A_98 : i32
        %while3A_100 = arith.constant 1 : i32
        %while3A_101 = arith.divsi %while3A_98, %while3A_100 : i32
        %while3A_102 = arith.muli %while3A_101, %while3A_100 : i32
        %while3A_103 = arith.addi %while3A, %while3A_102 : i32
        %while3A_104 = arith.constant 1 : i32
        %while3A_105 = scf.for %while3A_109 = %while3A to %while3A_103 step %while3A_104 iter_args(%while3A_110 = %while3A_97) -> (i32)  : i32 {
          %mul3A_111 = arith.constant 128 : i32
          %mul3A_112 = arith.muli %while3A_109, %mul3A_111 : i32
          %scan3A_113 = arith.constant 0 : i32
          %scan3A_114 = arith.constant 0 : i32
          %scan3A_115 = arith.constant 8 : i32
          %scan3A_116 = arith.addi %scan3A_114, %scan3A_115 : i32
          %scan3A_117 = arith.constant 1 : i32
          %scan3A_118 = scf.for %scan3A_128 = %scan3A_114 to %scan3A_116 step %scan3A_117 iter_args(%scan3A_129 = %scan3A_113) -> (i32)  : i32 {
            %mul3A_130 = arith.constant 16 : i32
            %mul3A_131 = arith.muli %mul3A_130, %scan3A_128 : i32
            %add3A_132 = arith.addi %mul3A_112, %mul3A_131 : i32
            %get3A = arith.index_cast %add3A_132 : i32 to index
            %get3A_133 = tpu.vector_load %arg9[%get3A] {strides = array<i32>} : memref<8208xi32, #tpu.memory_space<vmem>>, vector<16xi32>,
            %mul3A_134 = arith.constant 16 : i32
            %mul3A_135 = arith.muli %mul3A_134, %scan3A_128 : i32
            %swap3A = arith.index_cast %mul3A_135 : i32 to index
            %swap3A_136 = tpu.vector_load %arg12[%swap3A] {strides = array<i32>} : memref<128xi32, #tpu.memory_space<vmem>>, vector<16xi32>,
            tpu.vector_store %arg12[%swap3A], %get3A_133 {strides = array<i32>} : memref<128xi32, #tpu.memory_space<vmem>>, vector<16xi32>,
            %mul3A_137 = arith.constant 16 : i32
            %mul3A_138 = arith.muli %mul3A_137, %scan3A_128 : i32
            %add3A_139 = arith.addi %mul3A_112, %mul3A_138 : i32
            %get3A_140 = arith.index_cast %add3A_139 : i32 to index
            %get3A_141 = tpu.vector_load %arg8[%get3A_140] {strides = array<i32>} : memref<8208xi32, #tpu.memory_space<vmem>>, vector<16xi32>,
            %mul3A_142 = arith.constant 16 : i32
            %mul3A_143 = arith.muli %mul3A_142, %scan3A_128 : i32
            %swap3A_144 = arith.index_cast %mul3A_143 : i32 to index
            %swap3A_145 = tpu.vector_load %arg11[%swap3A_144] {strides = array<i32>} : memref<128xi32, #tpu.memory_space<vmem>>, vector<16xi32>,
            tpu.vector_store %arg11[%swap3A_144], %get3A_141 {strides = array<i32>} : memref<128xi32, #tpu.memory_space<vmem>>, vector<16xi32>,
            %scan3A_146 = arith.constant 0 : i32
            scf.yield %scan3A_146 : i32
          }
          %scan3A_119 = arith.constant 8 : i32
          "tpu.region"() ({
            %run_scoped3A = tpu.sem_alloc : memref<!tpu.dma_semaphore, #tpu.memory_space<semaphore_mem>>
            %dma_start3A_128 = arith.constant 0 : i32
            %dma_start3A_129 = arith.constant 0 : i32
            %dma_start3A_130 = tpu.memref_slice %arg3[%dma_start3A_128, %dma_start3A_129] : memref<147456x128xf32, #tpu.memory_space<hbm>> -> memref<147456x128xf32, #tpu.memory_space<hbm>>
            tpu.enqueue_indirect_dma source(%dma_start3A_130 : memref<147456x128xf32, #tpu.memory_space<hbm>>) target(%arg13 : memref<128x128xf32, #tpu.memory_space<vmem>>) offsets(%arg12 : memref<128xi32, #tpu.memory_space<vmem>>) semaphore(%run_scoped3A : memref<!tpu.dma_semaphore, #tpu.memory_space<semaphore_mem>>)
            %dma_wait3A_131 = arith.constant 0 : i32
            %dma_wait3A_132 = arith.constant 0 : i32
            %dma_wait3A_133 = tpu.memref_slice %arg3[%dma_wait3A_131, %dma_wait3A_132] : memref<147456x128xf32, #tpu.memory_space<hbm>> -> memref<147456x128xf32, #tpu.memory_space<hbm>>
            tpu.wait_indirect_dma semaphore(%run_scoped3A : memref<!tpu.dma_semaphore, #tpu.memory_space<semaphore_mem>>) src(%dma_wait3A_133 : memref<147456x128xf32, #tpu.memory_space<hbm>>) dst(%arg13 : memref<128x128xf32, #tpu.memory_space<vmem>>)
            tpu.yield
          }) : () -> ()
          %scan3A_120 = arith.constant 0 : i32
          %scan3A_121 = arith.constant 0 : i32
          %scan3A_122 = arith.constant 128 : i32
          %scan3A_123 = arith.addi %scan3A_121, %scan3A_122 : i32
          %scan3A_124 = arith.constant 4 : i32
          %scan3A_125 = scf.for %scan3A_128 = %scan3A_121 to %scan3A_123 step %scan3A_124 iter_args(%scan3A_129 = %scan3A_120) -> (i32)  : i32 {
            %add3A_130 = arith.addi %mul3A_112, %scan3A_128 : i32
            %broadcast_in_dim3A_131 = vector.broadcast %add3A_130 : i32 to vector<16xi32>
            %gather3A = tpu.vector_load_idx %arg10[%broadcast_in_dim3A_131] : memref<8448xf32, #tpu.memory_space<vmem>>[vector<16xi32>], vector<16xf32>,
            %get3A = arith.index_cast %scan3A_128 : i32 to index
            %get3A_132 = arith.constant 0 : index
            %get3A_133 = tpu.vector_load %arg13[%get3A, %get3A_132] {strides = array<i32>} : memref<128x128xf32, #tpu.memory_space<vmem>>, vector<16xf32>,
            %mul3A_134 = arith.mulf %get3A_133, %gather3A : vector<16xf32>
            %swap3A = arith.index_cast %scan3A_128 : i32 to index
            %swap3A_135 = arith.constant 0 : index
            %swap3A_136 = tpu.vector_load %arg13[%swap3A, %swap3A_135] {strides = array<i32>} : memref<128x128xf32, #tpu.memory_space<vmem>>, vector<16xf32>,
            tpu.vector_store %arg13[%swap3A, %swap3A_135], %mul3A_134 {strides = array<i32>} : memref<128x128xf32, #tpu.memory_space<vmem>>, vector<16xf32>,
            %get3A_137 = arith.index_cast %scan3A_128 : i32 to index
            %get3A_138 = arith.constant 16 : index
            %get3A_139 = tpu.vector_load %arg13[%get3A_137, %get3A_138] {strides = array<i32>} : memref<128x128xf32, #tpu.memory_space<vmem>>, vector<16xf32>,
            %mul3A_140 = arith.mulf %get3A_139, %gather3A : vector<16xf32>
            %swap3A_141 = arith.index_cast %scan3A_128 : i32 to index
            %swap3A_142 = arith.constant 16 : index
            %swap3A_143 = tpu.vector_load %arg13[%swap3A_141, %swap3A_142] {strides = array<i32>} : memref<128x128xf32, #tpu.memory_space<vmem>>, vector<16xf32>,
            tpu.vector_store %arg13[%swap3A_141, %swap3A_142], %mul3A_140 {strides = array<i32>} : memref<128x128xf32, #tpu.memory_space<vmem>>, vector<16xf32>,
            %get3A_144 = arith.index_cast %scan3A_128 : i32 to index
            %get3A_145 = arith.constant 32 : index
            %get3A_146 = tpu.vector_load %arg13[%get3A_144, %get3A_145] {strides = array<i32>} : memref<128x128xf32, #tpu.memory_space<vmem>>, vector<16xf32>,
            %mul3A_147 = arith.mulf %get3A_146, %gather3A : vector<16xf32>
            %swap3A_148 = arith.index_cast %scan3A_128 : i32 to index
            %swap3A_149 = arith.constant 32 : index
            %swap3A_150 = tpu.vector_load %arg13[%swap3A_148, %swap3A_149] {strides = array<i32>} : memref<128x128xf32, #tpu.memory_space<vmem>>, vector<16xf32>,
            tpu.vector_store %arg13[%swap3A_148, %swap3A_149], %mul3A_147 {strides = array<i32>} : memref<128x128xf32, #tpu.memory_space<vmem>>, vector<16xf32>,
            %get3A_151 = arith.index_cast %scan3A_128 : i32 to index
            %get3A_152 = arith.constant 48 : index
            %get3A_153 = tpu.vector_load %arg13[%get3A_151, %get3A_152] {strides = array<i32>} : memref<128x128xf32, #tpu.memory_space<vmem>>, vector<16xf32>,
            %mul3A_154 = arith.mulf %get3A_153, %gather3A : vector<16xf32>
            %swap3A_155 = arith.index_cast %scan3A_128 : i32 to index
            %swap3A_156 = arith.constant 48 : index
            %swap3A_157 = tpu.vector_load %arg13[%swap3A_155, %swap3A_156] {strides = array<i32>} : memref<128x128xf32, #tpu.memory_space<vmem>>, vector<16xf32>,
            tpu.vector_store %arg13[%swap3A_155, %swap3A_156], %mul3A_154 {strides = array<i32>} : memref<128x128xf32, #tpu.memory_space<vmem>>, vector<16xf32>,
            %get3A_158 = arith.index_cast %scan3A_128 : i32 to index
            %get3A_159 = arith.constant 64 : index
            %get3A_160 = tpu.vector_load %arg13[%get3A_158, %get3A_159] {strides = array<i32>} : memref<128x128xf32, #tpu.memory_space<vmem>>, vector<16xf32>,
            %mul3A_161 = arith.mulf %get3A_160, %gather3A : vector<16xf32>
            %swap3A_162 = arith.index_cast %scan3A_128 : i32 to index
            %swap3A_163 = arith.constant 64 : index
            %swap3A_164 = tpu.vector_load %arg13[%swap3A_162, %swap3A_163] {strides = array<i32>} : memref<128x128xf32, #tpu.memory_space<vmem>>, vector<16xf32>,
            tpu.vector_store %arg13[%swap3A_162, %swap3A_163], %mul3A_161 {strides = array<i32>} : memref<128x128xf32, #tpu.memory_space<vmem>>, vector<16xf32>,
            %get3A_165 = arith.index_cast %scan3A_128 : i32 to index
            %get3A_166 = arith.constant 80 : index
            %get3A_167 = tpu.vector_load %arg13[%get3A_165, %get3A_166] {strides = array<i32>} : memref<128x128xf32, #tpu.memory_space<vmem>>, vector<16xf32>,
            %mul3A_168 = arith.mulf %get3A_167, %gather3A : vector<16xf32>
            %swap3A_169 = arith.index_cast %scan3A_128 : i32 to index
            %swap3A_170 = arith.constant 80 : index
            %swap3A_171 = tpu.vector_load %arg13[%swap3A_169, %swap3A_170] {strides = array<i32>} : memref<128x128xf32, #tpu.memory_space<vmem>>, vector<16xf32>,
            tpu.vector_store %arg13[%swap3A_169, %swap3A_170], %mul3A_168 {strides = array<i32>} : memref<128x128xf32, #tpu.memory_space<vmem>>, vector<16xf32>,
            %get3A_172 = arith.index_cast %scan3A_128 : i32 to index
            %get3A_173 = arith.constant 96 : index
            %get3A_174 = tpu.vector_load %arg13[%get3A_172, %get3A_173] {strides = array<i32>} : memref<128x128xf32, #tpu.memory_space<vmem>>, vector<16xf32>,
            %mul3A_175 = arith.mulf %get3A_174, %gather3A : vector<16xf32>
            %swap3A_176 = arith.index_cast %scan3A_128 : i32 to index
            %swap3A_177 = arith.constant 96 : index
            %swap3A_178 = tpu.vector_load %arg13[%swap3A_176, %swap3A_177] {strides = array<i32>} : memref<128x128xf32, #tpu.memory_space<vmem>>, vector<16xf32>,
            tpu.vector_store %arg13[%swap3A_176, %swap3A_177], %mul3A_175 {strides = array<i32>} : memref<128x128xf32, #tpu.memory_space<vmem>>, vector<16xf32>,
            %get3A_179 = arith.index_cast %scan3A_128 : i32 to index
            %get3A_180 = arith.constant 112 : index
            %get3A_181 = tpu.vector_load %arg13[%get3A_179, %get3A_180] {strides = array<i32>} : memref<128x128xf32, #tpu.memory_space<vmem>>, vector<16xf32>,
            %mul3A_182 = arith.mulf %get3A_181, %gather3A : vector<16xf32>
            %swap3A_183 = arith.index_cast %scan3A_128 : i32 to index
            %swap3A_184 = arith.constant 112 : index
            %swap3A_185 = tpu.vector_load %arg13[%swap3A_183, %swap3A_184] {strides = array<i32>} : memref<128x128xf32, #tpu.memory_space<vmem>>, vector<16xf32>,
            tpu.vector_store %arg13[%swap3A_183, %swap3A_184], %mul3A_182 {strides = array<i32>} : memref<128x128xf32, #tpu.memory_space<vmem>>, vector<16xf32>,
            %scan3A_186 = arith.constant 0 : i32
            %scan3A_187 = arith.constant 1 : i32
            %scan3A_188 = arith.addi %scan3A_128, %scan3A_187 : i32
            %add3A_189 = arith.addi %mul3A_112, %scan3A_188 : i32
            %broadcast_in_dim3A_190 = vector.broadcast %add3A_189 : i32 to vector<16xi32>
            %gather3A_191 = tpu.vector_load_idx %arg10[%broadcast_in_dim3A_190] : memref<8448xf32, #tpu.memory_space<vmem>>[vector<16xi32>], vector<16xf32>,
            %get3A_192 = arith.index_cast %scan3A_188 : i32 to index
            %get3A_193 = arith.constant 0 : index
            %get3A_194 = tpu.vector_load %arg13[%get3A_192, %get3A_193] {strides = array<i32>} : memref<128x128xf32, #tpu.memory_space<vmem>>, vector<16xf32>,
            %mul3A_195 = arith.mulf %get3A_194, %gather3A_191 : vector<16xf32>
            %swap3A_196 = arith.index_cast %scan3A_188 : i32 to index
            %swap3A_197 = arith.constant 0 : index
            %swap3A_198 = tpu.vector_load %arg13[%swap3A_196, %swap3A_197] {strides = array<i32>} : memref<128x128xf32, #tpu.memory_space<vmem>>, vector<16xf32>,
            tpu.vector_store %arg13[%swap3A_196, %swap3A_197], %mul3A_195 {strides = array<i32>} : memref<128x128xf32, #tpu.memory_space<vmem>>, vector<16xf32>,
            %get3A_199 = arith.index_cast %scan3A_188 : i32 to index
            %get3A_200 = arith.constant 16 : index
            %get3A_201 = tpu.vector_load %arg13[%get3A_199, %get3A_200] {strides = array<i32>} : memref<128x128xf32, #tpu.memory_space<vmem>>, vector<16xf32>,
            %mul3A_202 = arith.mulf %get3A_201, %gather3A_191 : vector<16xf32>
            %swap3A_203 = arith.index_cast %scan3A_188 : i32 to index
            %swap3A_204 = arith.constant 16 : index
            %swap3A_205 = tpu.vector_load %arg13[%swap3A_203, %swap3A_204] {strides = array<i32>} : memref<128x128xf32, #tpu.memory_space<vmem>>, vector<16xf32>,
            tpu.vector_store %arg13[%swap3A_203, %swap3A_204], %mul3A_202 {strides = array<i32>} : memref<128x128xf32, #tpu.memory_space<vmem>>, vector<16xf32>,
            %get3A_206 = arith.index_cast %scan3A_188 : i32 to index
            %get3A_207 = arith.constant 32 : index
            %get3A_208 = tpu.vector_load %arg13[%get3A_206, %get3A_207] {strides = array<i32>} : memref<128x128xf32, #tpu.memory_space<vmem>>, vector<16xf32>,
            %mul3A_209 = arith.mulf %get3A_208, %gather3A_191 : vector<16xf32>
            %swap3A_210 = arith.index_cast %scan3A_188 : i32 to index
            %swap3A_211 = arith.constant 32 : index
            %swap3A_212 = tpu.vector_load %arg13[%swap3A_210, %swap3A_211] {strides = array<i32>} : memref<128x128xf32, #tpu.memory_space<vmem>>, vector<16xf32>,
            tpu.vector_store %arg13[%swap3A_210, %swap3A_211], %mul3A_209 {strides = array<i32>} : memref<128x128xf32, #tpu.memory_space<vmem>>, vector<16xf32>,
            %get3A_213 = arith.index_cast %scan3A_188 : i32 to index
            %get3A_214 = arith.constant 48 : index
            %get3A_215 = tpu.vector_load %arg13[%get3A_213, %get3A_214] {strides = array<i32>} : memref<128x128xf32, #tpu.memory_space<vmem>>, vector<16xf32>,
            %mul3A_216 = arith.mulf %get3A_215, %gather3A_191 : vector<16xf32>
            %swap3A_217 = arith.index_cast %scan3A_188 : i32 to index
            %swap3A_218 = arith.constant 48 : index
            %swap3A_219 = tpu.vector_load %arg13[%swap3A_217, %swap3A_218] {strides = array<i32>} : memref<128x128xf32, #tpu.memory_space<vmem>>, vector<16xf32>,
            tpu.vector_store %arg13[%swap3A_217, %swap3A_218], %mul3A_216 {strides = array<i32>} : memref<128x128xf32, #tpu.memory_space<vmem>>, vector<16xf32>,
            %get3A_220 = arith.index_cast %scan3A_188 : i32 to index
            %get3A_221 = arith.constant 64 : index
            %get3A_222 = tpu.vector_load %arg13[%get3A_220, %get3A_221] {strides = array<i32>} : memref<128x128xf32, #tpu.memory_space<vmem>>, vector<16xf32>,
            %mul3A_223 = arith.mulf %get3A_222, %gather3A_191 : vector<16xf32>
            %swap3A_224 = arith.index_cast %scan3A_188 : i32 to index
            %swap3A_225 = arith.constant 64 : index
            %swap3A_226 = tpu.vector_load %arg13[%swap3A_224, %swap3A_225] {strides = array<i32>} : memref<128x128xf32, #tpu.memory_space<vmem>>, vector<16xf32>,
            tpu.vector_store %arg13[%swap3A_224, %swap3A_225], %mul3A_223 {strides = array<i32>} : memref<128x128xf32, #tpu.memory_space<vmem>>, vector<16xf32>,
            %get3A_227 = arith.index_cast %scan3A_188 : i32 to index
            %get3A_228 = arith.constant 80 : index
            %get3A_229 = tpu.vector_load %arg13[%get3A_227, %get3A_228] {strides = array<i32>} : memref<128x128xf32, #tpu.memory_space<vmem>>, vector<16xf32>,
            %mul3A_230 = arith.mulf %get3A_229, %gather3A_191 : vector<16xf32>
            %swap3A_231 = arith.index_cast %scan3A_188 : i32 to index
            %swap3A_232 = arith.constant 80 : index
            %swap3A_233 = tpu.vector_load %arg13[%swap3A_231, %swap3A_232] {strides = array<i32>} : memref<128x128xf32, #tpu.memory_space<vmem>>, vector<16xf32>,
            tpu.vector_store %arg13[%swap3A_231, %swap3A_232], %mul3A_230 {strides = array<i32>} : memref<128x128xf32, #tpu.memory_space<vmem>>, vector<16xf32>,
            %get3A_234 = arith.index_cast %scan3A_188 : i32 to index
            %get3A_235 = arith.constant 96 : index
            %get3A_236 = tpu.vector_load %arg13[%get3A_234, %get3A_235] {strides = array<i32>} : memref<128x128xf32, #tpu.memory_space<vmem>>, vector<16xf32>,
            %mul3A_237 = arith.mulf %get3A_236, %gather3A_191 : vector<16xf32>
            %swap3A_238 = arith.index_cast %scan3A_188 : i32 to index
            %swap3A_239 = arith.constant 96 : index
            %swap3A_240 = tpu.vector_load %arg13[%swap3A_238, %swap3A_239] {strides = array<i32>} : memref<128x128xf32, #tpu.memory_space<vmem>>, vector<16xf32>,
            tpu.vector_store %arg13[%swap3A_238, %swap3A_239], %mul3A_237 {strides = array<i32>} : memref<128x128xf32, #tpu.memory_space<vmem>>, vector<16xf32>,
            %get3A_241 = arith.index_cast %scan3A_188 : i32 to index
            %get3A_242 = arith.constant 112 : index
            %get3A_243 = tpu.vector_load %arg13[%get3A_241, %get3A_242] {strides = array<i32>} : memref<128x128xf32, #tpu.memory_space<vmem>>, vector<16xf32>,
            %mul3A_244 = arith.mulf %get3A_243, %gather3A_191 : vector<16xf32>
            %swap3A_245 = arith.index_cast %scan3A_188 : i32 to index
            %swap3A_246 = arith.constant 112 : index
            %swap3A_247 = tpu.vector_load %arg13[%swap3A_245, %swap3A_246] {strides = array<i32>} : memref<128x128xf32, #tpu.memory_space<vmem>>, vector<16xf32>,
            tpu.vector_store %arg13[%swap3A_245, %swap3A_246], %mul3A_244 {strides = array<i32>} : memref<128x128xf32, #tpu.memory_space<vmem>>, vector<16xf32>,
            %scan3A_248 = arith.constant 0 : i32
            %scan3A_249 = arith.constant 2 : i32
            %scan3A_250 = arith.addi %scan3A_128, %scan3A_249 : i32
            %add3A_251 = arith.addi %mul3A_112, %scan3A_250 : i32
            %broadcast_in_dim3A_252 = vector.broadcast %add3A_251 : i32 to vector<16xi32>
            %gather3A_253 = tpu.vector_load_idx %arg10[%broadcast_in_dim3A_252] : memref<8448xf32, #tpu.memory_space<vmem>>[vector<16xi32>], vector<16xf32>,
            %get3A_254 = arith.index_cast %scan3A_250 : i32 to index
            %get3A_255 = arith.constant 0 : index
            %get3A_256 = tpu.vector_load %arg13[%get3A_254, %get3A_255] {strides = array<i32>} : memref<128x128xf32, #tpu.memory_space<vmem>>, vector<16xf32>,
            %mul3A_257 = arith.mulf %get3A_256, %gather3A_253 : vector<16xf32>
            %swap3A_258 = arith.index_cast %scan3A_250 : i32 to index
            %swap3A_259 = arith.constant 0 : index
            %swap3A_260 = tpu.vector_load %arg13[%swap3A_258, %swap3A_259] {strides = array<i32>} : memref<128x128xf32, #tpu.memory_space<vmem>>, vector<16xf32>,
            tpu.vector_store %arg13[%swap3A_258, %swap3A_259], %mul3A_257 {strides = array<i32>} : memref<128x128xf32, #tpu.memory_space<vmem>>, vector<16xf32>,
            %get3A_261 = arith.index_cast %scan3A_250 : i32 to index
            %get3A_262 = arith.constant 16 : index
            %get3A_263 = tpu.vector_load %arg13[%get3A_261, %get3A_262] {strides = array<i32>} : memref<128x128xf32, #tpu.memory_space<vmem>>, vector<16xf32>,
            %mul3A_264 = arith.mulf %get3A_263, %gather3A_253 : vector<16xf32>
            %swap3A_265 = arith.index_cast %scan3A_250 : i32 to index
            %swap3A_266 = arith.constant 16 : index
            %swap3A_267 = tpu.vector_load %arg13[%swap3A_265, %swap3A_266] {strides = array<i32>} : memref<128x128xf32, #tpu.memory_space<vmem>>, vector<16xf32>,
            tpu.vector_store %arg13[%swap3A_265, %swap3A_266], %mul3A_264 {strides = array<i32>} : memref<128x128xf32, #tpu.memory_space<vmem>>, vector<16xf32>,
            %get3A_268 = arith.index_cast %scan3A_250 : i32 to index
            %get3A_269 = arith.constant 32 : index
            %get3A_270 = tpu.vector_load %arg13[%get3A_268, %get3A_269] {strides = array<i32>} : memref<128x128xf32, #tpu.memory_space<vmem>>, vector<16xf32>,
            %mul3A_271 = arith.mulf %get3A_270, %gather3A_253 : vector<16xf32>
            %swap3A_272 = arith.index_cast %scan3A_250 : i32 to index
            %swap3A_273 = arith.constant 32 : index
            %swap3A_274 = tpu.vector_load %arg13[%swap3A_272, %swap3A_273] {strides = array<i32>} : memref<128x128xf32, #tpu.memory_space<vmem>>, vector<16xf32>,
            tpu.vector_store %arg13[%swap3A_272, %swap3A_273], %mul3A_271 {strides = array<i32>} : memref<128x128xf32, #tpu.memory_space<vmem>>, vector<16xf32>,
            %get3A_275 = arith.index_cast %scan3A_250 : i32 to index
            %get3A_276 = arith.constant 48 : index
            %get3A_277 = tpu.vector_load %arg13[%get3A_275, %get3A_276] {strides = array<i32>} : memref<128x128xf32, #tpu.memory_space<vmem>>, vector<16xf32>,
            %mul3A_278 = arith.mulf %get3A_277, %gather3A_253 : vector<16xf32>
            %swap3A_279 = arith.index_cast %scan3A_250 : i32 to index
            %swap3A_280 = arith.constant 48 : index
            %swap3A_281 = tpu.vector_load %arg13[%swap3A_279, %swap3A_280] {strides = array<i32>} : memref<128x128xf32, #tpu.memory_space<vmem>>, vector<16xf32>,
            tpu.vector_store %arg13[%swap3A_279, %swap3A_280], %mul3A_278 {strides = array<i32>} : memref<128x128xf32, #tpu.memory_space<vmem>>, vector<16xf32>,
            %get3A_282 = arith.index_cast %scan3A_250 : i32 to index
            %get3A_283 = arith.constant 64 : index
            %get3A_284 = tpu.vector_load %arg13[%get3A_282, %get3A_283] {strides = array<i32>} : memref<128x128xf32, #tpu.memory_space<vmem>>, vector<16xf32>,
            %mul3A_285 = arith.mulf %get3A_284, %gather3A_253 : vector<16xf32>
            %swap3A_286 = arith.index_cast %scan3A_250 : i32 to index
            %swap3A_287 = arith.constant 64 : index
            %swap3A_288 = tpu.vector_load %arg13[%swap3A_286, %swap3A_287] {strides = array<i32>} : memref<128x128xf32, #tpu.memory_space<vmem>>, vector<16xf32>,
            tpu.vector_store %arg13[%swap3A_286, %swap3A_287], %mul3A_285 {strides = array<i32>} : memref<128x128xf32, #tpu.memory_space<vmem>>, vector<16xf32>,
            %get3A_289 = arith.index_cast %scan3A_250 : i32 to index
            %get3A_290 = arith.constant 80 : index
            %get3A_291 = tpu.vector_load %arg13[%get3A_289, %get3A_290] {strides = array<i32>} : memref<128x128xf32, #tpu.memory_space<vmem>>, vector<16xf32>,
            %mul3A_292 = arith.mulf %get3A_291, %gather3A_253 : vector<16xf32>
            %swap3A_293 = arith.index_cast %scan3A_250 : i32 to index
            %swap3A_294 = arith.constant 80 : index
            %swap3A_295 = tpu.vector_load %arg13[%swap3A_293, %swap3A_294] {strides = array<i32>} : memref<128x128xf32, #tpu.memory_space<vmem>>, vector<16xf32>,
            tpu.vector_store %arg13[%swap3A_293, %swap3A_294], %mul3A_292 {strides = array<i32>} : memref<128x128xf32, #tpu.memory_space<vmem>>, vector<16xf32>,
            %get3A_296 = arith.index_cast %scan3A_250 : i32 to index
            %get3A_297 = arith.constant 96 : index
            %get3A_298 = tpu.vector_load %arg13[%get3A_296, %get3A_297] {strides = array<i32>} : memref<128x128xf32, #tpu.memory_space<vmem>>, vector<16xf32>,
            %mul3A_299 = arith.mulf %get3A_298, %gather3A_253 : vector<16xf32>
            %swap3A_300 = arith.index_cast %scan3A_250 : i32 to index
            %swap3A_301 = arith.constant 96 : index
            %swap3A_302 = tpu.vector_load %arg13[%swap3A_300, %swap3A_301] {strides = array<i32>} : memref<128x128xf32, #tpu.memory_space<vmem>>, vector<16xf32>,
            tpu.vector_store %arg13[%swap3A_300, %swap3A_301], %mul3A_299 {strides = array<i32>} : memref<128x128xf32, #tpu.memory_space<vmem>>, vector<16xf32>,
            %get3A_303 = arith.index_cast %scan3A_250 : i32 to index
            %get3A_304 = arith.constant 112 : index
            %get3A_305 = tpu.vector_load %arg13[%get3A_303, %get3A_304] {strides = array<i32>} : memref<128x128xf32, #tpu.memory_space<vmem>>, vector<16xf32>,
            %mul3A_306 = arith.mulf %get3A_305, %gather3A_253 : vector<16xf32>
            %swap3A_307 = arith.index_cast %scan3A_250 : i32 to index
            %swap3A_308 = arith.constant 112 : index
            %swap3A_309 = tpu.vector_load %arg13[%swap3A_307, %swap3A_308] {strides = array<i32>} : memref<128x128xf32, #tpu.memory_space<vmem>>, vector<16xf32>,
            tpu.vector_store %arg13[%swap3A_307, %swap3A_308], %mul3A_306 {strides = array<i32>} : memref<128x128xf32, #tpu.memory_space<vmem>>, vector<16xf32>,
            %scan3A_310 = arith.constant 0 : i32
            %scan3A_311 = arith.constant 3 : i32
            %scan3A_312 = arith.addi %scan3A_128, %scan3A_311 : i32
            %add3A_313 = arith.addi %mul3A_112, %scan3A_312 : i32
            %broadcast_in_dim3A_314 = vector.broadcast %add3A_313 : i32 to vector<16xi32>
            %gather3A_315 = tpu.vector_load_idx %arg10[%broadcast_in_dim3A_314] : memref<8448xf32, #tpu.memory_space<vmem>>[vector<16xi32>], vector<16xf32>,
            %get3A_316 = arith.index_cast %scan3A_312 : i32 to index
            %get3A_317 = arith.constant 0 : index
            %get3A_318 = tpu.vector_load %arg13[%get3A_316, %get3A_317] {strides = array<i32>} : memref<128x128xf32, #tpu.memory_space<vmem>>, vector<16xf32>,
            %mul3A_319 = arith.mulf %get3A_318, %gather3A_315 : vector<16xf32>
            %swap3A_320 = arith.index_cast %scan3A_312 : i32 to index
            %swap3A_321 = arith.constant 0 : index
            %swap3A_322 = tpu.vector_load %arg13[%swap3A_320, %swap3A_321] {strides = array<i32>} : memref<128x128xf32, #tpu.memory_space<vmem>>, vector<16xf32>,
            tpu.vector_store %arg13[%swap3A_320, %swap3A_321], %mul3A_319 {strides = array<i32>} : memref<128x128xf32, #tpu.memory_space<vmem>>, vector<16xf32>,
            %get3A_323 = arith.index_cast %scan3A_312 : i32 to index
            %get3A_324 = arith.constant 16 : index
            %get3A_325 = tpu.vector_load %arg13[%get3A_323, %get3A_324] {strides = array<i32>} : memref<128x128xf32, #tpu.memory_space<vmem>>, vector<16xf32>,
            %mul3A_326 = arith.mulf %get3A_325, %gather3A_315 : vector<16xf32>
            %swap3A_327 = arith.index_cast %scan3A_312 : i32 to index
            %swap3A_328 = arith.constant 16 : index
            %swap3A_329 = tpu.vector_load %arg13[%swap3A_327, %swap3A_328] {strides = array<i32>} : memref<128x128xf32, #tpu.memory_space<vmem>>, vector<16xf32>,
            tpu.vector_store %arg13[%swap3A_327, %swap3A_328], %mul3A_326 {strides = array<i32>} : memref<128x128xf32, #tpu.memory_space<vmem>>, vector<16xf32>,
            %get3A_330 = arith.index_cast %scan3A_312 : i32 to index
            %get3A_331 = arith.constant 32 : index
            %get3A_332 = tpu.vector_load %arg13[%get3A_330, %get3A_331] {strides = array<i32>} : memref<128x128xf32, #tpu.memory_space<vmem>>, vector<16xf32>,
            %mul3A_333 = arith.mulf %get3A_332, %gather3A_315 : vector<16xf32>
            %swap3A_334 = arith.index_cast %scan3A_312 : i32 to index
            %swap3A_335 = arith.constant 32 : index
            %swap3A_336 = tpu.vector_load %arg13[%swap3A_334, %swap3A_335] {strides = array<i32>} : memref<128x128xf32, #tpu.memory_space<vmem>>, vector<16xf32>,
            tpu.vector_store %arg13[%swap3A_334, %swap3A_335], %mul3A_333 {strides = array<i32>} : memref<128x128xf32, #tpu.memory_space<vmem>>, vector<16xf32>,
            %get3A_337 = arith.index_cast %scan3A_312 : i32 to index
            %get3A_338 = arith.constant 48 : index
            %get3A_339 = tpu.vector_load %arg13[%get3A_337, %get3A_338] {strides = array<i32>} : memref<128x128xf32, #tpu.memory_space<vmem>>, vector<16xf32>,
            %mul3A_340 = arith.mulf %get3A_339, %gather3A_315 : vector<16xf32>
            %swap3A_341 = arith.index_cast %scan3A_312 : i32 to index
            %swap3A_342 = arith.constant 48 : index
            %swap3A_343 = tpu.vector_load %arg13[%swap3A_341, %swap3A_342] {strides = array<i32>} : memref<128x128xf32, #tpu.memory_space<vmem>>, vector<16xf32>,
            tpu.vector_store %arg13[%swap3A_341, %swap3A_342], %mul3A_340 {strides = array<i32>} : memref<128x128xf32, #tpu.memory_space<vmem>>, vector<16xf32>,
            %get3A_344 = arith.index_cast %scan3A_312 : i32 to index
            %get3A_345 = arith.constant 64 : index
            %get3A_346 = tpu.vector_load %arg13[%get3A_344, %get3A_345] {strides = array<i32>} : memref<128x128xf32, #tpu.memory_space<vmem>>, vector<16xf32>,
            %mul3A_347 = arith.mulf %get3A_346, %gather3A_315 : vector<16xf32>
            %swap3A_348 = arith.index_cast %scan3A_312 : i32 to index
            %swap3A_349 = arith.constant 64 : index
            %swap3A_350 = tpu.vector_load %arg13[%swap3A_348, %swap3A_349] {strides = array<i32>} : memref<128x128xf32, #tpu.memory_space<vmem>>, vector<16xf32>,
            tpu.vector_store %arg13[%swap3A_348, %swap3A_349], %mul3A_347 {strides = array<i32>} : memref<128x128xf32, #tpu.memory_space<vmem>>, vector<16xf32>,
            %get3A_351 = arith.index_cast %scan3A_312 : i32 to index
            %get3A_352 = arith.constant 80 : index
            %get3A_353 = tpu.vector_load %arg13[%get3A_351, %get3A_352] {strides = array<i32>} : memref<128x128xf32, #tpu.memory_space<vmem>>, vector<16xf32>,
            %mul3A_354 = arith.mulf %get3A_353, %gather3A_315 : vector<16xf32>
            %swap3A_355 = arith.index_cast %scan3A_312 : i32 to index
            %swap3A_356 = arith.constant 80 : index
            %swap3A_357 = tpu.vector_load %arg13[%swap3A_355, %swap3A_356] {strides = array<i32>} : memref<128x128xf32, #tpu.memory_space<vmem>>, vector<16xf32>,
            tpu.vector_store %arg13[%swap3A_355, %swap3A_356], %mul3A_354 {strides = array<i32>} : memref<128x128xf32, #tpu.memory_space<vmem>>, vector<16xf32>,
            %get3A_358 = arith.index_cast %scan3A_312 : i32 to index
            %get3A_359 = arith.constant 96 : index
            %get3A_360 = tpu.vector_load %arg13[%get3A_358, %get3A_359] {strides = array<i32>} : memref<128x128xf32, #tpu.memory_space<vmem>>, vector<16xf32>,
            %mul3A_361 = arith.mulf %get3A_360, %gather3A_315 : vector<16xf32>
            %swap3A_362 = arith.index_cast %scan3A_312 : i32 to index
            %swap3A_363 = arith.constant 96 : index
            %swap3A_364 = tpu.vector_load %arg13[%swap3A_362, %swap3A_363] {strides = array<i32>} : memref<128x128xf32, #tpu.memory_space<vmem>>, vector<16xf32>,
            tpu.vector_store %arg13[%swap3A_362, %swap3A_363], %mul3A_361 {strides = array<i32>} : memref<128x128xf32, #tpu.memory_space<vmem>>, vector<16xf32>,
            %get3A_365 = arith.index_cast %scan3A_312 : i32 to index
            %get3A_366 = arith.constant 112 : index
            %get3A_367 = tpu.vector_load %arg13[%get3A_365, %get3A_366] {strides = array<i32>} : memref<128x128xf32, #tpu.memory_space<vmem>>, vector<16xf32>,
            %mul3A_368 = arith.mulf %get3A_367, %gather3A_315 : vector<16xf32>
            %swap3A_369 = arith.index_cast %scan3A_312 : i32 to index
            %swap3A_370 = arith.constant 112 : index
            %swap3A_371 = tpu.vector_load %arg13[%swap3A_369, %swap3A_370] {strides = array<i32>} : memref<128x128xf32, #tpu.memory_space<vmem>>, vector<16xf32>,
            tpu.vector_store %arg13[%swap3A_369, %swap3A_370], %mul3A_368 {strides = array<i32>} : memref<128x128xf32, #tpu.memory_space<vmem>>, vector<16xf32>,
            %scan3A_372 = arith.constant 0 : i32
            scf.yield %scan3A_372 : i32
          }
          %scan3A_126 = arith.constant 128 : i32
          "tpu.region"() ({
            %run_scoped3A = tpu.sem_alloc : memref<!tpu.dma_semaphore, #tpu.memory_space<semaphore_mem>>
            %dma_start3A_128 = arith.constant 0 : i32
            %dma_start3A_129 = arith.constant 0 : i32
            %dma_start3A_130 = tpu.memref_slice %arg14[%dma_start3A_128, %dma_start3A_129] : memref<9216x128xf32, #tpu.memory_space<vmem_shared>> -> memref<9216x128xf32, #tpu.memory_space<vmem_shared>>
            tpu.enqueue_indirect_dma source(%arg13 : memref<128x128xf32, #tpu.memory_space<vmem>>) target(%dma_start3A_130 : memref<9216x128xf32, #tpu.memory_space<vmem_shared>>) offsets(%arg11 : memref<128xi32, #tpu.memory_space<vmem>>) semaphore(%run_scoped3A : memref<!tpu.dma_semaphore, #tpu.memory_space<semaphore_mem>>) {add = true}
            %dma_wait3A_131 = arith.constant 0 : i32
            %dma_wait3A_132 = arith.constant 0 : i32
            %dma_wait3A_133 = tpu.memref_slice %arg14[%dma_wait3A_131, %dma_wait3A_132] : memref<9216x128xf32, #tpu.memory_space<vmem_shared>> -> memref<9216x128xf32, #tpu.memory_space<vmem_shared>>
            tpu.wait_indirect_dma semaphore(%run_scoped3A : memref<!tpu.dma_semaphore, #tpu.memory_space<semaphore_mem>>) src(%arg13 : memref<128x128xf32, #tpu.memory_space<vmem>>) dst(%dma_wait3A_133 : memref<9216x128xf32, #tpu.memory_space<vmem_shared>>)
            tpu.yield
          }) : () -> ()
          %while3A_127 = arith.constant 0 : i32
          scf.yield %while3A_127 : i32
        }
        %while3A_106 = arith.constant 1 : i32
        %while3A_107 = scf.for %while3A_109 = %while3A_103 to %while3A_99 step %while3A_106 iter_args(%while3A_110 = %while3A_105) -> (i32)  : i32 {
          %mul3A_111 = arith.constant 128 : i32
          %mul3A_112 = arith.muli %while3A_109, %mul3A_111 : i32
          %scan3A_113 = arith.constant 0 : i32
          %scan3A_114 = arith.constant 0 : i32
          %scan3A_115 = arith.constant 8 : i32
          %scan3A_116 = arith.addi %scan3A_114, %scan3A_115 : i32
          %scan3A_117 = arith.constant 1 : i32
          %scan3A_118 = scf.for %scan3A_128 = %scan3A_114 to %scan3A_116 step %scan3A_117 iter_args(%scan3A_129 = %scan3A_113) -> (i32)  : i32 {
            %mul3A_130 = arith.constant 16 : i32
            %mul3A_131 = arith.muli %mul3A_130, %scan3A_128 : i32
            %add3A_132 = arith.addi %mul3A_112, %mul3A_131 : i32
            %get3A = arith.index_cast %add3A_132 : i32 to index
            %get3A_133 = tpu.vector_load %arg9[%get3A] {strides = array<i32>} : memref<8208xi32, #tpu.memory_space<vmem>>, vector<16xi32>,
            %mul3A_134 = arith.constant 16 : i32
            %mul3A_135 = arith.muli %mul3A_134, %scan3A_128 : i32
            %swap3A = arith.index_cast %mul3A_135 : i32 to index
            %swap3A_136 = tpu.vector_load %arg12[%swap3A] {strides = array<i32>} : memref<128xi32, #tpu.memory_space<vmem>>, vector<16xi32>,
            tpu.vector_store %arg12[%swap3A], %get3A_133 {strides = array<i32>} : memref<128xi32, #tpu.memory_space<vmem>>, vector<16xi32>,
            %mul3A_137 = arith.constant 16 : i32
            %mul3A_138 = arith.muli %mul3A_137, %scan3A_128 : i32
            %add3A_139 = arith.addi %mul3A_112, %mul3A_138 : i32
            %get3A_140 = arith.index_cast %add3A_139 : i32 to index
            %get3A_141 = tpu.vector_load %arg8[%get3A_140] {strides = array<i32>} : memref<8208xi32, #tpu.memory_space<vmem>>, vector<16xi32>,
            %mul3A_142 = arith.constant 16 : i32
            %mul3A_143 = arith.muli %mul3A_142, %scan3A_128 : i32
            %swap3A_144 = arith.index_cast %mul3A_143 : i32 to index
            %swap3A_145 = tpu.vector_load %arg11[%swap3A_144] {strides = array<i32>} : memref<128xi32, #tpu.memory_space<vmem>>, vector<16xi32>,
            tpu.vector_store %arg11[%swap3A_144], %get3A_141 {strides = array<i32>} : memref<128xi32, #tpu.memory_space<vmem>>, vector<16xi32>,
            %scan3A_146 = arith.constant 0 : i32
            scf.yield %scan3A_146 : i32
          }
          %scan3A_119 = arith.constant 8 : i32
          "tpu.region"() ({
            %run_scoped3A = tpu.sem_alloc : memref<!tpu.dma_semaphore, #tpu.memory_space<semaphore_mem>>
            %dma_start3A_128 = arith.constant 0 : i32
            %dma_start3A_129 = arith.constant 0 : i32
            %dma_start3A_130 = tpu.memref_slice %arg3[%dma_start3A_128, %dma_start3A_129] : memref<147456x128xf32, #tpu.memory_space<hbm>> -> memref<147456x128xf32, #tpu.memory_space<hbm>>
            tpu.enqueue_indirect_dma source(%dma_start3A_130 : memref<147456x128xf32, #tpu.memory_space<hbm>>) target(%arg13 : memref<128x128xf32, #tpu.memory_space<vmem>>) offsets(%arg12 : memref<128xi32, #tpu.memory_space<vmem>>) semaphore(%run_scoped3A : memref<!tpu.dma_semaphore, #tpu.memory_space<semaphore_mem>>)
            %dma_wait3A_131 = arith.constant 0 : i32
            %dma_wait3A_132 = arith.constant 0 : i32
            %dma_wait3A_133 = tpu.memref_slice %arg3[%dma_wait3A_131, %dma_wait3A_132] : memref<147456x128xf32, #tpu.memory_space<hbm>> -> memref<147456x128xf32, #tpu.memory_space<hbm>>
            tpu.wait_indirect_dma semaphore(%run_scoped3A : memref<!tpu.dma_semaphore, #tpu.memory_space<semaphore_mem>>) src(%dma_wait3A_133 : memref<147456x128xf32, #tpu.memory_space<hbm>>) dst(%arg13 : memref<128x128xf32, #tpu.memory_space<vmem>>)
            tpu.yield
          }) : () -> ()
          %scan3A_120 = arith.constant 0 : i32
          %scan3A_121 = arith.constant 0 : i32
          %scan3A_122 = arith.constant 128 : i32
          %scan3A_123 = arith.addi %scan3A_121, %scan3A_122 : i32
          %scan3A_124 = arith.constant 4 : i32
          %scan3A_125 = scf.for %scan3A_128 = %scan3A_121 to %scan3A_123 step %scan3A_124 iter_args(%scan3A_129 = %scan3A_120) -> (i32)  : i32 {
            %add3A_130 = arith.addi %mul3A_112, %scan3A_128 : i32
            %broadcast_in_dim3A_131 = vector.broadcast %add3A_130 : i32 to vector<16xi32>
            %gather3A = tpu.vector_load_idx %arg10[%broadcast_in_dim3A_131] : memref<8448xf32, #tpu.memory_space<vmem>>[vector<16xi32>], vector<16xf32>,
            %get3A = arith.index_cast %scan3A_128 : i32 to index
            %get3A_132 = arith.constant 0 : index
            %get3A_133 = tpu.vector_load %arg13[%get3A, %get3A_132] {strides = array<i32>} : memref<128x128xf32, #tpu.memory_space<vmem>>, vector<16xf32>,
            %mul3A_134 = arith.mulf %get3A_133, %gather3A : vector<16xf32>
            %swap3A = arith.index_cast %scan3A_128 : i32 to index
            %swap3A_135 = arith.constant 0 : index
            %swap3A_136 = tpu.vector_load %arg13[%swap3A, %swap3A_135] {strides = array<i32>} : memref<128x128xf32, #tpu.memory_space<vmem>>, vector<16xf32>,
            tpu.vector_store %arg13[%swap3A, %swap3A_135], %mul3A_134 {strides = array<i32>} : memref<128x128xf32, #tpu.memory_space<vmem>>, vector<16xf32>,
            %get3A_137 = arith.index_cast %scan3A_128 : i32 to index
            %get3A_138 = arith.constant 16 : index
            %get3A_139 = tpu.vector_load %arg13[%get3A_137, %get3A_138] {strides = array<i32>} : memref<128x128xf32, #tpu.memory_space<vmem>>, vector<16xf32>,
            %mul3A_140 = arith.mulf %get3A_139, %gather3A : vector<16xf32>
            %swap3A_141 = arith.index_cast %scan3A_128 : i32 to index
            %swap3A_142 = arith.constant 16 : index
            %swap3A_143 = tpu.vector_load %arg13[%swap3A_141, %swap3A_142] {strides = array<i32>} : memref<128x128xf32, #tpu.memory_space<vmem>>, vector<16xf32>,
            tpu.vector_store %arg13[%swap3A_141, %swap3A_142], %mul3A_140 {strides = array<i32>} : memref<128x128xf32, #tpu.memory_space<vmem>>, vector<16xf32>,
            %get3A_144 = arith.index_cast %scan3A_128 : i32 to index
            %get3A_145 = arith.constant 32 : index
            %get3A_146 = tpu.vector_load %arg13[%get3A_144, %get3A_145] {strides = array<i32>} : memref<128x128xf32, #tpu.memory_space<vmem>>, vector<16xf32>,
            %mul3A_147 = arith.mulf %get3A_146, %gather3A : vector<16xf32>
            %swap3A_148 = arith.index_cast %scan3A_128 : i32 to index
            %swap3A_149 = arith.constant 32 : index
            %swap3A_150 = tpu.vector_load %arg13[%swap3A_148, %swap3A_149] {strides = array<i32>} : memref<128x128xf32, #tpu.memory_space<vmem>>, vector<16xf32>,
            tpu.vector_store %arg13[%swap3A_148, %swap3A_149], %mul3A_147 {strides = array<i32>} : memref<128x128xf32, #tpu.memory_space<vmem>>, vector<16xf32>,
            %get3A_151 = arith.index_cast %scan3A_128 : i32 to index
            %get3A_152 = arith.constant 48 : index
            %get3A_153 = tpu.vector_load %arg13[%get3A_151, %get3A_152] {strides = array<i32>} : memref<128x128xf32, #tpu.memory_space<vmem>>, vector<16xf32>,
            %mul3A_154 = arith.mulf %get3A_153, %gather3A : vector<16xf32>
            %swap3A_155 = arith.index_cast %scan3A_128 : i32 to index
            %swap3A_156 = arith.constant 48 : index
            %swap3A_157 = tpu.vector_load %arg13[%swap3A_155, %swap3A_156] {strides = array<i32>} : memref<128x128xf32, #tpu.memory_space<vmem>>, vector<16xf32>,
            tpu.vector_store %arg13[%swap3A_155, %swap3A_156], %mul3A_154 {strides = array<i32>} : memref<128x128xf32, #tpu.memory_space<vmem>>, vector<16xf32>,
            %get3A_158 = arith.index_cast %scan3A_128 : i32 to index
            %get3A_159 = arith.constant 64 : index
            %get3A_160 = tpu.vector_load %arg13[%get3A_158, %get3A_159] {strides = array<i32>} : memref<128x128xf32, #tpu.memory_space<vmem>>, vector<16xf32>,
            %mul3A_161 = arith.mulf %get3A_160, %gather3A : vector<16xf32>
            %swap3A_162 = arith.index_cast %scan3A_128 : i32 to index
            %swap3A_163 = arith.constant 64 : index
            %swap3A_164 = tpu.vector_load %arg13[%swap3A_162, %swap3A_163] {strides = array<i32>} : memref<128x128xf32, #tpu.memory_space<vmem>>, vector<16xf32>,
            tpu.vector_store %arg13[%swap3A_162, %swap3A_163], %mul3A_161 {strides = array<i32>} : memref<128x128xf32, #tpu.memory_space<vmem>>, vector<16xf32>,
            %get3A_165 = arith.index_cast %scan3A_128 : i32 to index
            %get3A_166 = arith.constant 80 : index
            %get3A_167 = tpu.vector_load %arg13[%get3A_165, %get3A_166] {strides = array<i32>} : memref<128x128xf32, #tpu.memory_space<vmem>>, vector<16xf32>,
            %mul3A_168 = arith.mulf %get3A_167, %gather3A : vector<16xf32>
            %swap3A_169 = arith.index_cast %scan3A_128 : i32 to index
            %swap3A_170 = arith.constant 80 : index
            %swap3A_171 = tpu.vector_load %arg13[%swap3A_169, %swap3A_170] {strides = array<i32>} : memref<128x128xf32, #tpu.memory_space<vmem>>, vector<16xf32>,
            tpu.vector_store %arg13[%swap3A_169, %swap3A_170], %mul3A_168 {strides = array<i32>} : memref<128x128xf32, #tpu.memory_space<vmem>>, vector<16xf32>,
            %get3A_172 = arith.index_cast %scan3A_128 : i32 to index
            %get3A_173 = arith.constant 96 : index
            %get3A_174 = tpu.vector_load %arg13[%get3A_172, %get3A_173] {strides = array<i32>} : memref<128x128xf32, #tpu.memory_space<vmem>>, vector<16xf32>,
            %mul3A_175 = arith.mulf %get3A_174, %gather3A : vector<16xf32>
            %swap3A_176 = arith.index_cast %scan3A_128 : i32 to index
            %swap3A_177 = arith.constant 96 : index
            %swap3A_178 = tpu.vector_load %arg13[%swap3A_176, %swap3A_177] {strides = array<i32>} : memref<128x128xf32, #tpu.memory_space<vmem>>, vector<16xf32>,
            tpu.vector_store %arg13[%swap3A_176, %swap3A_177], %mul3A_175 {strides = array<i32>} : memref<128x128xf32, #tpu.memory_space<vmem>>, vector<16xf32>,
            %get3A_179 = arith.index_cast %scan3A_128 : i32 to index
            %get3A_180 = arith.constant 112 : index
            %get3A_181 = tpu.vector_load %arg13[%get3A_179, %get3A_180] {strides = array<i32>} : memref<128x128xf32, #tpu.memory_space<vmem>>, vector<16xf32>,
            %mul3A_182 = arith.mulf %get3A_181, %gather3A : vector<16xf32>
            %swap3A_183 = arith.index_cast %scan3A_128 : i32 to index
            %swap3A_184 = arith.constant 112 : index
            %swap3A_185 = tpu.vector_load %arg13[%swap3A_183, %swap3A_184] {strides = array<i32>} : memref<128x128xf32, #tpu.memory_space<vmem>>, vector<16xf32>,
            tpu.vector_store %arg13[%swap3A_183, %swap3A_184], %mul3A_182 {strides = array<i32>} : memref<128x128xf32, #tpu.memory_space<vmem>>, vector<16xf32>,
            %scan3A_186 = arith.constant 0 : i32
            %scan3A_187 = arith.constant 1 : i32
            %scan3A_188 = arith.addi %scan3A_128, %scan3A_187 : i32
            %add3A_189 = arith.addi %mul3A_112, %scan3A_188 : i32
            %broadcast_in_dim3A_190 = vector.broadcast %add3A_189 : i32 to vector<16xi32>
            %gather3A_191 = tpu.vector_load_idx %arg10[%broadcast_in_dim3A_190] : memref<8448xf32, #tpu.memory_space<vmem>>[vector<16xi32>], vector<16xf32>,
            %get3A_192 = arith.index_cast %scan3A_188 : i32 to index
            %get3A_193 = arith.constant 0 : index
            %get3A_194 = tpu.vector_load %arg13[%get3A_192, %get3A_193] {strides = array<i32>} : memref<128x128xf32, #tpu.memory_space<vmem>>, vector<16xf32>,
            %mul3A_195 = arith.mulf %get3A_194, %gather3A_191 : vector<16xf32>
            %swap3A_196 = arith.index_cast %scan3A_188 : i32 to index
            %swap3A_197 = arith.constant 0 : index
            %swap3A_198 = tpu.vector_load %arg13[%swap3A_196, %swap3A_197] {strides = array<i32>} : memref<128x128xf32, #tpu.memory_space<vmem>>, vector<16xf32>,
            tpu.vector_store %arg13[%swap3A_196, %swap3A_197], %mul3A_195 {strides = array<i32>} : memref<128x128xf32, #tpu.memory_space<vmem>>, vector<16xf32>,
            %get3A_199 = arith.index_cast %scan3A_188 : i32 to index
            %get3A_200 = arith.constant 16 : index
            %get3A_201 = tpu.vector_load %arg13[%get3A_199, %get3A_200] {strides = array<i32>} : memref<128x128xf32, #tpu.memory_space<vmem>>, vector<16xf32>,
            %mul3A_202 = arith.mulf %get3A_201, %gather3A_191 : vector<16xf32>
            %swap3A_203 = arith.index_cast %scan3A_188 : i32 to index
            %swap3A_204 = arith.constant 16 : index
            %swap3A_205 = tpu.vector_load %arg13[%swap3A_203, %swap3A_204] {strides = array<i32>} : memref<128x128xf32, #tpu.memory_space<vmem>>, vector<16xf32>,
            tpu.vector_store %arg13[%swap3A_203, %swap3A_204], %mul3A_202 {strides = array<i32>} : memref<128x128xf32, #tpu.memory_space<vmem>>, vector<16xf32>,
            %get3A_206 = arith.index_cast %scan3A_188 : i32 to index
            %get3A_207 = arith.constant 32 : index
            %get3A_208 = tpu.vector_load %arg13[%get3A_206, %get3A_207] {strides = array<i32>} : memref<128x128xf32, #tpu.memory_space<vmem>>, vector<16xf32>,
            %mul3A_209 = arith.mulf %get3A_208, %gather3A_191 : vector<16xf32>
            %swap3A_210 = arith.index_cast %scan3A_188 : i32 to index
            %swap3A_211 = arith.constant 32 : index
            %swap3A_212 = tpu.vector_load %arg13[%swap3A_210, %swap3A_211] {strides = array<i32>} : memref<128x128xf32, #tpu.memory_space<vmem>>, vector<16xf32>,
            tpu.vector_store %arg13[%swap3A_210, %swap3A_211], %mul3A_209 {strides = array<i32>} : memref<128x128xf32, #tpu.memory_space<vmem>>, vector<16xf32>,
            %get3A_213 = arith.index_cast %scan3A_188 : i32 to index
            %get3A_214 = arith.constant 48 : index
            %get3A_215 = tpu.vector_load %arg13[%get3A_213, %get3A_214] {strides = array<i32>} : memref<128x128xf32, #tpu.memory_space<vmem>>, vector<16xf32>,
            %mul3A_216 = arith.mulf %get3A_215, %gather3A_191 : vector<16xf32>
            %swap3A_217 = arith.index_cast %scan3A_188 : i32 to index
            %swap3A_218 = arith.constant 48 : index
            %swap3A_219 = tpu.vector_load %arg13[%swap3A_217, %swap3A_218] {strides = array<i32>} : memref<128x128xf32, #tpu.memory_space<vmem>>, vector<16xf32>,
            tpu.vector_store %arg13[%swap3A_217, %swap3A_218], %mul3A_216 {strides = array<i32>} : memref<128x128xf32, #tpu.memory_space<vmem>>, vector<16xf32>,
            %get3A_220 = arith.index_cast %scan3A_188 : i32 to index
            %get3A_221 = arith.constant 64 : index
            %get3A_222 = tpu.vector_load %arg13[%get3A_220, %get3A_221] {strides = array<i32>} : memref<128x128xf32, #tpu.memory_space<vmem>>, vector<16xf32>,
            %mul3A_223 = arith.mulf %get3A_222, %gather3A_191 : vector<16xf32>
            %swap3A_224 = arith.index_cast %scan3A_188 : i32 to index
            %swap3A_225 = arith.constant 64 : index
            %swap3A_226 = tpu.vector_load %arg13[%swap3A_224, %swap3A_225] {strides = array<i32>} : memref<128x128xf32, #tpu.memory_space<vmem>>, vector<16xf32>,
            tpu.vector_store %arg13[%swap3A_224, %swap3A_225], %mul3A_223 {strides = array<i32>} : memref<128x128xf32, #tpu.memory_space<vmem>>, vector<16xf32>,
            %get3A_227 = arith.index_cast %scan3A_188 : i32 to index
            %get3A_228 = arith.constant 80 : index
            %get3A_229 = tpu.vector_load %arg13[%get3A_227, %get3A_228] {strides = array<i32>} : memref<128x128xf32, #tpu.memory_space<vmem>>, vector<16xf32>,
            %mul3A_230 = arith.mulf %get3A_229, %gather3A_191 : vector<16xf32>
            %swap3A_231 = arith.index_cast %scan3A_188 : i32 to index
            %swap3A_232 = arith.constant 80 : index
            %swap3A_233 = tpu.vector_load %arg13[%swap3A_231, %swap3A_232] {strides = array<i32>} : memref<128x128xf32, #tpu.memory_space<vmem>>, vector<16xf32>,
            tpu.vector_store %arg13[%swap3A_231, %swap3A_232], %mul3A_230 {strides = array<i32>} : memref<128x128xf32, #tpu.memory_space<vmem>>, vector<16xf32>,
            %get3A_234 = arith.index_cast %scan3A_188 : i32 to index
            %get3A_235 = arith.constant 96 : index
            %get3A_236 = tpu.vector_load %arg13[%get3A_234, %get3A_235] {strides = array<i32>} : memref<128x128xf32, #tpu.memory_space<vmem>>, vector<16xf32>,
            %mul3A_237 = arith.mulf %get3A_236, %gather3A_191 : vector<16xf32>
            %swap3A_238 = arith.index_cast %scan3A_188 : i32 to index
            %swap3A_239 = arith.constant 96 : index
            %swap3A_240 = tpu.vector_load %arg13[%swap3A_238, %swap3A_239] {strides = array<i32>} : memref<128x128xf32, #tpu.memory_space<vmem>>, vector<16xf32>,
            tpu.vector_store %arg13[%swap3A_238, %swap3A_239], %mul3A_237 {strides = array<i32>} : memref<128x128xf32, #tpu.memory_space<vmem>>, vector<16xf32>,
            %get3A_241 = arith.index_cast %scan3A_188 : i32 to index
            %get3A_242 = arith.constant 112 : index
            %get3A_243 = tpu.vector_load %arg13[%get3A_241, %get3A_242] {strides = array<i32>} : memref<128x128xf32, #tpu.memory_space<vmem>>, vector<16xf32>,
            %mul3A_244 = arith.mulf %get3A_243, %gather3A_191 : vector<16xf32>
            %swap3A_245 = arith.index_cast %scan3A_188 : i32 to index
            %swap3A_246 = arith.constant 112 : index
            %swap3A_247 = tpu.vector_load %arg13[%swap3A_245, %swap3A_246] {strides = array<i32>} : memref<128x128xf32, #tpu.memory_space<vmem>>, vector<16xf32>,
            tpu.vector_store %arg13[%swap3A_245, %swap3A_246], %mul3A_244 {strides = array<i32>} : memref<128x128xf32, #tpu.memory_space<vmem>>, vector<16xf32>,
            %scan3A_248 = arith.constant 0 : i32
            %scan3A_249 = arith.constant 2 : i32
            %scan3A_250 = arith.addi %scan3A_128, %scan3A_249 : i32
            %add3A_251 = arith.addi %mul3A_112, %scan3A_250 : i32
            %broadcast_in_dim3A_252 = vector.broadcast %add3A_251 : i32 to vector<16xi32>
            %gather3A_253 = tpu.vector_load_idx %arg10[%broadcast_in_dim3A_252] : memref<8448xf32, #tpu.memory_space<vmem>>[vector<16xi32>], vector<16xf32>,
            %get3A_254 = arith.index_cast %scan3A_250 : i32 to index
            %get3A_255 = arith.constant 0 : index
            %get3A_256 = tpu.vector_load %arg13[%get3A_254, %get3A_255] {strides = array<i32>} : memref<128x128xf32, #tpu.memory_space<vmem>>, vector<16xf32>,
            %mul3A_257 = arith.mulf %get3A_256, %gather3A_253 : vector<16xf32>
            %swap3A_258 = arith.index_cast %scan3A_250 : i32 to index
            %swap3A_259 = arith.constant 0 : index
            %swap3A_260 = tpu.vector_load %arg13[%swap3A_258, %swap3A_259] {strides = array<i32>} : memref<128x128xf32, #tpu.memory_space<vmem>>, vector<16xf32>,
            tpu.vector_store %arg13[%swap3A_258, %swap3A_259], %mul3A_257 {strides = array<i32>} : memref<128x128xf32, #tpu.memory_space<vmem>>, vector<16xf32>,
            %get3A_261 = arith.index_cast %scan3A_250 : i32 to index
            %get3A_262 = arith.constant 16 : index
            %get3A_263 = tpu.vector_load %arg13[%get3A_261, %get3A_262] {strides = array<i32>} : memref<128x128xf32, #tpu.memory_space<vmem>>, vector<16xf32>,
            %mul3A_264 = arith.mulf %get3A_263, %gather3A_253 : vector<16xf32>
            %swap3A_265 = arith.index_cast %scan3A_250 : i32 to index
            %swap3A_266 = arith.constant 16 : index
            %swap3A_267 = tpu.vector_load %arg13[%swap3A_265, %swap3A_266] {strides = array<i32>} : memref<128x128xf32, #tpu.memory_space<vmem>>, vector<16xf32>,
            tpu.vector_store %arg13[%swap3A_265, %swap3A_266], %mul3A_264 {strides = array<i32>} : memref<128x128xf32, #tpu.memory_space<vmem>>, vector<16xf32>,
            %get3A_268 = arith.index_cast %scan3A_250 : i32 to index
            %get3A_269 = arith.constant 32 : index
            %get3A_270 = tpu.vector_load %arg13[%get3A_268, %get3A_269] {strides = array<i32>} : memref<128x128xf32, #tpu.memory_space<vmem>>, vector<16xf32>,
            %mul3A_271 = arith.mulf %get3A_270, %gather3A_253 : vector<16xf32>
            %swap3A_272 = arith.index_cast %scan3A_250 : i32 to index
            %swap3A_273 = arith.constant 32 : index
            %swap3A_274 = tpu.vector_load %arg13[%swap3A_272, %swap3A_273] {strides = array<i32>} : memref<128x128xf32, #tpu.memory_space<vmem>>, vector<16xf32>,
            tpu.vector_store %arg13[%swap3A_272, %swap3A_273], %mul3A_271 {strides = array<i32>} : memref<128x128xf32, #tpu.memory_space<vmem>>, vector<16xf32>,
            %get3A_275 = arith.index_cast %scan3A_250 : i32 to index
            %get3A_276 = arith.constant 48 : index
            %get3A_277 = tpu.vector_load %arg13[%get3A_275, %get3A_276] {strides = array<i32>} : memref<128x128xf32, #tpu.memory_space<vmem>>, vector<16xf32>,
            %mul3A_278 = arith.mulf %get3A_277, %gather3A_253 : vector<16xf32>
            %swap3A_279 = arith.index_cast %scan3A_250 : i32 to index
            %swap3A_280 = arith.constant 48 : index
            %swap3A_281 = tpu.vector_load %arg13[%swap3A_279, %swap3A_280] {strides = array<i32>} : memref<128x128xf32, #tpu.memory_space<vmem>>, vector<16xf32>,
            tpu.vector_store %arg13[%swap3A_279, %swap3A_280], %mul3A_278 {strides = array<i32>} : memref<128x128xf32, #tpu.memory_space<vmem>>, vector<16xf32>,
            %get3A_282 = arith.index_cast %scan3A_250 : i32 to index
            %get3A_283 = arith.constant 64 : index
            %get3A_284 = tpu.vector_load %arg13[%get3A_282, %get3A_283] {strides = array<i32>} : memref<128x128xf32, #tpu.memory_space<vmem>>, vector<16xf32>,
            %mul3A_285 = arith.mulf %get3A_284, %gather3A_253 : vector<16xf32>
            %swap3A_286 = arith.index_cast %scan3A_250 : i32 to index
            %swap3A_287 = arith.constant 64 : index
            %swap3A_288 = tpu.vector_load %arg13[%swap3A_286, %swap3A_287] {strides = array<i32>} : memref<128x128xf32, #tpu.memory_space<vmem>>, vector<16xf32>,
            tpu.vector_store %arg13[%swap3A_286, %swap3A_287], %mul3A_285 {strides = array<i32>} : memref<128x128xf32, #tpu.memory_space<vmem>>, vector<16xf32>,
            %get3A_289 = arith.index_cast %scan3A_250 : i32 to index
            %get3A_290 = arith.constant 80 : index
            %get3A_291 = tpu.vector_load %arg13[%get3A_289, %get3A_290] {strides = array<i32>} : memref<128x128xf32, #tpu.memory_space<vmem>>, vector<16xf32>,
            %mul3A_292 = arith.mulf %get3A_291, %gather3A_253 : vector<16xf32>
            %swap3A_293 = arith.index_cast %scan3A_250 : i32 to index
            %swap3A_294 = arith.constant 80 : index
            %swap3A_295 = tpu.vector_load %arg13[%swap3A_293, %swap3A_294] {strides = array<i32>} : memref<128x128xf32, #tpu.memory_space<vmem>>, vector<16xf32>,
            tpu.vector_store %arg13[%swap3A_293, %swap3A_294], %mul3A_292 {strides = array<i32>} : memref<128x128xf32, #tpu.memory_space<vmem>>, vector<16xf32>,
            %get3A_296 = arith.index_cast %scan3A_250 : i32 to index
            %get3A_297 = arith.constant 96 : index
            %get3A_298 = tpu.vector_load %arg13[%get3A_296, %get3A_297] {strides = array<i32>} : memref<128x128xf32, #tpu.memory_space<vmem>>, vector<16xf32>,
            %mul3A_299 = arith.mulf %get3A_298, %gather3A_253 : vector<16xf32>
            %swap3A_300 = arith.index_cast %scan3A_250 : i32 to index
            %swap3A_301 = arith.constant 96 : index
            %swap3A_302 = tpu.vector_load %arg13[%swap3A_300, %swap3A_301] {strides = array<i32>} : memref<128x128xf32, #tpu.memory_space<vmem>>, vector<16xf32>,
            tpu.vector_store %arg13[%swap3A_300, %swap3A_301], %mul3A_299 {strides = array<i32>} : memref<128x128xf32, #tpu.memory_space<vmem>>, vector<16xf32>,
            %get3A_303 = arith.index_cast %scan3A_250 : i32 to index
            %get3A_304 = arith.constant 112 : index
            %get3A_305 = tpu.vector_load %arg13[%get3A_303, %get3A_304] {strides = array<i32>} : memref<128x128xf32, #tpu.memory_space<vmem>>, vector<16xf32>,
            %mul3A_306 = arith.mulf %get3A_305, %gather3A_253 : vector<16xf32>
            %swap3A_307 = arith.index_cast %scan3A_250 : i32 to index
            %swap3A_308 = arith.constant 112 : index
            %swap3A_309 = tpu.vector_load %arg13[%swap3A_307, %swap3A_308] {strides = array<i32>} : memref<128x128xf32, #tpu.memory_space<vmem>>, vector<16xf32>,
            tpu.vector_store %arg13[%swap3A_307, %swap3A_308], %mul3A_306 {strides = array<i32>} : memref<128x128xf32, #tpu.memory_space<vmem>>, vector<16xf32>,
            %scan3A_310 = arith.constant 0 : i32
            %scan3A_311 = arith.constant 3 : i32
            %scan3A_312 = arith.addi %scan3A_128, %scan3A_311 : i32
            %add3A_313 = arith.addi %mul3A_112, %scan3A_312 : i32
            %broadcast_in_dim3A_314 = vector.broadcast %add3A_313 : i32 to vector<16xi32>
            %gather3A_315 = tpu.vector_load_idx %arg10[%broadcast_in_dim3A_314] : memref<8448xf32, #tpu.memory_space<vmem>>[vector<16xi32>], vector<16xf32>,
            %get3A_316 = arith.index_cast %scan3A_312 : i32 to index
            %get3A_317 = arith.constant 0 : index
            %get3A_318 = tpu.vector_load %arg13[%get3A_316, %get3A_317] {strides = array<i32>} : memref<128x128xf32, #tpu.memory_space<vmem>>, vector<16xf32>,
            %mul3A_319 = arith.mulf %get3A_318, %gather3A_315 : vector<16xf32>
            %swap3A_320 = arith.index_cast %scan3A_312 : i32 to index
            %swap3A_321 = arith.constant 0 : index
            %swap3A_322 = tpu.vector_load %arg13[%swap3A_320, %swap3A_321] {strides = array<i32>} : memref<128x128xf32, #tpu.memory_space<vmem>>, vector<16xf32>,
            tpu.vector_store %arg13[%swap3A_320, %swap3A_321], %mul3A_319 {strides = array<i32>} : memref<128x128xf32, #tpu.memory_space<vmem>>, vector<16xf32>,
            %get3A_323 = arith.index_cast %scan3A_312 : i32 to index
            %get3A_324 = arith.constant 16 : index
            %get3A_325 = tpu.vector_load %arg13[%get3A_323, %get3A_324] {strides = array<i32>} : memref<128x128xf32, #tpu.memory_space<vmem>>, vector<16xf32>,
            %mul3A_326 = arith.mulf %get3A_325, %gather3A_315 : vector<16xf32>
            %swap3A_327 = arith.index_cast %scan3A_312 : i32 to index
            %swap3A_328 = arith.constant 16 : index
            %swap3A_329 = tpu.vector_load %arg13[%swap3A_327, %swap3A_328] {strides = array<i32>} : memref<128x128xf32, #tpu.memory_space<vmem>>, vector<16xf32>,
            tpu.vector_store %arg13[%swap3A_327, %swap3A_328], %mul3A_326 {strides = array<i32>} : memref<128x128xf32, #tpu.memory_space<vmem>>, vector<16xf32>,
            %get3A_330 = arith.index_cast %scan3A_312 : i32 to index
            %get3A_331 = arith.constant 32 : index
            %get3A_332 = tpu.vector_load %arg13[%get3A_330, %get3A_331] {strides = array<i32>} : memref<128x128xf32, #tpu.memory_space<vmem>>, vector<16xf32>,
            %mul3A_333 = arith.mulf %get3A_332, %gather3A_315 : vector<16xf32>
            %swap3A_334 = arith.index_cast %scan3A_312 : i32 to index
            %swap3A_335 = arith.constant 32 : index
            %swap3A_336 = tpu.vector_load %arg13[%swap3A_334, %swap3A_335] {strides = array<i32>} : memref<128x128xf32, #tpu.memory_space<vmem>>, vector<16xf32>,
            tpu.vector_store %arg13[%swap3A_334, %swap3A_335], %mul3A_333 {strides = array<i32>} : memref<128x128xf32, #tpu.memory_space<vmem>>, vector<16xf32>,
            %get3A_337 = arith.index_cast %scan3A_312 : i32 to index
            %get3A_338 = arith.constant 48 : index
            %get3A_339 = tpu.vector_load %arg13[%get3A_337, %get3A_338] {strides = array<i32>} : memref<128x128xf32, #tpu.memory_space<vmem>>, vector<16xf32>,
            %mul3A_340 = arith.mulf %get3A_339, %gather3A_315 : vector<16xf32>
            %swap3A_341 = arith.index_cast %scan3A_312 : i32 to index
            %swap3A_342 = arith.constant 48 : index
            %swap3A_343 = tpu.vector_load %arg13[%swap3A_341, %swap3A_342] {strides = array<i32>} : memref<128x128xf32, #tpu.memory_space<vmem>>, vector<16xf32>,
            tpu.vector_store %arg13[%swap3A_341, %swap3A_342], %mul3A_340 {strides = array<i32>} : memref<128x128xf32, #tpu.memory_space<vmem>>, vector<16xf32>,
            %get3A_344 = arith.index_cast %scan3A_312 : i32 to index
            %get3A_345 = arith.constant 64 : index
            %get3A_346 = tpu.vector_load %arg13[%get3A_344, %get3A_345] {strides = array<i32>} : memref<128x128xf32, #tpu.memory_space<vmem>>, vector<16xf32>,
            %mul3A_347 = arith.mulf %get3A_346, %gather3A_315 : vector<16xf32>
            %swap3A_348 = arith.index_cast %scan3A_312 : i32 to index
            %swap3A_349 = arith.constant 64 : index
            %swap3A_350 = tpu.vector_load %arg13[%swap3A_348, %swap3A_349] {strides = array<i32>} : memref<128x128xf32, #tpu.memory_space<vmem>>, vector<16xf32>,
            tpu.vector_store %arg13[%swap3A_348, %swap3A_349], %mul3A_347 {strides = array<i32>} : memref<128x128xf32, #tpu.memory_space<vmem>>, vector<16xf32>,
            %get3A_351 = arith.index_cast %scan3A_312 : i32 to index
            %get3A_352 = arith.constant 80 : index
            %get3A_353 = tpu.vector_load %arg13[%get3A_351, %get3A_352] {strides = array<i32>} : memref<128x128xf32, #tpu.memory_space<vmem>>, vector<16xf32>,
            %mul3A_354 = arith.mulf %get3A_353, %gather3A_315 : vector<16xf32>
            %swap3A_355 = arith.index_cast %scan3A_312 : i32 to index
            %swap3A_356 = arith.constant 80 : index
            %swap3A_357 = tpu.vector_load %arg13[%swap3A_355, %swap3A_356] {strides = array<i32>} : memref<128x128xf32, #tpu.memory_space<vmem>>, vector<16xf32>,
            tpu.vector_store %arg13[%swap3A_355, %swap3A_356], %mul3A_354 {strides = array<i32>} : memref<128x128xf32, #tpu.memory_space<vmem>>, vector<16xf32>,
            %get3A_358 = arith.index_cast %scan3A_312 : i32 to index
            %get3A_359 = arith.constant 96 : index
            %get3A_360 = tpu.vector_load %arg13[%get3A_358, %get3A_359] {strides = array<i32>} : memref<128x128xf32, #tpu.memory_space<vmem>>, vector<16xf32>,
            %mul3A_361 = arith.mulf %get3A_360, %gather3A_315 : vector<16xf32>
            %swap3A_362 = arith.index_cast %scan3A_312 : i32 to index
            %swap3A_363 = arith.constant 96 : index
            %swap3A_364 = tpu.vector_load %arg13[%swap3A_362, %swap3A_363] {strides = array<i32>} : memref<128x128xf32, #tpu.memory_space<vmem>>, vector<16xf32>,
            tpu.vector_store %arg13[%swap3A_362, %swap3A_363], %mul3A_361 {strides = array<i32>} : memref<128x128xf32, #tpu.memory_space<vmem>>, vector<16xf32>,
            %get3A_365 = arith.index_cast %scan3A_312 : i32 to index
            %get3A_366 = arith.constant 112 : index
            %get3A_367 = tpu.vector_load %arg13[%get3A_365, %get3A_366] {strides = array<i32>} : memref<128x128xf32, #tpu.memory_space<vmem>>, vector<16xf32>,
            %mul3A_368 = arith.mulf %get3A_367, %gather3A_315 : vector<16xf32>
            %swap3A_369 = arith.index_cast %scan3A_312 : i32 to index
            %swap3A_370 = arith.constant 112 : index
            %swap3A_371 = tpu.vector_load %arg13[%swap3A_369, %swap3A_370] {strides = array<i32>} : memref<128x128xf32, #tpu.memory_space<vmem>>, vector<16xf32>,
            tpu.vector_store %arg13[%swap3A_369, %swap3A_370], %mul3A_368 {strides = array<i32>} : memref<128x128xf32, #tpu.memory_space<vmem>>, vector<16xf32>,
            %scan3A_372 = arith.constant 0 : i32
            scf.yield %scan3A_372 : i32
          }
          %scan3A_126 = arith.constant 128 : i32
          "tpu.region"() ({
            %run_scoped3A = tpu.sem_alloc : memref<!tpu.dma_semaphore, #tpu.memory_space<semaphore_mem>>
            %dma_start3A_128 = arith.constant 0 : i32
            %dma_start3A_129 = arith.constant 0 : i32
            %dma_start3A_130 = tpu.memref_slice %arg14[%dma_start3A_128, %dma_start3A_129] : memref<9216x128xf32, #tpu.memory_space<vmem_shared>> -> memref<9216x128xf32, #tpu.memory_space<vmem_shared>>
            tpu.enqueue_indirect_dma source(%arg13 : memref<128x128xf32, #tpu.memory_space<vmem>>) target(%dma_start3A_130 : memref<9216x128xf32, #tpu.memory_space<vmem_shared>>) offsets(%arg11 : memref<128xi32, #tpu.memory_space<vmem>>) semaphore(%run_scoped3A : memref<!tpu.dma_semaphore, #tpu.memory_space<semaphore_mem>>) {add = true}
            %dma_wait3A_131 = arith.constant 0 : i32
            %dma_wait3A_132 = arith.constant 0 : i32
            %dma_wait3A_133 = tpu.memref_slice %arg14[%dma_wait3A_131, %dma_wait3A_132] : memref<9216x128xf32, #tpu.memory_space<vmem_shared>> -> memref<9216x128xf32, #tpu.memory_space<vmem_shared>>
            tpu.wait_indirect_dma semaphore(%run_scoped3A : memref<!tpu.dma_semaphore, #tpu.memory_space<semaphore_mem>>) src(%arg13 : memref<128x128xf32, #tpu.memory_space<vmem>>) dst(%dma_wait3A_133 : memref<9216x128xf32, #tpu.memory_space<vmem_shared>>)
            tpu.yield
          }) : () -> ()
          %while3A_127 = arith.constant 0 : i32
          scf.yield %while3A_127 : i32
        }
        %cond3A_108 = arith.constant 0 : i32
        scf.yield %cond3A_108 : i32
      } else {
        scf.yield %scan3A_47 : i32
      }
      %barrier3A_62 = arith.constant 0 : index
      tpu.barrier barrier_id(%barrier3A_62)
      %mul3A_63 = arith.constant 576 : i32
      %mul3A_64 = arith.muli %arg1, %mul3A_63 : i32
      %mul3A_65 = arith.constant 576 : i32
      %mul3A_66 = arith.muli %arg1, %mul3A_65 : i32
      %add3A_67 = arith.addi %mul3A_29, %mul3A_66 : i32
      "tpu.region"() ({
        %run_scoped3A = tpu.sem_alloc : memref<!tpu.dma_semaphore, #tpu.memory_space<semaphore_mem>>
        %dma_start3A_69 = arith.constant 0 : i32
        %dma_start3A_70 = tpu.memref_slice %arg5[%add3A_67, %dma_start3A_69] : memref<147456x128xf32, #tpu.memory_space<hbm>> -> memref<576x128xf32, #tpu.memory_space<hbm>>
        %dma_start3A_71 = arith.constant 0 : i32
        %dma_start3A_72 = tpu.memref_slice %arg14[%mul3A_64, %dma_start3A_71] : memref<9216x128xf32, #tpu.memory_space<vmem_shared>> -> memref<576x128xf32, #tpu.memory_space<vmem_shared>>
        tpu.enqueue_dma source(%dma_start3A_72 : memref<576x128xf32, #tpu.memory_space<vmem_shared>>) target(%dma_start3A_70 : memref<576x128xf32, #tpu.memory_space<hbm>>) target_semaphore(%run_scoped3A : memref<!tpu.dma_semaphore, #tpu.memory_space<semaphore_mem>>)
        %dma_wait3A_73 = arith.constant 0 : i32
        %dma_wait3A_74 = tpu.memref_slice %arg5[%add3A_67, %dma_wait3A_73] : memref<147456x128xf32, #tpu.memory_space<hbm>> -> memref<576x128xf32, #tpu.memory_space<hbm>>
        %dma_wait3A_75 = arith.constant 0 : i32
        %dma_wait3A_76 = tpu.memref_slice %arg14[%mul3A_64, %dma_wait3A_75] : memref<9216x128xf32, #tpu.memory_space<vmem_shared>> -> memref<576x128xf32, #tpu.memory_space<vmem_shared>>
        tpu.wait_dma2 semaphore(%run_scoped3A : memref<!tpu.dma_semaphore, #tpu.memory_space<semaphore_mem>>) src(%dma_wait3A_76 : memref<576x128xf32, #tpu.memory_space<vmem_shared>>) dst(%dma_wait3A_74 : memref<576x128xf32, #tpu.memory_space<hbm>>)
        tpu.yield
      }) : () -> ()
      %scan3A_68 = arith.constant 0 : i32
      scf.yield %scan3A_68 : i32
    }
    %scan3A_23 = arith.constant 8 : i32
    return
  }
}

module attributes {stable_mosaic.version = 14 : i64} {
  func.func @_tc_body(%arg0: i32, %arg1: memref<512x128xf32, #tpu.memory_space<vmem>>, %arg2: memref<128x128xf32, #tpu.memory_space<vmem>>, %arg3: memref<128x128xf32, #tpu.memory_space<vmem>>, %arg4: memref<1x128xf32, #tpu.memory_space<vmem>>, %arg5: memref<1x128xf32, #tpu.memory_space<vmem>>, %arg6: memref<512x128xf32, #tpu.memory_space<vmem>>, %arg7: memref<512x128xf32, #tpu.memory_space<vmem>>) attributes {dimension_semantics = [#tpu.dimension_semantics<arbitrary>], iteration_bounds = array<i64: 288>, scalar_prefetch = 0 : i64, scratch_operands = 0 : i64, tpu.core_type = #tpu.core_type<tc>, window_params = [{transform_indices = @transform_0, window_bounds = array<i64: 512, 128>}, {pipeline_mode = #tpu.pipeline_mode<synchronous>, transform_indices = @transform_1, window_bounds = array<i64: 128, 128>}, {pipeline_mode = #tpu.pipeline_mode<synchronous>, transform_indices = @transform_2, window_bounds = array<i64: 128, 128>}, {pipeline_mode = #tpu.pipeline_mode<synchronous>, transform_indices = @transform_3, window_bounds = array<i64: 1, 128>}, {pipeline_mode = #tpu.pipeline_mode<synchronous>, transform_indices = @transform_4, window_bounds = array<i64: 1, 128>}, {transform_indices = @transform_5, window_bounds = array<i64: 512, 128>}, {transform_indices = @transform_6, window_bounds = array<i64: 512, 128>}]} {
    %get3A = arith.constant 0 : index
    %get3A_0 = arith.constant 0 : index
    %get3A_1 = vector.load %arg1[%get3A, %get3A_0] : memref<512x128xf32, #tpu.memory_space<vmem>>, vector<512x128xf32>
    %get3A_2 = arith.constant 0 : index
    %get3A_3 = arith.constant 0 : index
    %get3A_4 = vector.load %arg2[%get3A_2, %get3A_3] : memref<128x128xf32, #tpu.memory_space<vmem>>, vector<128x128xf32>
    %dot_general3A = arith.constant dense<0.000000e+00> : vector<512x128xf32>
    %dot_general3A_5 = tpu.matmul %get3A_1, %get3A_4, %dot_general3A {dimension_numbers = #tpu.dot_dimension_numbers<[1], [1], [0], [0], [0, 0, 1, 0], [], []>, precision = #tpu.contract_precision<fp32>, transpose_lhs_hint = false} : vector<512x128xf32>, vector<128x128xf32>, vector<512x128xf32> -> vector<512x128xf32>
    %mul3A = arith.mulf %get3A_1, %get3A_1 : vector<512x128xf32>
    %get3A_6 = arith.constant 0 : index
    %get3A_7 = arith.constant 0 : index
    %get3A_8 = vector.load %arg3[%get3A_6, %get3A_7] : memref<128x128xf32, #tpu.memory_space<vmem>>, vector<128x128xf32>
    %dot_general3A_9 = arith.constant dense<0.000000e+00> : vector<512x128xf32>
    %dot_general3A_10 = tpu.matmul %mul3A, %get3A_8, %dot_general3A_9 {dimension_numbers = #tpu.dot_dimension_numbers<[1], [1], [0], [0], [0, 0, 1, 0], [], []>, precision = #tpu.contract_precision<fp32>, transpose_lhs_hint = false} : vector<512x128xf32>, vector<128x128xf32>, vector<512x128xf32> -> vector<512x128xf32>
    %add3A = arith.addf %dot_general3A_5, %dot_general3A_10 : vector<512x128xf32>
    %swap3A = arith.constant 0 : index
    %swap3A_11 = arith.constant 0 : index
    %swap3A_12 = vector.load %arg6[%swap3A, %swap3A_11] : memref<512x128xf32, #tpu.memory_space<vmem>>, vector<512x128xf32>
    tpu.vector_store %arg6[%swap3A, %swap3A_11], %add3A {strides = array<i32>} : memref<512x128xf32, #tpu.memory_space<vmem>>, vector<512x128xf32>,
    %get3A_13 = arith.constant 0 : index
    %get3A_14 = arith.constant 0 : index
    %get3A_15 = vector.load %arg4[%get3A_13, %get3A_14] : memref<1x128xf32, #tpu.memory_space<vmem>>, vector<1x128xf32>
    %get3A_16 = arith.constant 0 : index
    %get3A_17 = arith.constant 0 : index
    %get3A_18 = vector.load %arg5[%get3A_16, %get3A_17] : memref<1x128xf32, #tpu.memory_space<vmem>>, vector<1x128xf32>
    %add3A_19 = arith.addf %get3A_15, %get3A_18 : vector<1x128xf32>
    %add3A_20 = vector.broadcast %add3A_19 : vector<1x128xf32> to vector<512x128xf32>
    %add3A_21 = arith.addf %dot_general3A_5, %add3A_20 : vector<512x128xf32>
    %swap3A_22 = arith.constant 0 : index
    %swap3A_23 = arith.constant 0 : index
    %swap3A_24 = vector.load %arg7[%swap3A_22, %swap3A_23] : memref<512x128xf32, #tpu.memory_space<vmem>>, vector<512x128xf32>
    tpu.vector_store %arg7[%swap3A_22, %swap3A_23], %add3A_21 {strides = array<i32>} : memref<512x128xf32, #tpu.memory_space<vmem>>, vector<512x128xf32>,
    return
  }
  func.func @transform_0(%arg0: i32) -> (i32, i32) {
    %min3A = arith.constant 281 : i32
    %min3A_0 = arith.minsi %arg0, %min3A : i32
    %c0_i32 = arith.constant 0 : i32
    %c0_i32_1 = arith.constant 0 : i32
    return %min3A_0, %c0_i32 : i32, i32
  }
  func.func @transform_1(%arg0: i32) -> (i32, i32) {
    %c0_i32 = arith.constant 0 : i32
    %c0_i32_0 = arith.constant 0 : i32
    %c0_i32_1 = arith.constant 0 : i32
    return %c0_i32, %c0_i32_0 : i32, i32
  }
  func.func @transform_2(%arg0: i32) -> (i32, i32) {
    %c0_i32 = arith.constant 0 : i32
    %c0_i32_0 = arith.constant 0 : i32
    %c0_i32_1 = arith.constant 0 : i32
    return %c0_i32, %c0_i32_0 : i32, i32
  }
  func.func @transform_3(%arg0: i32) -> (i32, i32) {
    %c0_i32 = arith.constant 0 : i32
    %c0_i32_0 = arith.constant 0 : i32
    %c0_i32_1 = arith.constant 0 : i32
    return %c0_i32, %c0_i32_0 : i32, i32
  }
  func.func @transform_4(%arg0: i32) -> (i32, i32) {
    %c0_i32 = arith.constant 0 : i32
    %c0_i32_0 = arith.constant 0 : i32
    %c0_i32_1 = arith.constant 0 : i32
    return %c0_i32, %c0_i32_0 : i32, i32
  }
  func.func @transform_5(%arg0: i32) -> (i32, i32) {
    %c0_i32 = arith.constant 0 : i32
    %c0_i32_0 = arith.constant 0 : i32
    return %arg0, %c0_i32 : i32, i32
  }
  func.func @transform_6(%arg0: i32) -> (i32, i32) {
    %c0_i32 = arith.constant 0 : i32
    %c0_i32_0 = arith.constant 0 : i32
    return %arg0, %c0_i32 : i32, i32
  }
}

</mosaic_0001>

<sc_bundles>
// kernel: kernel.4.cloned.1.call-start
scs
__scs_entry_jumppad:
0x0: {  	(pc) =	sbr.rel $0x88, $3  }
0x1: {  	(tag) =	ssettag $0x0;
	lr =	simm.s32 $0x1  }
0x2: {  	[smem:$0x3F9A] =	sst lr;
	_ =	strace $0xD0000000  }
0x3: {  	_ = 	snop  }
0x4: {  	_ = 	snop  }
0x5: {  	_ = 	snop  }
0x6: {  	_ = 	snop  }
0x7: {  	_ = 	snop  }
__scs_overlays_trampoline_lowered:
0x8: {  	[smem:$0x3FA9] =	sst s0  }
0x9: {  	[smem:$0x3FAA] =	sst s1  }
0xa: {  	[smem:$0x3FAB] =	sst s2  }
0xb: {  	[smem:$0x3FAC] =	sst s3  }
0xc: {  	[smem:$0x3FAD] =	sst s4  }
0xd: {  	[smem:$0x3FAE] =	sst s5  }
0xe: {  	[smem:$0x3FAF] =	sst s6  }
0xf: {  	[smem:$0x3FB0] =	sst s7  }
0x10: {  	[smem:$0x3FB1] =	sst s8  }
0x11: {  	[smem:$0x3FB2] =	sst s9;
	s0 =	simm.s32 @!p0 $0x0  }
0x12: {  	s1 =	sld [smem:$0x3F98];
	s0 =	simm.s32 @p0 $0x1  }
0x13: {  	[smem:$0x3FB3] =	sst s0;
	s0 =	simm.s32 @!p1 $0x0  }
0x14: {  	s2 =	sld [smem:$0x3F97];
	s0 =	simm.s32 @p1 $0x1  }
0x15: {  	[smem:$0x3FB4] =	sst s0;
	s0 =	simm.s32 @!p2 $0x0  }
0x16: {  	s3 =	sld [smem:$0x3FDB];
	s0 =	simm.s32 @p2 $0x1  }
0x17: {  	s4 =	simm.s32 $0x1BF5;
	[smem:$0x3FB6] =	sst s0  }
0x18: {  	s0 =	sld [smem:$0x3F99];
	_ =	swait.ge [sflag:s4], $0x0  }
0x19: {  	s7 =	sld [smem:$0x3F9A]  }
0x1a: {  	s8 =	sadd.s32 $0xFFFFE003, lr  }
0x1b: {  	s9 =	sadd.s32 $0xFFFFFEF7, lr;
	s5 =	simm.s32 $0xFFFFFFFF;
	p2 =	slt.u32 s8, $0xFFFFF086  }
0x1c: {  	p1 =	slt.u32 s9, $0xF7A;
	s5 =	simm.s32 @!p2 $0x0  }
0x1d: {  	s5 =	simm.s32 @p1 $0x1;
	p0 =	seq.s32 s7, s2  }
0x1e: {  	s7 =	smul.u32 @!p0 $0xF7A, s2;
	p2 =	seq.s32 @!p0 s5, $0x0  }
0x1f: {  	s9 =	smul.u32 $0xF7A, s1;
	s8 =	simm.s32 @!p0 $0x1BF5;
	p2 =	por !p2, p0  }
0x20: {  	[sflag:s8] =	ssyncset.s32 @!p0 $0xFFFFF086;
	s6 =	sadd.s32 @!p0 s3, s7;
	s7 =	simm.s32 @!p0 $0x108  }
0x21: {  	s3 =	sadd.s32 s3, s9;
	s6 =	sadd.s32 @!p0 $0x88, s6;
	s7 =	simm.s32 @p2 $0x1082  }
0x22: {  	[simem:s7], [sflag:s8] =	dma.local @!p0 [hbm:s6], $0xF7A  }
0x23: {  	s9 =	sor.u32 $0xD0000000, s2;
	s6 =	simm.s32 $0x108;
	_ =	swait.ge @!p0 [sflag:s8], $0x0  }
0x24: {  	s3 =	sadd.s32 $0x88, s3;
	s6 =	simm.s32 @!p1 $0x1082;
	[sflag:s4] =	ssyncset.s32 $0xFFFFF086  }
0x25: {  	[simem:s6], [sflag:s4] =	dma.local [hbm:s3], $0xF7A  }
0x26: {  	[smem:$0x3F9A] =	sst s1;
	(tag) =	ssettag s2;
	_ =	strace s9  }
0x27: {  	s1 =	sld [smem:$0x3FAA]  }
0x28: {  	s2 =	sld [smem:$0x3FAB]  }
0x29: {  	s4 =	sld [smem:$0x3FAD]  }
0x2a: {  	p0 =	seq.s32 s5, $0x0;
	s5 =	sld [smem:$0x3FAE]  }
0x2b: {  	s6 =	sld [smem:$0x3FAF]  }
0x2c: {  	s7 =	sld [smem:$0x3FB0]  }
0x2d: {  	s3 =	simm.s32 $0x108;
	s8 =	sld [smem:$0x3FB1]  }
0x2e: {  	s3 =	simm.s32 @!p0 $0x1082;
	s9 =	sld [smem:$0x3FB2]  }
0x2f: {  	lr =	sadd.s32 s0, s3;
	s0 =	sld [smem:$0x3FA9]  }
0x30: {  	s3 =	sld [smem:$0x3FAC]  }
0x31: {  	[smem:$0x3FB5] =	sst s10  }
0x32: {  	s10 =	sld [smem:$0x3FB3];
	_ =	sdelay $0x3  }
0x33: {  	p0 =	seq.s32 s10, $0x1;
	s10 =	sld [smem:$0x3FB5];
	_ =	sdelay $0x3  }
0x34: {  	[smem:$0x3FB5] =	sst s10  }
0x35: {  	s10 =	sld [smem:$0x3FB4];
	_ =	sdelay $0x3  }
0x36: {  	p1 =	seq.s32 s10, $0x1;
	s10 =	sld [smem:$0x3FB5];
	_ =	sdelay $0x3  }
0x37: {  	[smem:$0x3FB5] =	sst s10  }
0x38: {  	s10 =	sld [smem:$0x3FB6]  }
0x39: {  	_ = 	snop;
	(pc) =	sbr.ind lr, $3  }
0x3a: {  	_ = 	snop  }
0x3b: {  	_ = 	snop  }
0x3c: {  	p2 =	seq.s32 s10, $0x1;
	s10 =	sld [smem:$0x3FB5]  }
0x3d: {  	_ =	shalt  }
0x3e: {  	_ =	shalt  }
0x3f: {  	_ =	shalt  }
0x40: {  	_ =	shalt  }
0x41: {  	_ =	shalt  }
0x42: {  	_ =	shalt  }
0x43: {  	_ =	shalt  }
0x44: {  	_ =	shalt  }
0x45: {  	_ =	shalt  }
0x46: {  	_ =	shalt  }
0x47: {  	_ =	shalt  }
0x48: {  	_ =	shalt  }
0x49: {  	_ =	shalt  }
0x4a: {  	_ =	shalt  }
0x4b: {  	_ =	shalt  }
0x4c: {  	_ =	shalt  }
0x4d: {  	_ =	shalt  }
0x4e: {  	_ =	shalt  }
0x4f: {  	_ =	shalt  }
0x50: {  	_ =	shalt  }
0x51: {  	_ =	shalt  }
0x52: {  	_ =	shalt  }
0x53: {  	_ =	shalt  }
0x54: {  	_ =	shalt  }
0x55: {  	_ =	shalt  }
0x56: {  	_ =	shalt  }
0x57: {  	_ =	shalt  }
0x58: {  	_ =	shalt  }
0x59: {  	_ =	shalt  }
0x5a: {  	_ =	shalt  }
0x5b: {  	_ =	shalt  }
0x5c: {  	_ =	shalt  }
0x5d: {  	_ =	shalt  }
0x5e: {  	_ =	shalt  }
0x5f: {  	_ =	shalt  }
0x60: {  	_ =	shalt  }
0x61: {  	_ =	shalt  }
0x62: {  	_ =	shalt  }
0x63: {  	_ =	shalt  }
0x64: {  	_ =	shalt  }
0x65: {  	_ =	shalt  }
0x66: {  	_ =	shalt  }
0x67: {  	_ =	shalt  }
0x68: {  	_ =	shalt  }
0x69: {  	_ =	shalt  }
0x6a: {  	_ =	shalt  }
0x6b: {  	_ =	shalt  }
0x6c: {  	_ =	shalt  }
0x6d: {  	_ =	shalt  }
0x6e: {  	_ =	shalt  }
0x6f: {  	_ =	shalt  }
0x70: {  	_ =	shalt  }
0x71: {  	_ =	shalt  }
0x72: {  	_ =	shalt  }
0x73: {  	_ =	shalt  }
0x74: {  	_ =	shalt  }
0x75: {  	_ =	shalt  }
0x76: {  	_ =	shalt  }
0x77: {  	_ =	shalt  }
0x78: {  	_ =	shalt  }
0x79: {  	_ =	shalt  }
0x7a: {  	_ =	shalt  }
0x7b: {  	_ =	shalt  }
0x7c: {  	_ =	shalt  }
0x7d: {  	_ =	shalt  }
0x7e: {  	_ =	shalt  }
0x7f: {  	_ =	shalt  }
0x80: {  	_ =	shalt  }
0x81: {  	_ =	shalt  }
0x82: {  	_ =	shalt  }
0x83: {  	_ =	shalt  }
0x84: {  	_ =	shalt  }
0x85: {  	_ =	shalt  }
0x86: {  	_ =	shalt  }
0x87: {  	_ =	shalt  }
.Lfunc_end0:
.L_simem_size_0:
called_computation_lowered:
.L_overlay_start_0:
0x88: {  	s2 =	sld [smem:$0x3FD9]  }
0x89: {  	s3 =	sld [smem:$0x3FFE];
	_ =	sdelay $0x1  }
0x8a: {  	s1 =	srdreg.scid  }
0x8b: {  	s0 =	sand.u32 $0x1, s1  }
0x8c: {  	s17 =	sshll.u32 s0, $0xA;
	s2 =	sadd.s32 s3, s2  }
0x8d: {  	s2 =	sadd.s32 s2, s17  }
0x8e: {  	[smem:$0x3FC1] =	sst s2  }
0x8f: {  	_ = 	snop  }
0x90: {  	s2 =	sld [smem:$0x3FD0];
	(tm) =	ssettm $0x1  }
0x91: {  	s18 =	sld [smem:$0x3FFB];
	_ =	sdelay $0x3  }
0x92: {  	_ =	strace s18  }
0x93: {  	s3 =	sld [smem:$0x3FFC];
	_ =	sdelay $0x3  }
0x94: {  	_ =	strace s3  }
0x95: {  	s3 =	sld [smem:$0x3FFD];
	_ =	sdelay $0x3  }
0x96: {  	_ =	strace s3  }
0x97: {  	_ =	strace $0x8FFFFFFF  }
0x98: {  	s19 =	sld [smem:$0x3FDB];
	_ =	sdelay $0x1  }
0x99: {  	s4 =	simm.s32 $_scs_section_size  }
0x9a: {  	s5 =	simm.s32 $_size__tile_overlayer_lowered;
	s6 =	simm.s32 $_tile_overlayer_lowered  }
0x9b: {  	s22 =	simm.s32 $0x1BFF;
	s21 =	sshll.u32 s6, $0x1;
	s3 =	sadd.s32 s4, s19  }
0x9c: {  	s7 =	simm.s32 $0x0;
	s20 =	sshll.u32 s5, $0x1;
	s5 =	sadd.s32 s21, s3  }
0x9d: {  	[timem:s7], [sflag:s22] =	dma.local [hbm:s5], s20  }
0x9e: {  	_ =	swait.ge [sflag:s22], s20  }
0x9f: {  	s4 =	ssub.s32 $0x0, s20;
	[sflag:s22] =	ssyncset.done $0x0  }
0xa0: {  	[sflag:s22] =	ssyncadd.s32 s4;
	_ =	sdelay $0x1  }
0xa1: {  	s23 =	simm.s32 $0x1B8B  }
0xa2: {  	_ =	swait.ge [sflag:s23], $0x1  }
0xa3: {  	[sflag:s23] =	ssyncset.done $0x0  }
0xa4: {  	s25 =	simm.s32 $0x1B8E;
	s24 =	sld [smem:$0x3FFE];
	[sflag:s23] =	ssyncadd.s32 $0xFFFFFFFF  }
0xa5: {  	s26 =	simm.s32 $execute0_lowered;
	[smem:$0x3FD2] =	sst s25  }
0xa6: {  	s5 =	sshll.u32 s26, $0x1;
	_ =	strace $0x80000046;
	[dreg:$0x1] =	wrdreg $0xFFFFFFFF  }
0xa7: {  	s28 =	simm.s32 $_size_execute0_lowered;
	s3 =	sadd.s32 s3, s5;
	[dreg:$0x0] =	wrdreg $0x0  }
0xa8: {  	s5 =	sshll.u32 s28, $0x1;
	[dreg:$0x2] =	wrdreg s3  }
0xa9: {  	[dreg:$0x3] =	wrdreg s5  }
0xaa: {  	[dreg:$0x4] =	wrdreg $0xC0  }
0xab: {  	_ =	task [dreg:s7], $0x5FFFF  }
0xac: {  	[dreg:$0x1] =	wrdreg $0xFFFFFFFF  }
0xad: {  	[dreg:$0x0] =	wrdreg $0x60  }
0xae: {  	[dreg:$0x2] =	wrdreg s2  }
0xaf: {  	[dreg:$0x3] =	wrdreg s24  }
0xb0: {  	[dreg:$0x4] =	wrdreg $0xB3000  }
0xb1: {  	[dreg:$0x5] =	wrdreg $0x9  }
0xb2: {  	_ =	task.clear_ibuf [dreg:s7], $0x6FFFF;
	_ =	strace $0x90000046  }
0xb3: {  	s29 =	simm.s32 $0x9;
	_ =	strace $0x80000048  }
0xb4: {  	_ =	swait.ge [sflag:s29], $0x1  }
0xb5: {  	[sflag:s29] =	ssyncadd.s32 $0xFFFFFFFF  }
0xb6: {  	_ =	strace $0x90000048  }
0xb7: {  	_ =	sfence  }
0xb8: {  	s30 =	sld [smem:$0x0];
	_ =	sdelay $0x2  }
0xb9: {  	s31 =	sshll.u32 s1, $0xD;
	s1 =	sshrl.u32 s1, $0x2  }
0xba: {  	s3 =	sand.u32 $0x4000, s31;
	s1 =	sadd.s32 s1, s30  }
0xbb: {  	s0 =	sor.u32 s3, s0;
	s1 =	sshll.u32 s1, $0x11  }
0xbc: {  	s0 =	sor.u32 s1, s0  }
0xbd: {  	s0 =	sadd.s32 $0x8F2B, s0  }
0xbe: {  	[sflag:s0] =	ssyncadd.remote.s32 $0x1  }
0xbf: {  	_ =	sfence.sel $0xFFFF  }
0xc0: {  	[dreg:$0x0] =	wrdreg $0xFFFFFFFF;
	(pc) =	sbr.abs _section_cstart, $3  }
0xc1: {  	[dreg:$0x1] =	wrdreg $0xFFFFFFFF  }
0xc2: {  	_ =	task.clear_ibuf [dreg:s7], $0x2FFFF;
	_ =	strace $0x9FFFFFFF  }
0xc3: {  	(tm) =	ssettm $0x7FFFFFFF  }
tec
execute0_lowered:
.L_overlay_start_1:
0x0: {  	(tag) =	ssettag $0x1  }
0x1: {  	s1 =	rddreg [dreg:$0x0]  }
0x2: {  	s0 =	rddreg [dreg:$0x1]  }
0x3: {  	s2 =	rddreg [dreg:$0x2];
	s7 =	simm.s32 $0x0  }
0x4: {  	s3 =	srdreg.scid;
	s8 =	stileid.u32;
	s17 =	simm.s32 $0x3  }
0x5: {  	s18 =	simm.s32 $0x800;
	s19 =	simm.s32 $0x1;
	s20 =	simm.s32 $0x1000  }
0x6: {  	s21 =	simm.s32 $0x3080;
	s22 =	simm.s32 $0x5100;
	s28 =	simm.s32 $0x2  }
0x7: {  	s31 =	simm.s32 $0x0;
	[smem:$0x7FF] =	sst s7;
	s24 =	smul.u32 $0x48000, s8  }
0x8: {  	s5 =	sadd.s32 $0x1200, s0;
	s4 =	sadd.s32 $0x241200, s0;
	s9 =	smul.u32 $0x4A, s8  }
0x9: {  	s23 =	sand.u32 $0x1, s3;
	s0 =	sadd.s32 $0x481200, s0;
	s6 =	smul.u32 $0x4A00, s8  }
0xa: {  	s26 =	smul.u32 $0x240, s8;
	_ =	strace $0x80000047;
	[dreg:$0x5] =	wrdreg s4  }
0xb: {  	s12 =	sadd.s32 $0x100, s1;
	s30 =	sshll.u32 s8, $0x6;
	[dreg:$0x7] =	wrdreg s0  }
0xc: {  	[dreg:$0x6] =	wrdreg s23;
	s25 =	ssub.s32 $0x2, s23;
	s23 =	simm.s32 $0x80  }
0xd: {  	s4 =	sshrl.u32 s25, $0x1;
	s3 =	sshrl.u32 s24, $0x2;
	[dreg:$0x8] =	wrdreg s26  }
.Ltmp0:
0xe: {  	s29 =	sadd.s32 s1, s6;
	s13 =	sadd.s32 $0x2, s9;
	(pc) =	sbr.rel .LBB2_1-.Ltmp0, $4  }
0xf: {  	s6 =	sor.u32 $0x1C03, s30;
	s0 =	ssub.s32 s25, s4;
	[dreg:$0x9] =	wrdreg s29  }
0x10: {  	s3 =	sadd.s32 s3, s2;
	[dreg:$0xb] =	wrdreg s6;
	s0 =	smax.u32 s0, $0x1  }
0x11: {  	s24 =	simm.s32 $0x7280;
	s8 =	sshrl.u32 s3, $0x3;
	[dreg:$0xa] =	wrdreg s0  }
0x12: {  	v0 =	vimm.s32 $0x0;
	v1 =	vimm.f32 $0.0e+00;
	s26 =	simm.s32 $0x7200;
	s25 =	simm.s32 $0x7300;
	[dreg:$0xc] =	wrdreg s8  }
.LBB2_25:
0x13: {  	s7 =	rddreg [dreg:$0x4]  }
0x14: {  	s0 =	rddreg [dreg:$0xa];
	s7 =	sadd.s32 $0x1, s7  }
0x15: {  	p0 =	sne.s32 s7, s0  }
.Ltmp1:
0x16: {  	_ = 	snop;
	(pc) =	sbr.rel @!p0 .LBB2_26-.Ltmp1, $1  }
0x17: {  	_ =	sdelay $0x3  }
.LBB2_1:
0x18: {  	s0 =	simm.s32 $0x40;
	s3 =	simm.s32 $0x0  }
.LBB2_2:
0x19: {  	p0 =	sne.s32 s0, $0x8000;
	[tilespmem:s3+$0x1000] =	vst v0;
	s4 =	smov.u32 s0;
	s0 =	sadd.s32 $0x40, s0  }
.Ltmp2:
0x1a: {  	[tilespmem:s3+$0x3080] =	vst v0;
	(pc) =	sbr.rel @p0 .LBB2_2-.Ltmp2, $2  }
0x1b: {  	_ =	sdelay $0x2  }
0x1c: {  	s3 =	sshra.s32 s4, $0x2  }
0x1d: {  	[dreg:$0x4] =	wrdreg s7;
	[tilespmem:s3+$0x1000] =	vst v0  }
0x1e: {  	s4 =	simm.s32 $0x0;
	[tilespmem:s3+$0x3080] =	vst v0;
	s0 =	simm.s32 $0x40;
	s3 =	simm.s32 $0x0  }
.LBB2_4:
0x1f: {  	p0 =	sne.s32 s0, $0x83C0;
	[tilespmem:s3+$0x5100] =	vst v1;
	s3 =	smov.u32 s0;
	s0 =	sadd.s32 $0x40, s0  }
.Ltmp3:
0x20: {  	(pc) =	sbr.rel @p0 .LBB2_4-.Ltmp3, $2  }
0x21: {  	_ =	sdelay $0x2  }
0x22: {  	s3 =	sshra.s32 s3, $0x2  }
.Ltmp4:
0x23: {  	(pc) =	sbr.rel .LBB2_6-.Ltmp4, $2  }
0x24: {  	_ =	sdelay $0x2  }
0x25: {  	[tilespmem:s3+$0x5100] =	vst v1  }
.LBB2_24:
0x26: {  	[bflag:$0x0] =	sbarrier.arrive $0xFFFF  }
0x27: {  	s0 =	rddreg [dreg:$0x7]  }
0x28: {  	s3 =	rddreg [dreg:$0xe]  }
0x29: {  	s6 =	rddreg [dreg:$0xb]  }
0x2a: {  	s8 =	rddreg [dreg:$0xc];
	s0 =	sadd.s32 s0, s3  }
0x2b: {  	[hbm:s0], [sflag:s6] =	dma.local [spmem:s8], $0x2400  }
0x2c: {  	_ =	swait.ge [sflag:s17], $0x2400  }
0x2d: {  	s4 =	rddreg [dreg:$0xd]  }
0x2e: {  	s4 =	sadd.s32 $0x1, s4  }
0x2f: {  	p0 =	sne.s32 s4, $0x8  }
.Ltmp5:
0x30: {  	_ = 	snop;
	(pc) =	sbr.rel @!p0 .LBB2_25-.Ltmp5, $3  }
0x31: {  	_ =	sdelay $0x1  }
0x32: {  	[sflag:s17] =	ssyncset.done $0x0  }
0x33: {  	[sflag:s17] =	ssyncadd.s32 $0xFFFFDC00  }
.LBB2_6:
0x34: {  	s0 =	sshll.u32 s4, $0x1;
	s3 =	rddreg [dreg:$0x6]  }
0x35: {  	s0 =	sor.u32 s3, s0  }
0x36: {  	s0 =	smul.u32 $0x2400, s0  }
0x37: {  	s14 =	rddreg [dreg:$0x8]  }
0x38: {  	[dreg:$0xd] =	wrdreg s4;
	s3 =	sadd.s32 s14, s0  }
0x39: {  	s16 =	rddreg [dreg:$0x5];
	s15 =	sshll.u32 s3, $0x4  }
0x3a: {  	[dreg:$0xe] =	wrdreg s15;
	s3 =	sadd.s32 s16, s15  }
0x3b: {  	[spmem:s8], [sflag:s6] =	dma.local [hbm:s3], $0x2400  }
0x3c: {  	_ =	swait.ge [sflag:s17], $0x2400  }
.Ltmp6:
0x3d: {  	[sflag:s17] =	ssyncset.done $0x0;
	(pc) =	sbr.rel .LBB2_7-.Ltmp6, $4  }
0x3e: {  	[sflag:s17] =	ssyncadd.s32 $0xFFFFDC00  }
0x3f: {  	s30 =	sadd.s32 $0x2400, s0;
	[bflag:$0x0] =	sbarrier.arrive $0xFFFF  }
0x40: {  	v2 =	vmov s0;
	s14 =	simm.s32 $0x0;
	s0 =	simm.s32 $0x0;
	s29 =	rddreg [dreg:$0x9]  }
0x41: {  	v3 =	vmov s30;
	[tilespmem:s31], [sflag:$0x1] =	stream.linear.gather [hbm4b:s29+s31], $0x800, $0x38;
	[tilespmem:$0x1D300] =	vst v63  }
.LBB2_19:
0x42: {  	s0 =	sadd.s32 $0x1, s0  }
0x43: {  	p1 =	sne.s32 s0, $0x25  }
.Ltmp7:
0x44: {  	_ = 	snop;
	(pc) =	sbr.rel @!p1 .LBB2_20-.Ltmp7, $3  }
0x45: {  	_ =	sdelay $0x1  }
0x46: {  	p0 =	sgt.s32 s14, $0x1E00  }
0x47: {  	s14 =	simm.s32 @p0 $0x0  }
.LBB2_7:
0x48: {  	s4 =	sshll.u32 s0, $0x1  }
0x49: {  	s3 =	sadd.s32 s9, s4  }
0x4a: {  	s3 =	sshll.u32 s3, $0x8  }
0x4b: {  	s3 =	sadd.s32 s3, s12  }
0x4c: {  	[tilespmem:s18], [sflag:$0x2] =	stream.linear.gather [hbm4b:s3+s31], $0x800, $0x38;
	[tilespmem:$0x1D300] =	vst v63  }
0x4d: {  	_ =	swait.ge [sflag:s19], $0x800  }
0x4e: {  	s30 =	sand.u32 $0x70, s31;
	s6 =	sand.u32 $0x600, s31;
	[sflag:s19] =	ssyncset.done $0x0  }
0x4f: {  	s3 =	sor.u32 s30, s6;
	[sflag:s19] =	ssyncadd.s32 $0xFFFFF800  }
0x50: {  	v5 =	vld [tilespmem:s3+$0x0];
	_ =	sdelay $0x4  }
0x51: {  	vm0 =	vge.s32 v5, v2;
	vm1 =	vlt.s32 v5, v3  }
0x52: {  	vm0 =	vmand vm0, vm1  }
0x53: {  	v4 =	vsel vm0, $0x1, v0  }
0x54: {  	(xrf0) =	vadd.scan.msk.s32 $0xffff, v4;
	_ =	sdelay $0x3  }
0x55: {  	v6 =	vmov s14  }
0x56: {  	v6 =	vadd.s32 $0xFFFFFFFF, v6  }
0x57: {  	v6 =	vbroadcast v6, $0x0;
	v4, _, _ =	vpop (xrf0)  }
0x58: {  	(v2sf) =	vpush v4, $0xF  }
0x59: {  	v4 =	vadd.s32 v4, v6;
	_ =	sdelay $0x3  }
0x5a: {  	v5 =	vsub.s32 v5, v2  }
0x5b: {  	[tilespmem:v4+s20+$0x0] =	vst.idx.msk vm0, v5  }
0x5c: {  	v5 =	vld [tilespmem:s3+$0x80];
	_ =	sdelay $0x4  }
0x5d: {  	[tilespmem:v4+s21+$0x0] =	vst.idx.msk vm0, v5  }
0x5e: {  	v5 =	vld [tilespmem:s3+$0x100]  }
0x5f: {  	s8 =	simm.s32 $0x10  }
0x60: {  	s7 =	simm.s32 $0x40;
	s8 =	sand.u32 $0x70, s8;
	s11 =	spop (v2sf)  }
0x61: {  	s10 =	sand.u32 $0x600, s7;
	s6 =	simm.s32 $0x20;
	s3 =	sadd.s32 s14, s11  }
.LBB2_8:
0x62: {  	p0 =	sne.s32 s6, $0x1F0  }
0x63: {  	s8 =	sor.u32 s8, s10;
	[tilespmem:v4+s22+$0x0] =	vst.idx.msk vm0, v5;
	s10 =	smov.u32 s6;
	s6 =	sadd.s32 $0x10, s6  }
0x64: {  	v5 =	vld [tilespmem:s8+$0x0];
	_ =	sdelay $0x4  }
0x65: {  	vm0 =	vge.s32 v5, v2;
	vm1 =	vlt.s32 v5, v3  }
0x66: {  	vm0 =	vmand vm0, vm1  }
0x67: {  	v4 =	vsel vm0, $0x1, v0  }
0x68: {  	(xrf0) =	vadd.scan.msk.s32 $0xffff, v4;
	_ =	sdelay $0x2  }
0x69: {  	v4 =	vmov s3  }
0x6a: {  	v4 =	vadd.s32 $0xFFFFFFFF, v4  }
0x6b: {  	v4 =	vbroadcast v4, $0x0  }
0x6c: {  	v6, _, _ =	vpop (xrf0)  }
0x6d: {  	v4 =	vadd.s32 v6, v4;
	(v2sf) =	vpush v6, $0xF;
	_ =	sdelay $0x3  }
0x6e: {  	v5 =	vsub.s32 v5, v2  }
0x6f: {  	[tilespmem:v4+s20+$0x0] =	vst.idx.msk vm0, v5  }
0x70: {  	v5 =	vld [tilespmem:s8+$0x80];
	_ =	sdelay $0x4  }
0x71: {  	[tilespmem:v4+s21+$0x0] =	vst.idx.msk vm0, v5  }
.Ltmp8:
0x72: {  	v5 =	vld [tilespmem:s8+$0x100];
	(pc) =	sbr.rel @p0 .LBB2_8-.Ltmp8, $3  }
0x73: {  	_ =	sdelay $0x1  }
0x74: {  	s7 =	sadd.s32 $0x40, s7;
	s11 =	spop (v2sf)  }
0x75: {  	s8 =	sand.u32 $0x70, s10;
	s10 =	sand.u32 $0x600, s7;
	s3 =	sadd.s32 s3, s11  }
0x76: {  	_ =	sdelay $0x4  }
0x77: {  	s6 =	sor.u32 s8, s10;
	[tilespmem:v4+s22+$0x0] =	vst.idx.msk vm0, v5  }
0x78: {  	v4 =	vld [tilespmem:s6+$0x0];
	_ =	sdelay $0x4  }
0x79: {  	vm15 =	vge.s32 v4, v2;
	vm1 =	vlt.s32 v4, v3  }
0x7a: {  	vm0 =	vmand vm15, vm1  }
0x7b: {  	v5 =	vsel vm0, $0x1, v0  }
0x7c: {  	(xrf0) =	vadd.scan.msk.s32 $0xffff, v5;
	_ =	sdelay $0x5  }
0x7d: {  	v6, _, _ =	vpop (xrf0)  }
0x7e: {  	(v2sf) =	vpush v6, $0xF;
	_ =	sdelay $0x2  }
0x7f: {  	v5 =	vmov s3  }
0x80: {  	v5 =	vadd.s32 $0xFFFFFFFF, v5  }
0x81: {  	v5 =	vbroadcast v5, $0x0;
	_ =	sdelay $0x1  }
0x82: {  	v5 =	vadd.s32 v6, v5;
	_ =	sdelay $0x3  }
0x83: {  	v4 =	vsub.s32 v4, v2  }
0x84: {  	[tilespmem:v5+s20+$0x0] =	vst.idx.msk vm0, v4  }
0x85: {  	v4 =	vld [tilespmem:s6+$0x80];
	_ =	sdelay $0x1  }
0x86: {  	s30 =	spop (v2sf)  }
0x87: {  	s14 =	sadd.s32 s3, s30  }
0x88: {  	p0 =	slt.s32 s14, $0x1E01  }
0x89: {  	[tilespmem:v5+s21+$0x0] =	vst.idx.msk vm0, v4;
	s3 =	sadd.s32 @!p0 $0x7F, s14  }
0x8a: {  	v4 =	vld [tilespmem:s6+$0x100];
	s6 =	sand.u32 @!p0 $0x7F, s3  }
0x8b: {  	p1 =	slt.s32 @!p0 s3, $0x0;
	p2 =	sne.s32 @!p0 s6, $0x0  }
0x8c: {  	s6 =	sshra.s32 @!p0 s3, $0x1F;
	p1 =	por @!p0 !p1, !p2  }
0x8d: {  	s6 =	sshrl.u32 @!p0 s6, $0x19;
	p1 =	por @!p0 !p1, !p1  }
0x8e: {  	s3 =	sadd.s32 @!p0 s6, s3;
	s6 =	simm.s32 @!p0 $0x1;
	p1 =	por !p1, p0  }
0x8f: {  	[tilespmem:v5+s22+$0x0] =	vst.idx.msk vm0, v4;
	v4 =	vimm.f32 @!p0 $0.0e+00;
	s3 =	sshra.s32 @!p0 s3, $0x7;
	s6 =	simm.s32 @p1 $0x0  }
0x90: {  	[tilespmem:s14+$0x5100] =	vst @!p0 v4;
	s3 =	ssub.s32 @!p0 s3, s6  }
0x91: {  	[tilespmem:s14+$0x5110] =	vst @!p0 v4;
	p1 =	slt.s32 @!p0 s3, $0x1  }
0x92: {  	[tilespmem:s14+$0x5120] =	vst @!p0 v4;
	p1 =	por p0, p1  }
.Ltmp9:
0x93: {  	[tilespmem:s14+$0x5130] =	vst @!p0 v4;
	(pc) =	sbr.rel @p1 .LBB2_13-.Ltmp9, $4  }
0x94: {  	[tilespmem:s14+$0x5140] =	vst @!p0 v4  }
0x95: {  	[tilespmem:s14+$0x5150] =	vst @!p0 v4  }
0x96: {  	[tilespmem:s14+$0x5160] =	vst @!p0 v4;
	s6 =	simm.s32 @!p0 $0x0  }
0x97: {  	[tilespmem:s14+$0x5170] =	vst @!p0 v4;
	s7 =	smov.u32 s6  }
.LBB2_10:
0x98: {  	s8 =	sshll.u32 s7, $0x7  }
0x99: {  	v4 =	vld [tilespmem:s8+$0x3080];
	_ =	sdelay $0x4  }
0x9a: {  	[tilespmem:$0x7280] =	vst v4  }
0x9b: {  	v4 =	vld [tilespmem:s8+$0x1000];
	_ =	sdelay $0x4  }
0x9c: {  	[tilespmem:$0x7200] =	vst v4  }
0x9d: {  	v4 =	vld [tilespmem:s8+$0x3090];
	_ =	sdelay $0x4  }
0x9e: {  	[tilespmem:$0x7290] =	vst v4  }
0x9f: {  	v4 =	vld [tilespmem:s8+$0x1010];
	_ =	sdelay $0x4  }
0xa0: {  	[tilespmem:$0x7210] =	vst v4  }
0xa1: {  	v4 =	vld [tilespmem:s8+$0x30A0];
	_ =	sdelay $0x4  }
0xa2: {  	[tilespmem:$0x72A0] =	vst v4  }
0xa3: {  	v4 =	vld [tilespmem:s8+$0x1020];
	_ =	sdelay $0x4  }
0xa4: {  	[tilespmem:$0x7220] =	vst v4  }
0xa5: {  	v4 =	vld [tilespmem:s8+$0x30B0];
	_ =	sdelay $0x4  }
0xa6: {  	[tilespmem:$0x72B0] =	vst v4  }
0xa7: {  	v4 =	vld [tilespmem:s8+$0x1030];
	_ =	sdelay $0x4  }
0xa8: {  	[tilespmem:$0x7230] =	vst v4  }
0xa9: {  	v4 =	vld [tilespmem:s8+$0x30C0];
	_ =	sdelay $0x4  }
0xaa: {  	[tilespmem:$0x72C0] =	vst v4  }
0xab: {  	v4 =	vld [tilespmem:s8+$0x1040];
	_ =	sdelay $0x4  }
0xac: {  	[tilespmem:$0x7240] =	vst v4  }
0xad: {  	v4 =	vld [tilespmem:s8+$0x30D0];
	_ =	sdelay $0x4  }
0xae: {  	[tilespmem:$0x72D0] =	vst v4  }
0xaf: {  	v4 =	vld [tilespmem:s8+$0x1050];
	_ =	sdelay $0x4  }
0xb0: {  	[tilespmem:$0x7250] =	vst v4  }
0xb1: {  	v4 =	vld [tilespmem:s8+$0x30E0];
	_ =	sdelay $0x4  }
0xb2: {  	[tilespmem:$0x72E0] =	vst v4  }
0xb3: {  	v4 =	vld [tilespmem:s8+$0x1060];
	_ =	sdelay $0x4  }
0xb4: {  	[tilespmem:$0x7260] =	vst v4  }
0xb5: {  	v4 =	vld [tilespmem:s8+$0x30F0];
	_ =	sdelay $0x4  }
0xb6: {  	[tilespmem:$0x72F0] =	vst v4  }
0xb7: {  	v4 =	vld [tilespmem:s8+$0x1070]  }
0xb8: {  	s11 =	sadd.s32 $0xFFFFFFFC, s6  }
0xb9: {  	s29 =	sadd.s32 $0x4, s11  }
0xba: {  	v5 =	vmov s29  }
0xbb: {  	v5 =	vand.u32 $0xFFFFFFFC, v5  }
0xbc: {  	[tilespmem:$0x7270] =	vst v4;
	v4 =	vbroadcast v5, $0x0  }
0xbd: {  	[tilespmem:s25], [sflag:$0x3] =	stream.indirect.gather [hbm4b:s5+s23], $0x80, s24, s23, $0xb8;
	[tilespmem:$0x1D300] =	vst v63  }
0xbe: {  	_ =	swait.ge [sflag:s17], $0x4000  }
0xbf: {  	[sflag:s17] =	ssyncset.done $0x0  }
0xc0: {  	s8 =	simm.s32 $0x7400;
	[sflag:s17] =	ssyncadd.s32 $0xFFFFC000  }
0xc1: {  	v5 =	vld [tilespmem:s8+$0xFFFFFF70]  }
0xc2: {  	v4 =	vld.idx.msk [tilespmem:v4+s22+$0x0], $0xffff  }
0xc3: {  	v6 =	vld [tilespmem:s8+$0xFFFFFF00]  }
0xc4: {  	v7 =	vld [tilespmem:s8+$0xFFFFFF20]  }
0xc5: {  	v8 =	vld [tilespmem:s8+$0xFFFFFF50]  }
0xc6: {  	v9 =	vld [tilespmem:s8+$0xFFFFFF40]  }
0xc7: {  	v10 =	vld [tilespmem:s8+$0xFFFFFF60];
	v5 =	vmul.f32 v5, v4  }
0xc8: {  	s10 =	sadd.s32 $0x5, s11;
	v11 =	vld [tilespmem:s8+$0xFFFFFF30];
	v6 =	vmul.f32 v6, v4  }
0xc9: {  	v12 =	vmov s10;
	v13 =	vld [tilespmem:s8+$0xFFFFFF10];
	v7 =	vmul.f32 v7, v4;
	[tilespmem:s8+$0xFFFFFF70] =	vst v5  }
0xca: {  	v8 =	vmul.f32 v8, v4;
	v5 =	vand.u32 $0xFFFFFFFD, v12;
	[tilespmem:s8+$0xFFFFFF00] =	vst v6  }
0xcb: {  	v6 =	vmul.f32 v9, v4;
	[tilespmem:s8+$0xFFFFFF20] =	vst v7;
	v5 =	vbroadcast v5, $0x0  }
0xcc: {  	v7 =	vmul.f32 v10, v4;
	[tilespmem:s8+$0xFFFFFF50] =	vst v8  }
0xcd: {  	v8 =	vmul.f32 v11, v4;
	[tilespmem:s8+$0xFFFFFF40] =	vst v6  }
0xce: {  	v4 =	vmul.f32 v13, v4;
	[tilespmem:s8+$0xFFFFFF60] =	vst v7  }
0xcf: {  	[tilespmem:s8+$0xFFFFFF30] =	vst v8  }
0xd0: {  	[tilespmem:s8+$0xFFFFFF10] =	vst v4;
	v4 =	vld [tilespmem:s8+$0xFFFFFF90]  }
0xd1: {  	v6 =	vld.idx.msk [tilespmem:v5+s22+$0x0], $0xffff  }
0xd2: {  	v5 =	vld [tilespmem:s8+$0xFFFFFFA0]  }
0xd3: {  	v7 =	vld [tilespmem:s8+$0xFFFFFF80]  }
0xd4: {  	v8 =	vld [tilespmem:s8+$0xFFFFFFB0]  }
0xd5: {  	v9 =	vld [tilespmem:s8+$0xFFFFFFC0]  }
0xd6: {  	v10 =	vld [tilespmem:s8+$0xFFFFFFD0];
	v4 =	vmul.f32 v4, v6  }
0xd7: {  	s30 =	sadd.s32 $0x6, s11;
	v11 =	vld [tilespmem:s8+$0xFFFFFFF0];
	v5 =	vmul.f32 v5, v6  }
0xd8: {  	v62 =	vmov s30;
	v63 =	vld [tilespmem:s8+$0xFFFFFFE0];
	v7 =	vmul.f32 v7, v6;
	[tilespmem:s8+$0xFFFFFF90] =	vst v4  }
0xd9: {  	v8 =	vmul.f32 v8, v6;
	v4 =	vand.u32 $0xFFFFFFFE, v62;
	[tilespmem:s8+$0xFFFFFFA0] =	vst v5  }
0xda: {  	v5 =	vmul.f32 v9, v6;
	[tilespmem:s8+$0xFFFFFF80] =	vst v7;
	v12 =	vbroadcast v4, $0x0  }
0xdb: {  	v7 =	vmul.f32 v10, v6;
	[tilespmem:s8+$0xFFFFFFB0] =	vst v8;
	v9 =	vld [tilespmem:s8+$0x60]  }
0xdc: {  	v8 =	vmul.f32 v11, v6;
	v10 =	vld [tilespmem:s8+$0x0];
	[tilespmem:s8+$0xFFFFFFC0] =	vst v5  }
0xdd: {  	v6 =	vmul.f32 v63, v6;
	v4 =	vld [tilespmem:s8+$0x20];
	[tilespmem:s8+$0xFFFFFFD0] =	vst v7  }
0xde: {  	v5 =	vld [tilespmem:s8+$0x30];
	[tilespmem:s8+$0xFFFFFFF0] =	vst v8  }
0xdf: {  	v7 =	vld [tilespmem:s8+$0x40];
	[tilespmem:s8+$0xFFFFFFE0] =	vst v6  }
0xe0: {  	v6 =	vld.idx.msk [tilespmem:v12+s22+$0x0], $0xffff  }
0xe1: {  	s15 =	sadd.s32 $0x7, s11;
	s11 =	simm.s32 $0x7400;
	s10 =	simm.s32 $0x0;
	v8 =	vld [tilespmem:s8+$0x10]  }
.LBB2_11:
0xe2: {  	v11 =	vld [tilespmem:s8+$0x50];
	s11 =	sadd.s32 $0x200, s11;
	s16 =	smov.u32 s10;
	s10 =	sadd.s32 $0x4, s10  }
0xe3: {  	p0 =	slt.u32 s10, $0x7C;
	v12 =	vld [tilespmem:s8+$0x70];
	_ =	sdelay $0x1  }
0xe4: {  	v9 =	vmul.f32 v9, v6;
	v10 =	vmul.f32 v10, v6  }
0xe5: {  	v7 =	vmul.f32 v7, v6;
	v8 =	vmul.f32 v8, v6  }
0xe6: {  	v4 =	vmul.f32 v4, v6;
	v5 =	vmul.f32 v5, v6;
	[tilespmem:s8+$0x60] =	vst v9  }
0xe7: {  	[tilespmem:s8+$0x40] =	vst v7;
	v7 =	vmul.f32 v11, v6;
	v6 =	vmul.f32 v12, v6  }
0xe8: {  	[tilespmem:s8+$0x20] =	vst v4;
	v9 =	vld [tilespmem:s8+$0x80]  }
0xe9: {  	v4 =	vld [tilespmem:s11+$0x20];
	[tilespmem:s8+$0x0] =	vst v10;
	v10 =	vmov s15  }
0xea: {  	[tilespmem:s8+$0x50] =	vst v7;
	v7 =	vld [tilespmem:s8+$0xE0]  }
0xeb: {  	[tilespmem:s8+$0x30] =	vst v5;
	v11 =	vld [tilespmem:s8+$0xC0]  }
0xec: {  	v5 =	vld [tilespmem:s11+$0x30];
	[tilespmem:s8+$0x10] =	vst v8  }
0xed: {  	[tilespmem:s8+$0x70] =	vst v6;
	v6 =	vld [tilespmem:s8+$0xA0]  }
0xee: {  	v8 =	vld.idx.msk [tilespmem:v10+s22+$0x0], $0xffff  }
0xef: {  	v10 =	vld [tilespmem:s8+$0x90]  }
0xf0: {  	v12 =	vld [tilespmem:s8+$0xB0]  }
0xf1: {  	v13 =	vld [tilespmem:s8+$0xD0]  }
0xf2: {  	v14 =	vld [tilespmem:s8+$0xF0];
	_ =	sdelay $0x1  }
0xf3: {  	s15 =	sadd.s32 s16, s6;
	v9 =	vmul.f32 v9, v8;
	v10 =	vmul.f32 v10, v8  }
0xf4: {  	s16 =	sadd.s32 $0x4, s15;
	s30 =	sadd.s32 $0x5, s15;
	s29 =	sadd.s32 $0x6, s15;
	v6 =	vmul.f32 v6, v8;
	v12 =	vmul.f32 v12, v8  }
0xf5: {  	s15 =	sadd.s32 $0x7, s15;
	v15 =	vmov s16;
	[tilespmem:s8+$0x80] =	vst v9;
	v9 =	vmul.f32 v11, v8;
	v11 =	vmul.f32 v13, v8  }
0xf6: {  	v13 =	vand.u32 $0xFFFFFFFC, v15;
	[tilespmem:s8+$0xA0] =	vst v6;
	v6 =	vmul.f32 v7, v8;
	v7 =	vmul.f32 v14, v8  }
0xf7: {  	v8 =	vbroadcast v13, $0x0;
	v13 =	vmov s30;
	v14 =	vmov s29;
	[tilespmem:s8+$0xC0] =	vst v9  }
0xf8: {  	v9 =	vand.u32 $0xFFFFFFFD, v13;
	v13 =	vand.u32 $0xFFFFFFFE, v14;
	[tilespmem:s8+$0xF0] =	vst v7  }
0xf9: {  	v7 =	vld [tilespmem:s11+$0xFFFFFF40];
	[tilespmem:s8+$0xE0] =	vst v6  }
0xfa: {  	v6 =	vld [tilespmem:s11+$0xFFFFFF50];
	[tilespmem:s8+$0x90] =	vst v10  }
0xfb: {  	v10 =	vld [tilespmem:s11+$0xFFFFFF60];
	[tilespmem:s8+$0xB0] =	vst v12  }
0xfc: {  	v12 =	vld [tilespmem:s11+$0xFFFFFF70];
	[tilespmem:s8+$0xD0] =	vst v11;
	s8 =	smov.u32 s11  }
0xfd: {  	v8 =	vld.idx.msk [tilespmem:v8+s22+$0x0], $0xffff  }
0xfe: {  	v11 =	vld [tilespmem:s11+$0xFFFFFF00]  }
0xff: {  	v14 =	vld [tilespmem:s11+$0xFFFFFF20]  }
0x100: {  	v15 =	vld [tilespmem:s11+$0xFFFFFF10]  }
0x101: {  	v16 =	vld [tilespmem:s11+$0xFFFFFF30];
	_ =	sdelay $0x1  }
0x102: {  	v12 =	vmul.f32 v12, v8;
	v11 =	vmul.f32 v11, v8  }
0x103: {  	v10 =	vmul.f32 v10, v8;
	v14 =	vmul.f32 v14, v8  }
0x104: {  	v6 =	vmul.f32 v6, v8;
	v15 =	vmul.f32 v15, v8;
	[tilespmem:s11+$0xFFFFFF70] =	vst v12  }
0x105: {  	v7 =	vmul.f32 v7, v8;
	[tilespmem:s11+$0xFFFFFF00] =	vst v11;
	v11 =	vmul.f32 v16, v8  }
0x106: {  	v8 =	vbroadcast v9, $0x0;
	[tilespmem:s11+$0xFFFFFF20] =	vst v14  }
0x107: {  	[tilespmem:s11+$0xFFFFFF50] =	vst v6  }
0x108: {  	[tilespmem:s11+$0xFFFFFF40] =	vst v7;
	v6 =	vld [tilespmem:s11+$0xFFFFFFF0]  }
0x109: {  	[tilespmem:s11+$0xFFFFFF60] =	vst v10;
	v7 =	vld [tilespmem:s11+$0xFFFFFFC0]  }
0x10a: {  	[tilespmem:s11+$0xFFFFFF30] =	vst v11;
	v9 =	vld [tilespmem:s11+$0xFFFFFFD0]  }
0x10b: {  	[tilespmem:s11+$0xFFFFFF10] =	vst v15;
	v10 =	vld [tilespmem:s11+$0xFFFFFF90]  }
0x10c: {  	v8 =	vld.idx.msk [tilespmem:v8+s22+$0x0], $0xffff  }
0x10d: {  	v11 =	vld [tilespmem:s11+$0xFFFFFF80]  }
0x10e: {  	v12 =	vld [tilespmem:s11+$0xFFFFFFA0]  }
0x10f: {  	v14 =	vld [tilespmem:s11+$0xFFFFFFB0]  }
0x110: {  	v15 =	vld [tilespmem:s11+$0xFFFFFFE0];
	_ =	sdelay $0x1  }
0x111: {  	v10 =	vmul.f32 v10, v8;
	v11 =	vmul.f32 v11, v8  }
0x112: {  	v9 =	vmul.f32 v9, v8;
	v12 =	vmul.f32 v12, v8  }
0x113: {  	v7 =	vmul.f32 v7, v8;
	[tilespmem:s11+$0xFFFFFF90] =	vst v10;
	v10 =	vmul.f32 v14, v8  }
0x114: {  	v6 =	vmul.f32 v6, v8;
	[tilespmem:s11+$0xFFFFFFA0] =	vst v12;
	v12 =	vmul.f32 v15, v8  }
0x115: {  	v8 =	vbroadcast v13, $0x0;
	[tilespmem:s11+$0xFFFFFF80] =	vst v11  }
0x116: {  	[tilespmem:s11+$0xFFFFFFB0] =	vst v10  }
0x117: {  	[tilespmem:s11+$0xFFFFFFC0] =	vst v7  }
0x118: {  	[tilespmem:s11+$0xFFFFFFD0] =	vst v9  }
.Ltmp10:
0x119: {  	[tilespmem:s11+$0xFFFFFFF0] =	vst v6;
	v7 =	vld [tilespmem:s11+$0x40];
	(pc) =	sbr.rel @p0 .LBB2_11-.Ltmp10, $4  }
0x11a: {  	[tilespmem:s11+$0xFFFFFFE0] =	vst v12;
	v9 =	vld [tilespmem:s11+$0x60]  }
0x11b: {  	v6 =	vld.idx.msk [tilespmem:v8+s22+$0x0], $0xffff  }
0x11c: {  	v10 =	vld [tilespmem:s11+$0x0]  }
0x11d: {  	v8 =	vld [tilespmem:s11+$0x10]  }
0x11e: {  	_ =	sdelay $0x1  }
0x11f: {  	v9 =	vmul.f32 v9, v6  }
0x120: {  	v11 =	vld [tilespmem:s8+$0x50];
	v7 =	vmul.f32 v7, v6  }
0x121: {  	v12 =	vld [tilespmem:s8+$0x70];
	v4 =	vmul.f32 v4, v6;
	[tilespmem:s8+$0x60] =	vst v9  }
0x122: {  	v50 =	vmul.f32 v10, v6;
	[tilespmem:s8+$0x40] =	vst v7  }
0x123: {  	[tilespmem:s8+$0x20] =	vst v4;
	v4 =	vmul.f32 v5, v6  }
0x124: {  	v52 =	vmov s15;
	v8 =	vmul.f32 v8, v6;
	[tilespmem:s8+$0x0] =	vst v50  }
0x125: {  	v51 =	vmul.f32 v11, v6;
	[tilespmem:s8+$0x30] =	vst v4  }
0x126: {  	v53 =	vmul.f32 v12, v6;
	[tilespmem:s8+$0x10] =	vst v8  }
0x127: {  	[tilespmem:s8+$0x50] =	vst v51  }
0x128: {  	v5 =	vld [tilespmem:s8+$0x80];
	[tilespmem:s8+$0x70] =	vst v53  }
0x129: {  	v4 =	vld.idx.msk [tilespmem:v52+s22+$0x0], $0xffff  }
0x12a: {  	v54 =	vld [tilespmem:s8+$0xA0]  }
0x12b: {  	v56 =	vld [tilespmem:s8+$0xF0]  }
0x12c: {  	v57 =	vld [tilespmem:s8+$0xE0]  }
0x12d: {  	v55 =	vld [tilespmem:s8+$0xC0]  }
0x12e: {  	v59 =	vld [tilespmem:s8+$0xB0];
	v5 =	vmul.f32 v5, v4  }
0x12f: {  	v58 =	vld [tilespmem:s8+$0x90];
	v6 =	vmul.f32 v54, v4  }
0x130: {  	v60 =	vld [tilespmem:s8+$0xD0];
	v61 =	vmul.f32 v56, v4;
	[tilespmem:s8+$0x80] =	vst v5  }
0x131: {  	v62 =	vmul.f32 v57, v4;
	[tilespmem:s8+$0xA0] =	vst v6  }
0x132: {  	v5 =	vmul.f32 v55, v4;
	[tilespmem:s8+$0xF0] =	vst v61  }
0x133: {  	v63 =	vmul.f32 v59, v4;
	[tilespmem:s8+$0xE0] =	vst v62  }
0x134: {  	[tilespmem:s8+$0xC0] =	vst v5;
	v5 =	vmul.f32 v58, v4  }
0x135: {  	s7 =	sadd.s32 $0x1, s7;
	[tilespmem:s8+$0xB0] =	vst v63;
	v4 =	vmul.f32 v60, v4  }
0x136: {  	p0 =	sne.s32 s7, s3;
	[tilespmem:s8+$0x90] =	vst v5  }
.Ltmp11:
0x137: {  	[tilespmem:s8+$0xD0] =	vst v4;
	(pc) =	sbr.rel @p0 .LBB2_10-.Ltmp11, $4  }
0x138: {  	[spmem:s2] =	stream.indirect.scatter.add.f32 [tilespmem:s25], [sflag:$0x3], $0x80, s26, s23, $0xb8;
	[tilespmem:$0x1D300] =	vst v63  }
0x139: {  	_ =	swait.ge [sflag:s17], $0x4000  }
0x13a: {  	[sflag:s17] =	ssyncset.done $0x0  }
0x13b: {  	s6 =	sadd.s32 $0x80, s6;
	[sflag:s17] =	ssyncadd.s32 $0xFFFFC000  }
.LBB2_13:
0x13c: {  	s3 =	smin.u32 s4, $0x46  }
0x13d: {  	s3 =	sadd.s32 s3, s13  }
0x13e: {  	s3 =	sshll.u32 s3, $0x8  }
0x13f: {  	s29 =	simm.s32 $0x0;
	s3 =	sadd.s32 s1, s3  }
0x140: {  	[tilespmem:s29], [sflag:$0x1] =	stream.linear.gather [hbm4b:s3+s29], $0x800, $0x38;
	[tilespmem:$0x1D300] =	vst v63  }
0x141: {  	_ =	swait.ge [sflag:s28], $0x800  }
0x142: {  	s30 =	sand.u32 $0x70, s29;
	s4 =	sand.u32 $0x600, s29;
	[sflag:s28] =	ssyncset.done $0x0  }
0x143: {  	s3 =	sor.u32 s30, s4;
	[sflag:s28] =	ssyncadd.s32 $0xFFFFF800  }
0x144: {  	v5 =	vld [tilespmem:s3+$0x800];
	_ =	sdelay $0x4  }
0x145: {  	vm0 =	vge.s32 v5, v2;
	vm1 =	vlt.s32 v5, v3  }
0x146: {  	vm0 =	vmand vm0, vm1  }
0x147: {  	v4 =	vsel vm0, $0x1, v0  }
0x148: {  	(xrf0) =	vadd.scan.msk.s32 $0xffff, v4;
	_ =	sdelay $0x1  }
0x149: {  	p0 =	sgt.s32 s14, $0x1E00  }
0x14a: {  	s14 =	simm.s32 @p0 $0x0  }
0x14b: {  	v6 =	vmov s14  }
0x14c: {  	v6 =	vadd.s32 $0xFFFFFFFF, v6  }
0x14d: {  	v6 =	vbroadcast v6, $0x0;
	v4, _, _ =	vpop (xrf0)  }
0x14e: {  	(v2sf) =	vpush v4, $0xF  }
0x14f: {  	v4 =	vadd.s32 v4, v6;
	_ =	sdelay $0x3  }
0x150: {  	v5 =	vsub.s32 v5, v2  }
0x151: {  	[tilespmem:v4+s20+$0x0] =	vst.idx.msk vm0, v5  }
0x152: {  	v5 =	vld [tilespmem:s3+$0x880];
	_ =	sdelay $0x4  }
0x153: {  	[tilespmem:v4+s21+$0x0] =	vst.idx.msk vm0, v5  }
0x154: {  	v5 =	vld [tilespmem:s3+$0x900]  }
0x155: {  	s7 =	simm.s32 $0x10  }
0x156: {  	s6 =	simm.s32 $0x40;
	s7 =	sand.u32 $0x70, s7;
	s10 =	spop (v2sf)  }
0x157: {  	s8 =	sand.u32 $0x600, s6;
	s4 =	simm.s32 $0x20;
	s3 =	sadd.s32 s14, s10  }
.LBB2_14:
0x158: {  	p0 =	sne.s32 s4, $0x1F0  }
0x159: {  	s7 =	sor.u32 s7, s8;
	[tilespmem:v4+s22+$0x0] =	vst.idx.msk vm0, v5;
	s8 =	smov.u32 s4;
	s4 =	sadd.s32 $0x10, s4  }
0x15a: {  	v5 =	vld [tilespmem:s7+$0x800];
	_ =	sdelay $0x4  }
0x15b: {  	vm0 =	vge.s32 v5, v2;
	vm1 =	vlt.s32 v5, v3  }
0x15c: {  	vm0 =	vmand vm0, vm1  }
0x15d: {  	v4 =	vsel vm0, $0x1, v0  }
0x15e: {  	(xrf0) =	vadd.scan.msk.s32 $0xffff, v4;
	_ =	sdelay $0x2  }
0x15f: {  	v4 =	vmov s3  }
0x160: {  	v4 =	vadd.s32 $0xFFFFFFFF, v4  }
0x161: {  	v4 =	vbroadcast v4, $0x0  }
0x162: {  	v6, _, _ =	vpop (xrf0)  }
0x163: {  	v4 =	vadd.s32 v6, v4;
	(v2sf) =	vpush v6, $0xF;
	_ =	sdelay $0x3  }
0x164: {  	v5 =	vsub.s32 v5, v2  }
0x165: {  	[tilespmem:v4+s20+$0x0] =	vst.idx.msk vm0, v5  }
0x166: {  	v5 =	vld [tilespmem:s7+$0x880];
	_ =	sdelay $0x4  }
0x167: {  	[tilespmem:v4+s21+$0x0] =	vst.idx.msk vm0, v5  }
.Ltmp12:
0x168: {  	v5 =	vld [tilespmem:s7+$0x900];
	(pc) =	sbr.rel @p0 .LBB2_14-.Ltmp12, $3  }
0x169: {  	_ =	sdelay $0x1  }
0x16a: {  	s6 =	sadd.s32 $0x40, s6;
	s10 =	spop (v2sf)  }
0x16b: {  	s7 =	sand.u32 $0x70, s8;
	s8 =	sand.u32 $0x600, s6;
	s3 =	sadd.s32 s3, s10  }
0x16c: {  	_ =	sdelay $0x4  }
0x16d: {  	s4 =	sor.u32 s7, s8;
	[tilespmem:v4+s22+$0x0] =	vst.idx.msk vm0, v5  }
0x16e: {  	v4 =	vld [tilespmem:s4+$0x800];
	_ =	sdelay $0x4  }
0x16f: {  	vm15 =	vge.s32 v4, v2;
	vm1 =	vlt.s32 v4, v3  }
0x170: {  	vm0 =	vmand vm15, vm1  }
0x171: {  	v5 =	vsel vm0, $0x1, v0  }
0x172: {  	(xrf0) =	vadd.scan.msk.s32 $0xffff, v5;
	_ =	sdelay $0x5  }
0x173: {  	v6, _, _ =	vpop (xrf0)  }
0x174: {  	(v2sf) =	vpush v6, $0xF;
	_ =	sdelay $0x2  }
0x175: {  	v5 =	vmov s3  }
0x176: {  	v5 =	vadd.s32 $0xFFFFFFFF, v5  }
0x177: {  	v5 =	vbroadcast v5, $0x0;
	_ =	sdelay $0x1  }
0x178: {  	v5 =	vadd.s32 v6, v5;
	_ =	sdelay $0x3  }
0x179: {  	v4 =	vsub.s32 v4, v2  }
0x17a: {  	[tilespmem:v5+s20+$0x0] =	vst.idx.msk vm0, v4  }
0x17b: {  	v4 =	vld [tilespmem:s4+$0x880];
	_ =	sdelay $0x1  }
0x17c: {  	s30 =	spop (v2sf)  }
0x17d: {  	s14 =	sadd.s32 s3, s30  }
0x17e: {  	p0 =	slt.s32 s14, $0x1E01  }
0x17f: {  	[tilespmem:v5+s21+$0x0] =	vst.idx.msk vm0, v4;
	s3 =	sadd.s32 @!p0 $0x7F, s14  }
0x180: {  	v4 =	vld [tilespmem:s4+$0x900];
	s4 =	sand.u32 @!p0 $0x7F, s3  }
0x181: {  	p1 =	slt.s32 @!p0 s3, $0x0;
	p2 =	sne.s32 @!p0 s4, $0x0  }
0x182: {  	s4 =	sshra.s32 @!p0 s3, $0x1F;
	p1 =	por @!p0 !p1, !p2  }
0x183: {  	s4 =	sshrl.u32 @!p0 s4, $0x19;
	p1 =	por @!p0 !p1, !p1  }
0x184: {  	s3 =	sadd.s32 @!p0 s4, s3;
	s4 =	simm.s32 @!p0 $0x1;
	p1 =	por !p1, p0  }
0x185: {  	[tilespmem:v5+s22+$0x0] =	vst.idx.msk vm0, v4;
	v4 =	vimm.f32 @!p0 $0.0e+00;
	s3 =	sshra.s32 @!p0 s3, $0x7;
	s4 =	simm.s32 @p1 $0x0  }
0x186: {  	[tilespmem:s14+$0x5100] =	vst @!p0 v4;
	s3 =	ssub.s32 @!p0 s3, s4  }
0x187: {  	[tilespmem:s14+$0x5110] =	vst @!p0 v4;
	p1 =	slt.s32 @!p0 s3, $0x1  }
0x188: {  	[tilespmem:s14+$0x5120] =	vst @!p0 v4;
	p1 =	por p0, p1  }
.Ltmp13:
0x189: {  	[tilespmem:s14+$0x5130] =	vst @!p0 v4;
	(pc) =	sbr.rel @p1 .LBB2_19-.Ltmp13, $4  }
0x18a: {  	[tilespmem:s14+$0x5140] =	vst @!p0 v4  }
0x18b: {  	[tilespmem:s14+$0x5150] =	vst @!p0 v4  }
0x18c: {  	[tilespmem:s14+$0x5160] =	vst @!p0 v4;
	s4 =	simm.s32 @!p0 $0x0  }
0x18d: {  	[tilespmem:s14+$0x5170] =	vst @!p0 v4;
	s6 =	smov.u32 s4  }
.LBB2_16:
0x18e: {  	s7 =	sshll.u32 s6, $0x7  }
0x18f: {  	v4 =	vld [tilespmem:s7+$0x3080];
	_ =	sdelay $0x4  }
0x190: {  	[tilespmem:$0x7280] =	vst v4  }
0x191: {  	v4 =	vld [tilespmem:s7+$0x1000];
	_ =	sdelay $0x4  }
0x192: {  	[tilespmem:$0x7200] =	vst v4  }
0x193: {  	v4 =	vld [tilespmem:s7+$0x3090];
	_ =	sdelay $0x4  }
0x194: {  	[tilespmem:$0x7290] =	vst v4  }
0x195: {  	v4 =	vld [tilespmem:s7+$0x1010];
	_ =	sdelay $0x4  }
0x196: {  	[tilespmem:$0x7210] =	vst v4  }
0x197: {  	v4 =	vld [tilespmem:s7+$0x30A0];
	_ =	sdelay $0x4  }
0x198: {  	[tilespmem:$0x72A0] =	vst v4  }
0x199: {  	v4 =	vld [tilespmem:s7+$0x1020];
	_ =	sdelay $0x4  }
0x19a: {  	[tilespmem:$0x7220] =	vst v4  }
0x19b: {  	v4 =	vld [tilespmem:s7+$0x30B0];
	_ =	sdelay $0x4  }
0x19c: {  	[tilespmem:$0x72B0] =	vst v4  }
0x19d: {  	v4 =	vld [tilespmem:s7+$0x1030];
	_ =	sdelay $0x4  }
0x19e: {  	[tilespmem:$0x7230] =	vst v4  }
0x19f: {  	v4 =	vld [tilespmem:s7+$0x30C0];
	_ =	sdelay $0x4  }
0x1a0: {  	[tilespmem:$0x72C0] =	vst v4  }
0x1a1: {  	v4 =	vld [tilespmem:s7+$0x1040];
	_ =	sdelay $0x4  }
0x1a2: {  	[tilespmem:$0x7240] =	vst v4  }
0x1a3: {  	v4 =	vld [tilespmem:s7+$0x30D0];
	_ =	sdelay $0x4  }
0x1a4: {  	[tilespmem:$0x72D0] =	vst v4  }
0x1a5: {  	v4 =	vld [tilespmem:s7+$0x1050];
	_ =	sdelay $0x4  }
0x1a6: {  	[tilespmem:$0x7250] =	vst v4  }
0x1a7: {  	v4 =	vld [tilespmem:s7+$0x30E0];
	_ =	sdelay $0x4  }
0x1a8: {  	[tilespmem:$0x72E0] =	vst v4  }
0x1a9: {  	v4 =	vld [tilespmem:s7+$0x1060];
	_ =	sdelay $0x4  }
0x1aa: {  	[tilespmem:$0x7260] =	vst v4  }
0x1ab: {  	v4 =	vld [tilespmem:s7+$0x30F0];
	_ =	sdelay $0x4  }
0x1ac: {  	[tilespmem:$0x72F0] =	vst v4  }
0x1ad: {  	v4 =	vld [tilespmem:s7+$0x1070]  }
0x1ae: {  	s10 =	sadd.s32 $0xFFFFFFFC, s4  }
0x1af: {  	s29 =	sadd.s32 $0x4, s10  }
0x1b0: {  	v5 =	vmov s29  }
0x1b1: {  	v5 =	vand.u32 $0xFFFFFFFC, v5  }
0x1b2: {  	[tilespmem:$0x7270] =	vst v4;
	v4 =	vbroadcast v5, $0x0  }
0x1b3: {  	[tilespmem:s25], [sflag:$0x3] =	stream.indirect.gather [hbm4b:s5+s23], $0x80, s24, s23, $0xb8;
	[tilespmem:$0x1D300] =	vst v63  }
0x1b4: {  	_ =	swait.ge [sflag:s17], $0x4000  }
0x1b5: {  	[sflag:s17] =	ssyncset.done $0x0  }
0x1b6: {  	s7 =	simm.s32 $0x7400;
	[sflag:s17] =	ssyncadd.s32 $0xFFFFC000  }
0x1b7: {  	v5 =	vld [tilespmem:s7+$0xFFFFFF70]  }
0x1b8: {  	v4 =	vld.idx.msk [tilespmem:v4+s22+$0x0], $0xffff  }
0x1b9: {  	v6 =	vld [tilespmem:s7+$0xFFFFFF00]  }
0x1ba: {  	v7 =	vld [tilespmem:s7+$0xFFFFFF20]  }
0x1bb: {  	v8 =	vld [tilespmem:s7+$0xFFFFFF50]  }
0x1bc: {  	v9 =	vld [tilespmem:s7+$0xFFFFFF40]  }
0x1bd: {  	v10 =	vld [tilespmem:s7+$0xFFFFFF60];
	v5 =	vmul.f32 v5, v4  }
0x1be: {  	s8 =	sadd.s32 $0x5, s10;
	v11 =	vld [tilespmem:s7+$0xFFFFFF30];
	v6 =	vmul.f32 v6, v4  }
0x1bf: {  	v12 =	vmov s8;
	v13 =	vld [tilespmem:s7+$0xFFFFFF10];
	v7 =	vmul.f32 v7, v4;
	[tilespmem:s7+$0xFFFFFF70] =	vst v5  }
0x1c0: {  	v8 =	vmul.f32 v8, v4;
	v5 =	vand.u32 $0xFFFFFFFD, v12;
	[tilespmem:s7+$0xFFFFFF00] =	vst v6  }
0x1c1: {  	v6 =	vmul.f32 v9, v4;
	[tilespmem:s7+$0xFFFFFF20] =	vst v7;
	v5 =	vbroadcast v5, $0x0  }
0x1c2: {  	v7 =	vmul.f32 v10, v4;
	[tilespmem:s7+$0xFFFFFF50] =	vst v8  }
0x1c3: {  	v8 =	vmul.f32 v11, v4;
	[tilespmem:s7+$0xFFFFFF40] =	vst v6  }
0x1c4: {  	v4 =	vmul.f32 v13, v4;
	[tilespmem:s7+$0xFFFFFF60] =	vst v7  }
0x1c5: {  	[tilespmem:s7+$0xFFFFFF30] =	vst v8  }
0x1c6: {  	[tilespmem:s7+$0xFFFFFF10] =	vst v4;
	v4 =	vld [tilespmem:s7+$0xFFFFFF90]  }
0x1c7: {  	v6 =	vld.idx.msk [tilespmem:v5+s22+$0x0], $0xffff  }
0x1c8: {  	v5 =	vld [tilespmem:s7+$0xFFFFFFA0]  }
0x1c9: {  	v7 =	vld [tilespmem:s7+$0xFFFFFF80]  }
0x1ca: {  	v8 =	vld [tilespmem:s7+$0xFFFFFFB0]  }
0x1cb: {  	v9 =	vld [tilespmem:s7+$0xFFFFFFC0]  }
0x1cc: {  	v10 =	vld [tilespmem:s7+$0xFFFFFFD0];
	v4 =	vmul.f32 v4, v6  }
0x1cd: {  	s30 =	sadd.s32 $0x6, s10;
	v11 =	vld [tilespmem:s7+$0xFFFFFFF0];
	v5 =	vmul.f32 v5, v6  }
0x1ce: {  	v62 =	vmov s30;
	v63 =	vld [tilespmem:s7+$0xFFFFFFE0];
	v7 =	vmul.f32 v7, v6;
	[tilespmem:s7+$0xFFFFFF90] =	vst v4  }
0x1cf: {  	v8 =	vmul.f32 v8, v6;
	v4 =	vand.u32 $0xFFFFFFFE, v62;
	[tilespmem:s7+$0xFFFFFFA0] =	vst v5  }
0x1d0: {  	v5 =	vmul.f32 v9, v6;
	[tilespmem:s7+$0xFFFFFF80] =	vst v7;
	v12 =	vbroadcast v4, $0x0  }
0x1d1: {  	v7 =	vmul.f32 v10, v6;
	[tilespmem:s7+$0xFFFFFFB0] =	vst v8;
	v9 =	vld [tilespmem:s7+$0x60]  }
0x1d2: {  	v8 =	vmul.f32 v11, v6;
	v10 =	vld [tilespmem:s7+$0x0];
	[tilespmem:s7+$0xFFFFFFC0] =	vst v5  }
0x1d3: {  	v6 =	vmul.f32 v63, v6;
	v4 =	vld [tilespmem:s7+$0x20];
	[tilespmem:s7+$0xFFFFFFD0] =	vst v7  }
0x1d4: {  	v5 =	vld [tilespmem:s7+$0x30];
	[tilespmem:s7+$0xFFFFFFF0] =	vst v8  }
0x1d5: {  	v7 =	vld [tilespmem:s7+$0x40];
	[tilespmem:s7+$0xFFFFFFE0] =	vst v6  }
0x1d6: {  	v6 =	vld.idx.msk [tilespmem:v12+s22+$0x0], $0xffff  }
0x1d7: {  	s11 =	sadd.s32 $0x7, s10;
	s10 =	simm.s32 $0x7400;
	s8 =	simm.s32 $0x0;
	v8 =	vld [tilespmem:s7+$0x10]  }
.LBB2_17:
0x1d8: {  	v11 =	vld [tilespmem:s7+$0x50];
	s10 =	sadd.s32 $0x200, s10;
	s15 =	smov.u32 s8;
	s8 =	sadd.s32 $0x4, s8  }
0x1d9: {  	p0 =	slt.u32 s8, $0x7C;
	v12 =	vld [tilespmem:s7+$0x70];
	_ =	sdelay $0x1  }
0x1da: {  	v9 =	vmul.f32 v9, v6;
	v10 =	vmul.f32 v10, v6  }
0x1db: {  	v7 =	vmul.f32 v7, v6;
	v8 =	vmul.f32 v8, v6  }
0x1dc: {  	v4 =	vmul.f32 v4, v6;
	v5 =	vmul.f32 v5, v6;
	[tilespmem:s7+$0x60] =	vst v9  }
0x1dd: {  	[tilespmem:s7+$0x40] =	vst v7;
	v7 =	vmul.f32 v11, v6;
	v6 =	vmul.f32 v12, v6  }
0x1de: {  	[tilespmem:s7+$0x20] =	vst v4;
	v9 =	vld [tilespmem:s7+$0x80]  }
0x1df: {  	v4 =	vld [tilespmem:s10+$0x20];
	[tilespmem:s7+$0x0] =	vst v10;
	v10 =	vmov s11  }
0x1e0: {  	[tilespmem:s7+$0x50] =	vst v7;
	v7 =	vld [tilespmem:s7+$0xE0]  }
0x1e1: {  	[tilespmem:s7+$0x30] =	vst v5;
	v11 =	vld [tilespmem:s7+$0xC0]  }
0x1e2: {  	v5 =	vld [tilespmem:s10+$0x30];
	[tilespmem:s7+$0x10] =	vst v8  }
0x1e3: {  	[tilespmem:s7+$0x70] =	vst v6;
	v6 =	vld [tilespmem:s7+$0xA0]  }
0x1e4: {  	v8 =	vld.idx.msk [tilespmem:v10+s22+$0x0], $0xffff  }
0x1e5: {  	v10 =	vld [tilespmem:s7+$0x90]  }
0x1e6: {  	v12 =	vld [tilespmem:s7+$0xB0]  }
0x1e7: {  	v13 =	vld [tilespmem:s7+$0xD0]  }
0x1e8: {  	v14 =	vld [tilespmem:s7+$0xF0];
	_ =	sdelay $0x1  }
0x1e9: {  	s11 =	sadd.s32 s15, s4;
	v9 =	vmul.f32 v9, v8;
	v10 =	vmul.f32 v10, v8  }
0x1ea: {  	s15 =	sadd.s32 $0x4, s11;
	s16 =	sadd.s32 $0x5, s11;
	s29 =	sadd.s32 $0x6, s11;
	v6 =	vmul.f32 v6, v8;
	v12 =	vmul.f32 v12, v8  }
0x1eb: {  	s11 =	sadd.s32 $0x7, s11;
	v15 =	vmov s15;
	[tilespmem:s7+$0x80] =	vst v9;
	v9 =	vmul.f32 v11, v8;
	v11 =	vmul.f32 v13, v8  }
0x1ec: {  	v13 =	vand.u32 $0xFFFFFFFC, v15;
	[tilespmem:s7+$0xA0] =	vst v6;
	v6 =	vmul.f32 v7, v8;
	v7 =	vmul.f32 v14, v8  }
0x1ed: {  	v8 =	vbroadcast v13, $0x0;
	v13 =	vmov s16;
	v14 =	vmov s29;
	[tilespmem:s7+$0xC0] =	vst v9  }
0x1ee: {  	v9 =	vand.u32 $0xFFFFFFFD, v13;
	v13 =	vand.u32 $0xFFFFFFFE, v14;
	[tilespmem:s7+$0xF0] =	vst v7  }
0x1ef: {  	v7 =	vld [tilespmem:s10+$0xFFFFFF40];
	[tilespmem:s7+$0xE0] =	vst v6  }
0x1f0: {  	v6 =	vld [tilespmem:s10+$0xFFFFFF50];
	[tilespmem:s7+$0x90] =	vst v10  }
0x1f1: {  	v10 =	vld [tilespmem:s10+$0xFFFFFF60];
	[tilespmem:s7+$0xB0] =	vst v12  }
0x1f2: {  	v12 =	vld [tilespmem:s10+$0xFFFFFF70];
	[tilespmem:s7+$0xD0] =	vst v11;
	s7 =	smov.u32 s10  }
0x1f3: {  	v8 =	vld.idx.msk [tilespmem:v8+s22+$0x0], $0xffff  }
0x1f4: {  	v11 =	vld [tilespmem:s10+$0xFFFFFF00]  }
0x1f5: {  	v14 =	vld [tilespmem:s10+$0xFFFFFF20]  }
0x1f6: {  	v15 =	vld [tilespmem:s10+$0xFFFFFF10]  }
0x1f7: {  	v16 =	vld [tilespmem:s10+$0xFFFFFF30];
	_ =	sdelay $0x1  }
0x1f8: {  	v12 =	vmul.f32 v12, v8;
	v11 =	vmul.f32 v11, v8  }
0x1f9: {  	v10 =	vmul.f32 v10, v8;
	v14 =	vmul.f32 v14, v8  }
0x1fa: {  	v6 =	vmul.f32 v6, v8;
	v15 =	vmul.f32 v15, v8;
	[tilespmem:s10+$0xFFFFFF70] =	vst v12  }
0x1fb: {  	v7 =	vmul.f32 v7, v8;
	[tilespmem:s10+$0xFFFFFF00] =	vst v11;
	v11 =	vmul.f32 v16, v8  }
0x1fc: {  	v8 =	vbroadcast v9, $0x0;
	[tilespmem:s10+$0xFFFFFF20] =	vst v14  }
0x1fd: {  	[tilespmem:s10+$0xFFFFFF50] =	vst v6  }
0x1fe: {  	[tilespmem:s10+$0xFFFFFF40] =	vst v7;
	v6 =	vld [tilespmem:s10+$0xFFFFFFF0]  }
0x1ff: {  	[tilespmem:s10+$0xFFFFFF60] =	vst v10;
	v7 =	vld [tilespmem:s10+$0xFFFFFFC0]  }
0x200: {  	[tilespmem:s10+$0xFFFFFF30] =	vst v11;
	v9 =	vld [tilespmem:s10+$0xFFFFFFD0]  }
0x201: {  	[tilespmem:s10+$0xFFFFFF10] =	vst v15;
	v10 =	vld [tilespmem:s10+$0xFFFFFF90]  }
0x202: {  	v8 =	vld.idx.msk [tilespmem:v8+s22+$0x0], $0xffff  }
0x203: {  	v11 =	vld [tilespmem:s10+$0xFFFFFF80]  }
0x204: {  	v12 =	vld [tilespmem:s10+$0xFFFFFFA0]  }
0x205: {  	v14 =	vld [tilespmem:s10+$0xFFFFFFB0]  }
0x206: {  	v15 =	vld [tilespmem:s10+$0xFFFFFFE0];
	_ =	sdelay $0x1  }
0x207: {  	v10 =	vmul.f32 v10, v8;
	v11 =	vmul.f32 v11, v8  }
0x208: {  	v9 =	vmul.f32 v9, v8;
	v12 =	vmul.f32 v12, v8  }
0x209: {  	v7 =	vmul.f32 v7, v8;
	[tilespmem:s10+$0xFFFFFF90] =	vst v10;
	v10 =	vmul.f32 v14, v8  }
0x20a: {  	v6 =	vmul.f32 v6, v8;
	[tilespmem:s10+$0xFFFFFFA0] =	vst v12;
	v12 =	vmul.f32 v15, v8  }
0x20b: {  	v8 =	vbroadcast v13, $0x0;
	[tilespmem:s10+$0xFFFFFF80] =	vst v11  }
0x20c: {  	[tilespmem:s10+$0xFFFFFFB0] =	vst v10  }
0x20d: {  	[tilespmem:s10+$0xFFFFFFC0] =	vst v7  }
0x20e: {  	[tilespmem:s10+$0xFFFFFFD0] =	vst v9  }
.Ltmp14:
0x20f: {  	[tilespmem:s10+$0xFFFFFFF0] =	vst v6;
	v7 =	vld [tilespmem:s10+$0x40];
	(pc) =	sbr.rel @p0 .LBB2_17-.Ltmp14, $4  }
0x210: {  	[tilespmem:s10+$0xFFFFFFE0] =	vst v12;
	v9 =	vld [tilespmem:s10+$0x60]  }
0x211: {  	v6 =	vld.idx.msk [tilespmem:v8+s22+$0x0], $0xffff  }
0x212: {  	v10 =	vld [tilespmem:s10+$0x0]  }
0x213: {  	v8 =	vld [tilespmem:s10+$0x10]  }
0x214: {  	_ =	sdelay $0x1  }
0x215: {  	v9 =	vmul.f32 v9, v6  }
0x216: {  	v11 =	vld [tilespmem:s7+$0x50];
	v7 =	vmul.f32 v7, v6  }
0x217: {  	v12 =	vld [tilespmem:s7+$0x70];
	v4 =	vmul.f32 v4, v6;
	[tilespmem:s7+$0x60] =	vst v9  }
0x218: {  	v50 =	vmul.f32 v10, v6;
	[tilespmem:s7+$0x40] =	vst v7  }
0x219: {  	[tilespmem:s7+$0x20] =	vst v4;
	v4 =	vmul.f32 v5, v6  }
0x21a: {  	v52 =	vmov s11;
	v8 =	vmul.f32 v8, v6;
	[tilespmem:s7+$0x0] =	vst v50  }
0x21b: {  	v51 =	vmul.f32 v11, v6;
	[tilespmem:s7+$0x30] =	vst v4  }
0x21c: {  	v53 =	vmul.f32 v12, v6;
	[tilespmem:s7+$0x10] =	vst v8  }
0x21d: {  	[tilespmem:s7+$0x50] =	vst v51  }
0x21e: {  	v5 =	vld [tilespmem:s7+$0x80];
	[tilespmem:s7+$0x70] =	vst v53  }
0x21f: {  	v4 =	vld.idx.msk [tilespmem:v52+s22+$0x0], $0xffff  }
0x220: {  	v54 =	vld [tilespmem:s7+$0xA0]  }
0x221: {  	v56 =	vld [tilespmem:s7+$0xF0]  }
0x222: {  	v57 =	vld [tilespmem:s7+$0xE0]  }
0x223: {  	v55 =	vld [tilespmem:s7+$0xC0]  }
0x224: {  	v59 =	vld [tilespmem:s7+$0xB0];
	v5 =	vmul.f32 v5, v4  }
0x225: {  	v58 =	vld [tilespmem:s7+$0x90];
	v6 =	vmul.f32 v54, v4  }
0x226: {  	v60 =	vld [tilespmem:s7+$0xD0];
	v61 =	vmul.f32 v56, v4;
	[tilespmem:s7+$0x80] =	vst v5  }
0x227: {  	v62 =	vmul.f32 v57, v4;
	[tilespmem:s7+$0xA0] =	vst v6  }
0x228: {  	v5 =	vmul.f32 v55, v4;
	[tilespmem:s7+$0xF0] =	vst v61  }
0x229: {  	v63 =	vmul.f32 v59, v4;
	[tilespmem:s7+$0xE0] =	vst v62  }
0x22a: {  	[tilespmem:s7+$0xC0] =	vst v5;
	v5 =	vmul.f32 v58, v4  }
0x22b: {  	[tilespmem:s7+$0xB0] =	vst v63;
	v4 =	vmul.f32 v60, v4  }
0x22c: {  	s6 =	sadd.s32 $0x1, s6;
	[tilespmem:s7+$0x90] =	vst v5  }
0x22d: {  	p0 =	sne.s32 s6, s3;
	[tilespmem:s7+$0xD0] =	vst v4  }
0x22e: {  	[spmem:s2] =	stream.indirect.scatter.add.f32 [tilespmem:s25], [sflag:$0x3], $0x80, s26, s23, $0xb8;
	[tilespmem:$0x1D300] =	vst v63  }
.Ltmp15:
0x22f: {  	_ = 	snop;
	(pc) =	sbr.rel @p0 .LBB2_16-.Ltmp15, $4  }
.Ltmp16:
0x230: {  	_ = 	snop;
	(pc) =	sbr.rel @!p0 .LBB2_19-.Ltmp16, $4  }
0x231: {  	_ =	swait.ge [sflag:s17], $0x4000  }
0x232: {  	[sflag:s17] =	ssyncset.done $0x0  }
0x233: {  	s4 =	sadd.s32 $0x80, s4;
	[sflag:s17] =	ssyncadd.s32 $0xFFFFC000  }
0x234: {  	_ = 	snop  }
.LBB2_20:
0x235: {  	p0 =	slt.s32 s14, $0x1  }
0x236: {  	s0 =	sadd.s32 @!p0 $0x7F, s14  }
0x237: {  	s3 =	sand.u32 @!p0 $0x7F, s0  }
0x238: {  	p1 =	slt.s32 @!p0 s0, $0x0;
	p2 =	sne.s32 @!p0 s3, $0x0  }
0x239: {  	_ =	swait.ge [sflag:s19], $0x800;
	s3 =	sshra.s32 @!p0 s0, $0x1F;
	p1 =	por @!p0 !p1, !p2  }
0x23a: {  	[sflag:s19] =	ssyncset.done $0x0;
	s3 =	sshrl.u32 @!p0 s3, $0x19;
	p1 =	por @!p0 !p1, !p1  }
0x23b: {  	s0 =	sadd.s32 @!p0 s3, s0;
	s3 =	simm.s32 @!p0 $0x1;
	p1 =	por !p1, p0  }
0x23c: {  	v2 =	vimm.f32 @!p0 $0.0e+00;
	[sflag:s19] =	ssyncadd.s32 $0xFFFFF800;
	s0 =	sshra.s32 @!p0 s0, $0x7;
	s3 =	simm.s32 @p1 $0x0  }
0x23d: {  	[tilespmem:s14+$0x5100] =	vst @!p0 v2;
	s0 =	ssub.s32 @!p0 s0, s3  }
0x23e: {  	[tilespmem:s14+$0x5110] =	vst @!p0 v2;
	p1 =	slt.s32 @!p0 s0, $0x1  }
0x23f: {  	[tilespmem:s14+$0x5120] =	vst @!p0 v2;
	p1 =	por p0, p1  }
.Ltmp17:
0x240: {  	[tilespmem:s14+$0x5130] =	vst @!p0 v2;
	(pc) =	sbr.rel @p1 .LBB2_24-.Ltmp17, $4  }
0x241: {  	[tilespmem:s14+$0x5140] =	vst @!p0 v2  }
0x242: {  	[tilespmem:s14+$0x5150] =	vst @!p0 v2  }
0x243: {  	[tilespmem:s14+$0x5160] =	vst @!p0 v2;
	s3 =	simm.s32 @!p0 $0x0  }
0x244: {  	[tilespmem:s14+$0x5170] =	vst @!p0 v2;
	s4 =	smov.u32 s3  }
.LBB2_21:
0x245: {  	s6 =	sshll.u32 s4, $0x7  }
0x246: {  	v2 =	vld [tilespmem:s6+$0x3080];
	_ =	sdelay $0x4  }
0x247: {  	[tilespmem:$0x7280] =	vst v2  }
0x248: {  	v2 =	vld [tilespmem:s6+$0x1000];
	_ =	sdelay $0x4  }
0x249: {  	[tilespmem:$0x7200] =	vst v2  }
0x24a: {  	v2 =	vld [tilespmem:s6+$0x3090];
	_ =	sdelay $0x4  }
0x24b: {  	[tilespmem:$0x7290] =	vst v2  }
0x24c: {  	v2 =	vld [tilespmem:s6+$0x1010];
	_ =	sdelay $0x4  }
0x24d: {  	[tilespmem:$0x7210] =	vst v2  }
0x24e: {  	v2 =	vld [tilespmem:s6+$0x30A0];
	_ =	sdelay $0x4  }
0x24f: {  	[tilespmem:$0x72A0] =	vst v2  }
0x250: {  	v2 =	vld [tilespmem:s6+$0x1020];
	_ =	sdelay $0x4  }
0x251: {  	[tilespmem:$0x7220] =	vst v2  }
0x252: {  	v2 =	vld [tilespmem:s6+$0x30B0];
	_ =	sdelay $0x4  }
0x253: {  	[tilespmem:$0x72B0] =	vst v2  }
0x254: {  	v2 =	vld [tilespmem:s6+$0x1030];
	_ =	sdelay $0x4  }
0x255: {  	[tilespmem:$0x7230] =	vst v2  }
0x256: {  	v2 =	vld [tilespmem:s6+$0x30C0];
	_ =	sdelay $0x4  }
0x257: {  	[tilespmem:$0x72C0] =	vst v2  }
0x258: {  	v2 =	vld [tilespmem:s6+$0x1040];
	_ =	sdelay $0x4  }
0x259: {  	[tilespmem:$0x7240] =	vst v2  }
0x25a: {  	v2 =	vld [tilespmem:s6+$0x30D0];
	_ =	sdelay $0x4  }
0x25b: {  	[tilespmem:$0x72D0] =	vst v2  }
0x25c: {  	v2 =	vld [tilespmem:s6+$0x1050];
	_ =	sdelay $0x4  }
0x25d: {  	[tilespmem:$0x7250] =	vst v2  }
0x25e: {  	v2 =	vld [tilespmem:s6+$0x30E0];
	_ =	sdelay $0x4  }
0x25f: {  	[tilespmem:$0x72E0] =	vst v2  }
0x260: {  	v2 =	vld [tilespmem:s6+$0x1060];
	_ =	sdelay $0x4  }
0x261: {  	[tilespmem:$0x7260] =	vst v2  }
0x262: {  	v2 =	vld [tilespmem:s6+$0x30F0];
	_ =	sdelay $0x4  }
0x263: {  	[tilespmem:$0x72F0] =	vst v2  }
0x264: {  	v2 =	vld [tilespmem:s6+$0x1070]  }
0x265: {  	s8 =	sadd.s32 $0xFFFFFFFC, s3  }
0x266: {  	s29 =	sadd.s32 $0x4, s8  }
0x267: {  	v3 =	vmov s29  }
0x268: {  	v3 =	vand.u32 $0xFFFFFFFC, v3  }
0x269: {  	[tilespmem:$0x7270] =	vst v2;
	v2 =	vbroadcast v3, $0x0  }
0x26a: {  	[tilespmem:s25], [sflag:$0x3] =	stream.indirect.gather [hbm4b:s5+s23], $0x80, s24, s23, $0xb8;
	[tilespmem:$0x1D300] =	vst v63  }
0x26b: {  	_ =	swait.ge [sflag:s17], $0x4000  }
0x26c: {  	[sflag:s17] =	ssyncset.done $0x0  }
0x26d: {  	s6 =	simm.s32 $0x7400;
	[sflag:s17] =	ssyncadd.s32 $0xFFFFC000  }
0x26e: {  	v3 =	vld [tilespmem:s6+$0xFFFFFF70]  }
0x26f: {  	v2 =	vld.idx.msk [tilespmem:v2+s22+$0x0], $0xffff  }
0x270: {  	v4 =	vld [tilespmem:s6+$0xFFFFFF00]  }
0x271: {  	v5 =	vld [tilespmem:s6+$0xFFFFFF20]  }
0x272: {  	v6 =	vld [tilespmem:s6+$0xFFFFFF50]  }
0x273: {  	v7 =	vld [tilespmem:s6+$0xFFFFFF40]  }
0x274: {  	v8 =	vld [tilespmem:s6+$0xFFFFFF60];
	v3 =	vmul.f32 v3, v2  }
0x275: {  	s7 =	sadd.s32 $0x5, s8;
	v9 =	vld [tilespmem:s6+$0xFFFFFF30];
	v4 =	vmul.f32 v4, v2  }
0x276: {  	v10 =	vmov s7;
	v11 =	vld [tilespmem:s6+$0xFFFFFF10];
	v5 =	vmul.f32 v5, v2;
	[tilespmem:s6+$0xFFFFFF70] =	vst v3  }
0x277: {  	v6 =	vmul.f32 v6, v2;
	v3 =	vand.u32 $0xFFFFFFFD, v10;
	[tilespmem:s6+$0xFFFFFF00] =	vst v4  }
0x278: {  	v4 =	vmul.f32 v7, v2;
	[tilespmem:s6+$0xFFFFFF20] =	vst v5;
	v3 =	vbroadcast v3, $0x0  }
0x279: {  	v5 =	vmul.f32 v8, v2;
	[tilespmem:s6+$0xFFFFFF50] =	vst v6  }
0x27a: {  	v6 =	vmul.f32 v9, v2;
	[tilespmem:s6+$0xFFFFFF40] =	vst v4  }
0x27b: {  	v2 =	vmul.f32 v11, v2;
	[tilespmem:s6+$0xFFFFFF60] =	vst v5  }
0x27c: {  	[tilespmem:s6+$0xFFFFFF30] =	vst v6  }
0x27d: {  	[tilespmem:s6+$0xFFFFFF10] =	vst v2;
	v2 =	vld [tilespmem:s6+$0xFFFFFF90]  }
0x27e: {  	v4 =	vld.idx.msk [tilespmem:v3+s22+$0x0], $0xffff  }
0x27f: {  	v3 =	vld [tilespmem:s6+$0xFFFFFFA0]  }
0x280: {  	v5 =	vld [tilespmem:s6+$0xFFFFFF80]  }
0x281: {  	v6 =	vld [tilespmem:s6+$0xFFFFFFB0]  }
0x282: {  	v7 =	vld [tilespmem:s6+$0xFFFFFFC0]  }
0x283: {  	v8 =	vld [tilespmem:s6+$0xFFFFFFD0];
	v2 =	vmul.f32 v2, v4  }
0x284: {  	s30 =	sadd.s32 $0x6, s8;
	v9 =	vld [tilespmem:s6+$0xFFFFFFF0];
	v3 =	vmul.f32 v3, v4  }
0x285: {  	v10 =	vmov s30;
	v11 =	vld [tilespmem:s6+$0xFFFFFFE0];
	v5 =	vmul.f32 v5, v4;
	[tilespmem:s6+$0xFFFFFF90] =	vst v2  }
0x286: {  	v6 =	vmul.f32 v6, v4;
	v2 =	vand.u32 $0xFFFFFFFE, v10;
	[tilespmem:s6+$0xFFFFFFA0] =	vst v3  }
0x287: {  	v3 =	vmul.f32 v7, v4;
	[tilespmem:s6+$0xFFFFFF80] =	vst v5;
	v10 =	vbroadcast v2, $0x0  }
0x288: {  	v5 =	vmul.f32 v8, v4;
	[tilespmem:s6+$0xFFFFFFB0] =	vst v6;
	v7 =	vld [tilespmem:s6+$0x60]  }
0x289: {  	v6 =	vmul.f32 v9, v4;
	v8 =	vld [tilespmem:s6+$0x0];
	[tilespmem:s6+$0xFFFFFFC0] =	vst v3  }
0x28a: {  	v4 =	vmul.f32 v11, v4;
	v2 =	vld [tilespmem:s6+$0x20];
	[tilespmem:s6+$0xFFFFFFD0] =	vst v5  }
0x28b: {  	v3 =	vld [tilespmem:s6+$0x30];
	[tilespmem:s6+$0xFFFFFFF0] =	vst v6  }
0x28c: {  	v5 =	vld [tilespmem:s6+$0x40];
	[tilespmem:s6+$0xFFFFFFE0] =	vst v4  }
0x28d: {  	v4 =	vld.idx.msk [tilespmem:v10+s22+$0x0], $0xffff  }
0x28e: {  	s10 =	sadd.s32 $0x7, s8;
	s8 =	simm.s32 $0x7400;
	s7 =	simm.s32 $0x0;
	v6 =	vld [tilespmem:s6+$0x10]  }
.LBB2_22:
0x28f: {  	v9 =	vld [tilespmem:s6+$0x50];
	s8 =	sadd.s32 $0x200, s8;
	s11 =	smov.u32 s7;
	s7 =	sadd.s32 $0x4, s7  }
0x290: {  	p0 =	slt.u32 s7, $0x7C;
	v10 =	vld [tilespmem:s6+$0x70];
	_ =	sdelay $0x1  }
0x291: {  	v7 =	vmul.f32 v7, v4;
	v8 =	vmul.f32 v8, v4  }
0x292: {  	v5 =	vmul.f32 v5, v4;
	v6 =	vmul.f32 v6, v4  }
0x293: {  	v2 =	vmul.f32 v2, v4;
	v3 =	vmul.f32 v3, v4;
	[tilespmem:s6+$0x60] =	vst v7  }
0x294: {  	[tilespmem:s6+$0x40] =	vst v5;
	v5 =	vmul.f32 v9, v4;
	v4 =	vmul.f32 v10, v4  }
0x295: {  	[tilespmem:s6+$0x20] =	vst v2;
	v7 =	vld [tilespmem:s6+$0x80]  }
0x296: {  	v2 =	vld [tilespmem:s8+$0x20];
	[tilespmem:s6+$0x0] =	vst v8;
	v8 =	vmov s10  }
0x297: {  	[tilespmem:s6+$0x50] =	vst v5;
	v5 =	vld [tilespmem:s6+$0xE0]  }
0x298: {  	[tilespmem:s6+$0x30] =	vst v3;
	v9 =	vld [tilespmem:s6+$0xC0]  }
0x299: {  	v3 =	vld [tilespmem:s8+$0x30];
	[tilespmem:s6+$0x10] =	vst v6  }
0x29a: {  	[tilespmem:s6+$0x70] =	vst v4;
	v4 =	vld [tilespmem:s6+$0xA0]  }
0x29b: {  	v6 =	vld.idx.msk [tilespmem:v8+s22+$0x0], $0xffff  }
0x29c: {  	v8 =	vld [tilespmem:s6+$0x90]  }
0x29d: {  	v10 =	vld [tilespmem:s6+$0xB0]  }
0x29e: {  	v11 =	vld [tilespmem:s6+$0xD0]  }
0x29f: {  	v12 =	vld [tilespmem:s6+$0xF0];
	_ =	sdelay $0x1  }
0x2a0: {  	s10 =	sadd.s32 s11, s3;
	v7 =	vmul.f32 v7, v6;
	v8 =	vmul.f32 v8, v6  }
0x2a1: {  	s11 =	sadd.s32 $0x4, s10;
	s14 =	sadd.s32 $0x5, s10;
	s15 =	sadd.s32 $0x6, s10;
	v4 =	vmul.f32 v4, v6;
	v10 =	vmul.f32 v10, v6  }
0x2a2: {  	s10 =	sadd.s32 $0x7, s10;
	v13 =	vmov s11;
	[tilespmem:s6+$0x80] =	vst v7;
	v7 =	vmul.f32 v9, v6;
	v9 =	vmul.f32 v11, v6  }
0x2a3: {  	v11 =	vand.u32 $0xFFFFFFFC, v13;
	[tilespmem:s6+$0xA0] =	vst v4;
	v4 =	vmul.f32 v5, v6;
	v5 =	vmul.f32 v12, v6  }
0x2a4: {  	v6 =	vbroadcast v11, $0x0;
	v11 =	vmov s14;
	v12 =	vmov s15;
	[tilespmem:s6+$0xC0] =	vst v7  }
0x2a5: {  	v7 =	vand.u32 $0xFFFFFFFD, v11;
	v11 =	vand.u32 $0xFFFFFFFE, v12;
	[tilespmem:s6+$0xF0] =	vst v5  }
0x2a6: {  	v5 =	vld [tilespmem:s8+$0xFFFFFF40];
	[tilespmem:s6+$0xE0] =	vst v4  }
0x2a7: {  	v4 =	vld [tilespmem:s8+$0xFFFFFF50];
	[tilespmem:s6+$0x90] =	vst v8  }
0x2a8: {  	v8 =	vld [tilespmem:s8+$0xFFFFFF60];
	[tilespmem:s6+$0xB0] =	vst v10  }
0x2a9: {  	v10 =	vld [tilespmem:s8+$0xFFFFFF70];
	[tilespmem:s6+$0xD0] =	vst v9;
	s6 =	smov.u32 s8  }
0x2aa: {  	v6 =	vld.idx.msk [tilespmem:v6+s22+$0x0], $0xffff  }
0x2ab: {  	v9 =	vld [tilespmem:s8+$0xFFFFFF00]  }
0x2ac: {  	v12 =	vld [tilespmem:s8+$0xFFFFFF20]  }
0x2ad: {  	v13 =	vld [tilespmem:s8+$0xFFFFFF10]  }
0x2ae: {  	v14 =	vld [tilespmem:s8+$0xFFFFFF30];
	_ =	sdelay $0x1  }
0x2af: {  	v10 =	vmul.f32 v10, v6;
	v9 =	vmul.f32 v9, v6  }
0x2b0: {  	v8 =	vmul.f32 v8, v6;
	v12 =	vmul.f32 v12, v6  }
0x2b1: {  	v4 =	vmul.f32 v4, v6;
	v13 =	vmul.f32 v13, v6;
	[tilespmem:s8+$0xFFFFFF70] =	vst v10  }
0x2b2: {  	v5 =	vmul.f32 v5, v6;
	[tilespmem:s8+$0xFFFFFF00] =	vst v9;
	v9 =	vmul.f32 v14, v6  }
0x2b3: {  	v6 =	vbroadcast v7, $0x0;
	[tilespmem:s8+$0xFFFFFF20] =	vst v12  }
0x2b4: {  	[tilespmem:s8+$0xFFFFFF50] =	vst v4  }
0x2b5: {  	[tilespmem:s8+$0xFFFFFF40] =	vst v5;
	v4 =	vld [tilespmem:s8+$0xFFFFFFF0]  }
0x2b6: {  	[tilespmem:s8+$0xFFFFFF60] =	vst v8;
	v5 =	vld [tilespmem:s8+$0xFFFFFFC0]  }
0x2b7: {  	[tilespmem:s8+$0xFFFFFF30] =	vst v9;
	v7 =	vld [tilespmem:s8+$0xFFFFFFD0]  }
0x2b8: {  	[tilespmem:s8+$0xFFFFFF10] =	vst v13;
	v8 =	vld [tilespmem:s8+$0xFFFFFF90]  }
0x2b9: {  	v6 =	vld.idx.msk [tilespmem:v6+s22+$0x0], $0xffff  }
0x2ba: {  	v9 =	vld [tilespmem:s8+$0xFFFFFF80]  }
0x2bb: {  	v10 =	vld [tilespmem:s8+$0xFFFFFFA0]  }
0x2bc: {  	v12 =	vld [tilespmem:s8+$0xFFFFFFB0]  }
0x2bd: {  	v13 =	vld [tilespmem:s8+$0xFFFFFFE0];
	_ =	sdelay $0x1  }
0x2be: {  	v8 =	vmul.f32 v8, v6;
	v9 =	vmul.f32 v9, v6  }
0x2bf: {  	v7 =	vmul.f32 v7, v6;
	v10 =	vmul.f32 v10, v6  }
0x2c0: {  	v5 =	vmul.f32 v5, v6;
	[tilespmem:s8+$0xFFFFFF90] =	vst v8;
	v8 =	vmul.f32 v12, v6  }
0x2c1: {  	v4 =	vmul.f32 v4, v6;
	[tilespmem:s8+$0xFFFFFFA0] =	vst v10;
	v10 =	vmul.f32 v13, v6  }
0x2c2: {  	v6 =	vbroadcast v11, $0x0;
	[tilespmem:s8+$0xFFFFFF80] =	vst v9  }
0x2c3: {  	[tilespmem:s8+$0xFFFFFFB0] =	vst v8  }
0x2c4: {  	[tilespmem:s8+$0xFFFFFFC0] =	vst v5  }
0x2c5: {  	[tilespmem:s8+$0xFFFFFFD0] =	vst v7  }
.Ltmp18:
0x2c6: {  	[tilespmem:s8+$0xFFFFFFF0] =	vst v4;
	v5 =	vld [tilespmem:s8+$0x40];
	(pc) =	sbr.rel @p0 .LBB2_22-.Ltmp18, $4  }
0x2c7: {  	[tilespmem:s8+$0xFFFFFFE0] =	vst v10;
	v7 =	vld [tilespmem:s8+$0x60]  }
0x2c8: {  	v4 =	vld.idx.msk [tilespmem:v6+s22+$0x0], $0xffff  }
0x2c9: {  	v8 =	vld [tilespmem:s8+$0x0]  }
0x2ca: {  	v6 =	vld [tilespmem:s8+$0x10]  }
0x2cb: {  	_ =	sdelay $0x1  }
0x2cc: {  	v7 =	vmul.f32 v7, v4  }
0x2cd: {  	v9 =	vld [tilespmem:s6+$0x50];
	v5 =	vmul.f32 v5, v4  }
0x2ce: {  	v10 =	vld [tilespmem:s6+$0x70];
	v2 =	vmul.f32 v2, v4;
	[tilespmem:s6+$0x60] =	vst v7  }
0x2cf: {  	v50 =	vmul.f32 v8, v4;
	[tilespmem:s6+$0x40] =	vst v5  }
0x2d0: {  	[tilespmem:s6+$0x20] =	vst v2;
	v2 =	vmul.f32 v3, v4  }
0x2d1: {  	v52 =	vmov s10;
	v6 =	vmul.f32 v6, v4;
	[tilespmem:s6+$0x0] =	vst v50  }
0x2d2: {  	v51 =	vmul.f32 v9, v4;
	[tilespmem:s6+$0x30] =	vst v2  }
0x2d3: {  	v53 =	vmul.f32 v10, v4;
	[tilespmem:s6+$0x10] =	vst v6  }
0x2d4: {  	[tilespmem:s6+$0x50] =	vst v51  }
0x2d5: {  	v3 =	vld [tilespmem:s6+$0x80];
	[tilespmem:s6+$0x70] =	vst v53  }
0x2d6: {  	v2 =	vld.idx.msk [tilespmem:v52+s22+$0x0], $0xffff  }
0x2d7: {  	v54 =	vld [tilespmem:s6+$0xA0]  }
0x2d8: {  	v56 =	vld [tilespmem:s6+$0xF0]  }
0x2d9: {  	v57 =	vld [tilespmem:s6+$0xE0]  }
0x2da: {  	v55 =	vld [tilespmem:s6+$0xC0]  }
0x2db: {  	v59 =	vld [tilespmem:s6+$0xB0];
	v3 =	vmul.f32 v3, v2  }
0x2dc: {  	v58 =	vld [tilespmem:s6+$0x90];
	v4 =	vmul.f32 v54, v2  }
0x2dd: {  	v60 =	vld [tilespmem:s6+$0xD0];
	v61 =	vmul.f32 v56, v2;
	[tilespmem:s6+$0x80] =	vst v3  }
0x2de: {  	v62 =	vmul.f32 v57, v2;
	[tilespmem:s6+$0xA0] =	vst v4  }
0x2df: {  	v3 =	vmul.f32 v55, v2;
	[tilespmem:s6+$0xF0] =	vst v61  }
0x2e0: {  	v63 =	vmul.f32 v59, v2;
	[tilespmem:s6+$0xE0] =	vst v62  }
0x2e1: {  	[tilespmem:s6+$0xC0] =	vst v3;
	v3 =	vmul.f32 v58, v2  }
0x2e2: {  	[tilespmem:s6+$0xB0] =	vst v63;
	v2 =	vmul.f32 v60, v2  }
0x2e3: {  	s4 =	sadd.s32 $0x1, s4;
	[tilespmem:s6+$0x90] =	vst v3  }
0x2e4: {  	p0 =	sne.s32 s4, s0;
	[tilespmem:s6+$0xD0] =	vst v2  }
0x2e5: {  	[spmem:s2] =	stream.indirect.scatter.add.f32 [tilespmem:s25], [sflag:$0x3], $0x80, s26, s23, $0xb8;
	[tilespmem:$0x1D300] =	vst v63  }
.Ltmp19:
0x2e6: {  	_ = 	snop;
	(pc) =	sbr.rel @p0 .LBB2_21-.Ltmp19, $4  }
.Ltmp20:
0x2e7: {  	_ = 	snop;
	(pc) =	sbr.rel @!p0 .LBB2_24-.Ltmp20, $4  }
0x2e8: {  	_ =	swait.ge [sflag:s17], $0x4000  }
0x2e9: {  	[sflag:s17] =	ssyncset.done $0x0  }
0x2ea: {  	s3 =	sadd.s32 $0x80, s3;
	[sflag:s17] =	ssyncadd.s32 $0xFFFFC000  }
0x2eb: {  	_ = 	snop  }
.LBB2_26:
0x2ec: {  	_ =	sfence.sel $0x180000  }
0x2ed: {  	[bflag:$0x0] =	sbarrier.arrive $0xFFFF  }
0x2ee: {  	_ =	strace $0x90000047  }
0x2ef: {  	s0 =	stileid.u32;
	[bflag:$0x2] =	sbarrier.arrive $0xFFFF  }
0x2f0: {  	p0 =	sne.s32 s0, $0x0;
	s0 =	rddreg [dreg:$0x3]  }
0x2f1: {  	s0 =	sadd.s32 @!p0 $0x100000, s0  }
0x2f2: {  	[sflag:s0] =	ssyncadd.tile.s32 @!p0 $0x1;
	_ =	shalt  }
.Lfunc_end2:
_tile_overlayer_lowered:
.L_overlay_start_2:
0x2f3: {  	(tag) =	ssettag $0x2  }
0x2f4: {  	s0 =	rddreg [dreg:$0x0];
	s2 =	stileid.u32  }
0x2f5: {  	s1 =	rddreg [dreg:$0x1];
	p0 =	sne.s32 s2, $0x0  }
0x2f6: {  	s3 =	rddreg [dreg:$0x2];
	[bflag:$0x3] =	sbarrier.arrive $0xFFFF;
	s2 =	simm.s32 @!p0 $0x1C03  }
0x2f7: {  	[timem:s3], [sflag:s2] =	dma.local @!p0 [hbm:s0], s1  }
0x2f8: {  	s0 =	simm.s32 @!p0 $0x3  }
0x2f9: {  	_ =	swait.ge @!p0 [sflag:s0], s1  }
0x2fa: {  	s1 =	ssub.s32 @!p0 $0x0, s1;
	[sflag:s0] =	ssyncset.done @!p0 $0x0  }
0x2fb: {  	[sflag:s0] =	ssyncadd.s32 @!p0 s1  }
0x2fc: {  	[bflag:$0x3] =	sbarrier.arrive $0xFFFF  }
0x2fd: {  	_ =	shalt  }

</sc_bundles>
